<compile_context>
chip_gen: v7x
topology: tpu7x:2x2x1
jax: 0.10.2.dev20260603
libtpu: 0.0.44.dev20260713+nightly
codegen_flags: <defaults>
</compile_context>

<pallas_src>
import functools

import jax
import jax.numpy as jnp
from jax import lax
from jax.experimental import pallas as pl
from jax.experimental.pallas import tpu as pltpu
from jax.experimental.pallas import tpu_sc as plsc

N = 10000
D = 128
E = 320000
NSUB = 16
M = 10112
TPT = E // NSUB
CH = 128
KCH = M // CH
NCH = 160
PT = NCH * CH
NCHA = 158
BR = 1000
NBLK = N // BR

_sc_mesh = plsc.VectorSubcoreMesh(core_axis_name="c", subcore_axis_name="s")


def _each_chunk(s, fn):
    for j in range(4):
        fn(s + 16 * j)
    q4 = s + 64

    @pl.when(q4 < KCH)
    def _():
        fn(q4)



NGRP = NCH // 4


@functools.partial(
    pl.kernel,
    out_type=jax.ShapeDtypeStruct((4 * M,), jnp.float32),
    mesh=_sc_mesh,
    scratch_types=[
        pltpu.VMEM((NCH, CH), jnp.int32),
        pltpu.VMEM((NCH, CH), jnp.int32),
        pltpu.VMEM((CH,), jnp.float32),
        pltpu.VMEM((CH,), jnp.float32),
        pltpu.VMEM_SHARED((M,), jnp.float32),
        pltpu.VMEM_SHARED((M,), jnp.float32),
        pltpu.SemaphoreType.DMA,
        pltpu.SemaphoreType.DMA,
    ],
)
def _deg_kernel(dsrc2, ddst2, zvec, ones, deg_out,
                sidx2, didx2, zv, ov, out_acc, in_acc, sema, semb):
    c = lax.axis_index("c")
    s = lax.axis_index("s")
    tb = (c * NSUB + s) * NCH
    pltpu.sync_copy(dsrc2.at[pl.ds(tb, NCH)], sidx2)
    pltpu.sync_copy(ddst2.at[pl.ds(tb, NCH)], didx2)
    pltpu.sync_copy(zvec, zv)
    pltpu.sync_copy(ones, ov)

    def _zero(q):
        pltpu.sync_copy(zv, out_acc.at[pl.ds(q * CH, CH)])
        pltpu.sync_copy(zv, in_acc.at[pl.ds(q * CH, CH)])

    _each_chunk(s, _zero)
    plsc.subcore_barrier()

    def _issue(g):
        pltpu.async_copy(ov, out_acc.at[sidx2.at[g]], sema, add=True)
        pltpu.async_copy(ov, in_acc.at[didx2.at[g]], semb, add=True)

    def _drain():
        pltpu.make_async_copy(ov, out_acc.at[sidx2.at[0]], sema).wait()
        pltpu.make_async_copy(ov, in_acc.at[didx2.at[0]], semb).wait()

    for b in range(4):
        _issue(b)

    def gbody(t, carry):
        @pl.when(t < NGRP - 1)
        def _():
            for b in range(4):
                _issue(4 * (t + 1) + b)

        for b in range(4):
            _drain()
        return carry

    lax.fori_loop(0, NGRP, gbody, 0)
    plsc.subcore_barrier()

    def _wb(q):
        pltpu.sync_copy(out_acc.at[pl.ds(q * CH, CH)], zv)
        pltpu.sync_copy(zv, deg_out.at[pl.ds((2 * c) * M + q * CH, CH)])
        pltpu.sync_copy(in_acc.at[pl.ds(q * CH, CH)], zv)
        pltpu.sync_copy(zv, deg_out.at[pl.ds((2 * c + 1) * M + q * CH, CH)])

    _each_chunk(s, _wb)



@functools.partial(
    pl.kernel,
    out_type=jax.ShapeDtypeStruct((2, M, D), jnp.float32),
    mesh=_sc_mesh,
    scratch_types=[
        pltpu.VMEM((CH, D), jnp.float32),
        pltpu.VMEM((CH, D), jnp.float32),
        pltpu.VMEM((CH, D), jnp.float32),
        pltpu.VMEM((CH,), jnp.int32),
        pltpu.VMEM((CH,), jnp.int32),
        pltpu.VMEM((CH,), jnp.int32),
        pltpu.VMEM((CH,), jnp.int32),
        pltpu.VMEM_SHARED((M, D), jnp.float32),
        pltpu.SemaphoreType.DMA,
        pltpu.SemaphoreType.DMA,
    ],
)
def _agg_kernel(table, gsrcf, gdstf, zblk, agg_out,
                zb, rows0, rows1, sidx0, didx0, sidx1, didx1,
                acc, sem0, sem1):
    c = lax.axis_index("c")
    s = lax.axis_index("s")
    pltpu.sync_copy(zblk, zb)
    _each_chunk(s, lambda q: pltpu.sync_copy(zb, acc.at[pl.ds(q * CH, CH)]))
    plsc.subcore_barrier()
    tb = (c * NSUB + s) * PT

    pltpu.sync_copy(gsrcf.at[pl.ds(tb, CH)], sidx0)
    pltpu.sync_copy(gdstf.at[pl.ds(tb, CH)], didx0)
    pltpu.async_copy(table.at[sidx0], rows0, sem0)

    def body(i, carry):
        rb = tb + (2 * i + 1) * CH
        pltpu.sync_copy(gsrcf.at[pl.ds(rb, CH)], sidx1)
        pltpu.sync_copy(gdstf.at[pl.ds(rb, CH)], didx1)
        cp1 = pltpu.async_copy(table.at[sidx1], rows1, sem1)
        pltpu.make_async_copy(table.at[sidx0], rows0, sem0).wait()
        pltpu.sync_copy(rows0, acc.at[didx0], add=True)

        @pl.when(2 * i + 2 < NCHA)
        def _prefetch():
            rn = tb + (2 * i + 2) * CH
            pltpu.sync_copy(gsrcf.at[pl.ds(rn, CH)], sidx0)
            pltpu.sync_copy(gdstf.at[pl.ds(rn, CH)], didx0)
            pltpu.async_copy(table.at[sidx0], rows0, sem0)

        cp1.wait()
        pltpu.sync_copy(rows1, acc.at[didx1], add=True)
        return carry

    lax.fori_loop(0, NCHA // 2, body, 0)
    plsc.subcore_barrier()

    def _wb(q):
        pltpu.sync_copy(acc.at[pl.ds(q * CH, CH)], zb)
        pltpu.sync_copy(zb, agg_out.at[c, pl.ds(q * CH, CH)])

    _each_chunk(s, _wb)



def _rs(x):
    return lax.rsqrt(jnp.maximum(x.astype(jnp.float32), 1.0))


def _mm0_body(h_ref, w_ref, deg_ref, o_ref):
    r = pl.program_id(0)
    d = deg_ref[...]
    sc = _rs(jnp.where(r == 0, d[:, 0], d[:, 2]))
    o_ref[0] = jnp.dot(h_ref[...], w_ref[0],
                       preferred_element_type=jnp.float32) * sc[:, None]


_mm0 = pl.pallas_call(
    _mm0_body,
    grid=(2, NBLK),
    in_specs=[
        pl.BlockSpec((BR, D), lambda r, i: (i, 0)),
        pl.BlockSpec((1, D, D), lambda r, i: (r, 0, 0)),
        pl.BlockSpec((BR, 4), lambda r, i: (i, 0)),
    ],
    out_specs=pl.BlockSpec((1, BR, D), lambda r, i: (r, i, 0)),
    out_shape=jax.ShapeDtypeStruct((2, M, D), jnp.float32),
)


def _mm1_body(af_ref, al_ref, deg_ref, b0_ref, w_ref, o_ref):
    r = pl.program_id(0)
    d = deg_ref[...]
    h0 = (af_ref[0] * _rs(d[:, 1])[:, None] + b0_ref[0][None, :]
          + al_ref[0] * _rs(d[:, 3])[:, None] + b0_ref[1][None, :])
    h0 = jnp.maximum(h0, 0.0)
    sc = _rs(jnp.where(r == 0, d[:, 0], d[:, 2]))
    o_ref[0] = jnp.dot(h0, w_ref[0],
                       preferred_element_type=jnp.float32) * sc[:, None]


_mm1 = pl.pallas_call(
    _mm1_body,
    grid=(2, NBLK),
    in_specs=[
        pl.BlockSpec((1, BR, D), lambda r, i: (0, i, 0)),
        pl.BlockSpec((1, BR, D), lambda r, i: (1, i, 0)),
        pl.BlockSpec((BR, 4), lambda r, i: (i, 0)),
        pl.BlockSpec((2, D), lambda r, i: (0, 0)),
        pl.BlockSpec((1, D, D), lambda r, i: (r, 0, 0)),
    ],
    out_specs=pl.BlockSpec((1, BR, D), lambda r, i: (r, i, 0)),
    out_shape=jax.ShapeDtypeStruct((2, M, D), jnp.float32),
)


def _fin_body(af_ref, al_ref, deg_ref, b1_ref, o_ref):
    d = deg_ref[...]
    o_ref[...] = (af_ref[0] * _rs(d[:, 1])[:, None] + b1_ref[0][None, :]
                  + al_ref[0] * _rs(d[:, 3])[:, None] + b1_ref[1][None, :])


_fin = pl.pallas_call(
    _fin_body,
    grid=(NBLK,),
    in_specs=[
        pl.BlockSpec((1, BR, D), lambda i: (0, i, 0)),
        pl.BlockSpec((1, BR, D), lambda i: (1, i, 0)),
        pl.BlockSpec((BR, 4), lambda i: (i, 0)),
        pl.BlockSpec((2, D), lambda i: (0, 0)),
    ],
    out_specs=pl.BlockSpec((BR, D), lambda i: (i, 0)),
    out_shape=jax.ShapeDtypeStruct((N, D), jnp.float32),
)


def _pad_tiles(x, pad_arr):
    x = x.reshape(NSUB, TPT)
    return jnp.concatenate([x, pad_arr], axis=1).reshape(NSUB * NCH, CH)


def kernel(h, edge_follows, edge_likes,
           W0_f, b0_f, W0_l, b0_l, W1_f, b1_f, W1_l, b1_l):
    sf, df = edge_follows[0], edge_follows[1]
    sl, dl = edge_likes[0], edge_likes[1]
    padw = PT - TPT
    spread = jnp.arange(NSUB * padw, dtype=jnp.int32).reshape(NSUB, padw)
    gpad = spread % N
    dpad = N + spread % (M - N)
    dsrc2 = jnp.concatenate([_pad_tiles(sf, dpad), _pad_tiles(sl, dpad)])
    gsrc2 = jnp.concatenate([_pad_tiles(sf, gpad), _pad_tiles(sl + M, gpad + M)])
    gdst2 = jnp.concatenate([_pad_tiles(df, dpad), _pad_tiles(dl, dpad)])
    zblk = jnp.zeros((CH, D), jnp.float32)
    zvec = jnp.zeros((CH,), jnp.float32)
    ones = jnp.ones((CH,), jnp.float32)

    deg = _deg_kernel(dsrc2, gdst2, zvec, ones).reshape(4, M).T

    w0 = jnp.stack([W0_f, W0_l])
    w1 = jnp.stack([W1_f, W1_l])
    b0 = jnp.stack([b0_f, b0_l])
    b1 = jnp.stack([b1_f, b1_l])

    hw0 = _mm0(h, w0, deg)
    gsrcf = gsrc2.reshape(-1)
    gdstf = gdst2.reshape(-1)
    agg0 = _agg_kernel(hw0.reshape(2 * M, D), gsrcf, gdstf, zblk)
    hw1 = _mm1(agg0, agg0, deg, b0, w1)
    agg1 = _agg_kernel(hw1.reshape(2 * M, D), gsrcf, gdstf, zblk)
    return _fin(agg1, agg1, deg, b1)

# --- scband reference (transcript-rebuilt; emitter-appended) ---
"""Pipeline reference for scband-rgcn-16252156248487 (READ-ONLY COPY).

The authoritative reference and input builder live on the scoring server;
editing this copy changes nothing except your own understanding.
"""

import jax, jax.numpy as jnp
import numpy as np

N = 10000
D = 128
E = 320000


def setup_inputs(seed: int = 0) -> dict:
    key = jax.random.key(seed)
    ks = jax.random.split(key, 12)
    scale = 1.0 / np.sqrt(D)
    inp = {}
    inp["h"] = jax.random.normal(ks[0], (N, D), dtype=jnp.float32)
    inp["edge_follows"] = jax.random.randint(ks[1], (2, E), 0, N, dtype=jnp.int32)
    inp["edge_likes"] = jax.random.randint(ks[2], (2, E), 0, N, dtype=jnp.int32)
    inp["W0_f"] = jax.random.normal(ks[3], (D, D), dtype=jnp.float32) * scale
    inp["b0_f"] = jnp.zeros((D,), dtype=jnp.float32)
    inp["W0_l"] = jax.random.normal(ks[4], (D, D), dtype=jnp.float32) * scale
    inp["b0_l"] = jnp.zeros((D,), dtype=jnp.float32)
    inp["W1_f"] = jax.random.normal(ks[5], (D, D), dtype=jnp.float32) * scale
    inp["b1_f"] = jnp.zeros((D,), dtype=jnp.float32)
    inp["W1_l"] = jax.random.normal(ks[6], (D, D), dtype=jnp.float32) * scale
    inp["b1_l"] = jnp.zeros((D,), dtype=jnp.float32)
    return inp


def _graph_conv(h, edges, W, b):
    # DGL GraphConv with norm='both': h_i = sum_{j->i} 1/sqrt(d_out(j)*d_in(i)) * h_j W + b
    src = edges[0]
    dst = edges[1]
    n = h.shape[0]
    out_deg = jnp.zeros((n,), dtype=jnp.float32).at[src].add(1.0)
    in_deg = jnp.zeros((n,), dtype=jnp.float32).at[dst].add(1.0)
    out_deg = jnp.maximum(out_deg, 1.0)
    in_deg = jnp.maximum(in_deg, 1.0)
    hn = h * jax.lax.rsqrt(out_deg)[:, None]
    hw = hn @ W
    msg = jnp.take(hw, src, axis=0)
    agg = jnp.zeros((n, W.shape[1]), dtype=jnp.float32).at[dst].add(msg)
    agg = agg * jax.lax.rsqrt(in_deg)[:, None]
    return agg + b


def reference(h, edge_follows, edge_likes, W0_f, b0_f, W0_l, b0_l, W1_f, b1_f, W1_l, b1_l):
    # Layer 0: HeteroGraphConv with aggregate='sum' over relations, then ReLU (dropout = identity in eval)
    h0 = _graph_conv(h, edge_follows, W0_f, b0_f) + _graph_conv(h, edge_likes, W0_l, b0_l)
    h0 = jax.nn.relu(h0)
    # Layer 1 (last layer, no activation)
    out = _graph_conv(h0, edge_follows, W1_f, b1_f) + _graph_conv(h0, edge_likes, W1_l, b1_l)
    return out

if __name__ == "__main__":
    import jax
    _d = setup_inputs()
    print(jax.jit(kernel)(*tuple(_d.values())))

</pallas_src>

<mosaic_0001>
#map = affine_map<(d0, d1) -> (0, 0)>
#map1 = affine_map<(d0, d1) -> (0)>
module attributes {stable_mosaic.version = 14 : i64} {
  func.func @_deg_kernel(%arg0: i32, %arg1: i32, %arg2: memref<5120x128xi32, #tpu.memory_space<hbm>>, %arg3: memref<5120x128xi32, #tpu.memory_space<hbm>>, %arg4: memref<128xf32, #tpu.memory_space<hbm>>, %arg5: memref<128xf32, #tpu.memory_space<hbm>>, %arg6: memref<40448xf32, #tpu.memory_space<hbm>>, %arg7: memref<160x128xi32, #tpu.memory_space<vmem>>, %arg8: memref<160x128xi32, #tpu.memory_space<vmem>>, %arg9: memref<128xf32, #tpu.memory_space<vmem>>, %arg10: memref<128xf32, #tpu.memory_space<vmem>>, %arg11: memref<10112xf32, #tpu.memory_space<vmem_shared>>, %arg12: memref<10112xf32, #tpu.memory_space<vmem_shared>>, %arg13: memref<!tpu.dma_semaphore, #tpu.memory_space<semaphore_mem>>, %arg14: memref<!tpu.dma_semaphore, #tpu.memory_space<semaphore_mem>>) attributes {dimension_semantics = [#tpu.dimension_semantics<core_parallel>, #tpu.dimension_semantics<subcore_parallel>], iteration_bounds = array<i64: 2, 16>, scalar_prefetch = 0 : i64, scratch_operands = 8 : i64, tpu.core_type = #tpu.core_type<sc_vector_subcore>, window_params = [{transform_indices = #map}, {transform_indices = #map}, {transform_indices = #map1}, {transform_indices = #map1}, {transform_indices = #map1}]} {
    %mul3A = arith.constant 16 : i32
    %mul3A_0 = arith.muli %arg0, %mul3A : i32
    %add3A = arith.addi %mul3A_0, %arg1 : i32
    %mul3A_1 = arith.constant 160 : i32
    %mul3A_2 = arith.muli %add3A, %mul3A_1 : i32
    "tpu.region"() ({
      %run_scoped3A = tpu.sem_alloc : memref<!tpu.dma_semaphore, #tpu.memory_space<semaphore_mem>>
      %dma_start3A_179 = arith.constant 0 : i32
      %dma_start3A_180 = tpu.memref_slice %arg2[%mul3A_2, %dma_start3A_179] : memref<5120x128xi32, #tpu.memory_space<hbm>> -> memref<160x128xi32, #tpu.memory_space<hbm>>
      %dma_start3A_181 = arith.constant 0 : i32
      %dma_start3A_182 = tpu.memref_slice %arg2[%mul3A_2, %dma_start3A_181] : memref<5120x128xi32, #tpu.memory_space<hbm>> -> memref<160x128xi32, #tpu.memory_space<hbm>>
      tpu.enqueue_dma source(%dma_start3A_182 : memref<160x128xi32, #tpu.memory_space<hbm>>) target(%arg7 : memref<160x128xi32, #tpu.memory_space<vmem>>) target_semaphore(%run_scoped3A : memref<!tpu.dma_semaphore, #tpu.memory_space<semaphore_mem>>)
      %dma_wait3A = arith.constant 0 : i32
      %dma_wait3A_183 = tpu.memref_slice %arg2[%mul3A_2, %dma_wait3A] : memref<5120x128xi32, #tpu.memory_space<hbm>> -> memref<160x128xi32, #tpu.memory_space<hbm>>
      %dma_wait3A_184 = arith.constant 0 : i32
      %dma_wait3A_185 = tpu.memref_slice %arg2[%mul3A_2, %dma_wait3A_184] : memref<5120x128xi32, #tpu.memory_space<hbm>> -> memref<160x128xi32, #tpu.memory_space<hbm>>
      tpu.wait_dma2 semaphore(%run_scoped3A : memref<!tpu.dma_semaphore, #tpu.memory_space<semaphore_mem>>) src(%dma_wait3A_185 : memref<160x128xi32, #tpu.memory_space<hbm>>) dst(%arg7 : memref<160x128xi32, #tpu.memory_space<vmem>>)
      tpu.yield
    }) : () -> ()
    "tpu.region"() ({
      %run_scoped3A = tpu.sem_alloc : memref<!tpu.dma_semaphore, #tpu.memory_space<semaphore_mem>>
      %dma_start3A_179 = arith.constant 0 : i32
      %dma_start3A_180 = tpu.memref_slice %arg3[%mul3A_2, %dma_start3A_179] : memref<5120x128xi32, #tpu.memory_space<hbm>> -> memref<160x128xi32, #tpu.memory_space<hbm>>
      %dma_start3A_181 = arith.constant 0 : i32
      %dma_start3A_182 = tpu.memref_slice %arg3[%mul3A_2, %dma_start3A_181] : memref<5120x128xi32, #tpu.memory_space<hbm>> -> memref<160x128xi32, #tpu.memory_space<hbm>>
      tpu.enqueue_dma source(%dma_start3A_182 : memref<160x128xi32, #tpu.memory_space<hbm>>) target(%arg8 : memref<160x128xi32, #tpu.memory_space<vmem>>) target_semaphore(%run_scoped3A : memref<!tpu.dma_semaphore, #tpu.memory_space<semaphore_mem>>)
      %dma_wait3A = arith.constant 0 : i32
      %dma_wait3A_183 = tpu.memref_slice %arg3[%mul3A_2, %dma_wait3A] : memref<5120x128xi32, #tpu.memory_space<hbm>> -> memref<160x128xi32, #tpu.memory_space<hbm>>
      %dma_wait3A_184 = arith.constant 0 : i32
      %dma_wait3A_185 = tpu.memref_slice %arg3[%mul3A_2, %dma_wait3A_184] : memref<5120x128xi32, #tpu.memory_space<hbm>> -> memref<160x128xi32, #tpu.memory_space<hbm>>
      tpu.wait_dma2 semaphore(%run_scoped3A : memref<!tpu.dma_semaphore, #tpu.memory_space<semaphore_mem>>) src(%dma_wait3A_185 : memref<160x128xi32, #tpu.memory_space<hbm>>) dst(%arg8 : memref<160x128xi32, #tpu.memory_space<vmem>>)
      tpu.yield
    }) : () -> ()
    "tpu.region"() ({
      %run_scoped3A = tpu.sem_alloc : memref<!tpu.dma_semaphore, #tpu.memory_space<semaphore_mem>>
      tpu.enqueue_dma source(%arg4 : memref<128xf32, #tpu.memory_space<hbm>>) target(%arg9 : memref<128xf32, #tpu.memory_space<vmem>>) target_semaphore(%run_scoped3A : memref<!tpu.dma_semaphore, #tpu.memory_space<semaphore_mem>>)
      tpu.wait_dma2 semaphore(%run_scoped3A : memref<!tpu.dma_semaphore, #tpu.memory_space<semaphore_mem>>) src(%arg4 : memref<128xf32, #tpu.memory_space<hbm>>) dst(%arg9 : memref<128xf32, #tpu.memory_space<vmem>>)
      tpu.yield
    }) : () -> ()
    "tpu.region"() ({
      %run_scoped3A = tpu.sem_alloc : memref<!tpu.dma_semaphore, #tpu.memory_space<semaphore_mem>>
      tpu.enqueue_dma source(%arg5 : memref<128xf32, #tpu.memory_space<hbm>>) target(%arg10 : memref<128xf32, #tpu.memory_space<vmem>>) target_semaphore(%run_scoped3A : memref<!tpu.dma_semaphore, #tpu.memory_space<semaphore_mem>>)
      tpu.wait_dma2 semaphore(%run_scoped3A : memref<!tpu.dma_semaphore, #tpu.memory_space<semaphore_mem>>) src(%arg5 : memref<128xf32, #tpu.memory_space<hbm>>) dst(%arg10 : memref<128xf32, #tpu.memory_space<vmem>>)
      tpu.yield
    }) : () -> ()
    %add3A_3 = arith.constant 0 : i32
    %add3A_4 = arith.addi %arg1, %add3A_3 : i32
    %mul3A_5 = arith.constant 128 : i32
    %mul3A_6 = arith.muli %add3A_4, %mul3A_5 : i32
    "tpu.region"() ({
      %run_scoped3A = tpu.sem_alloc : memref<!tpu.dma_semaphore, #tpu.memory_space<semaphore_mem>>
      %dma_start3A_179 = tpu.memref_slice %arg11[%mul3A_6] : memref<10112xf32, #tpu.memory_space<vmem_shared>> -> memref<128xf32, #tpu.memory_space<vmem_shared>>
      %dma_start3A_180 = tpu.memref_slice %arg11[%mul3A_6] : memref<10112xf32, #tpu.memory_space<vmem_shared>> -> memref<128xf32, #tpu.memory_space<vmem_shared>>
      tpu.enqueue_dma source(%arg9 : memref<128xf32, #tpu.memory_space<vmem>>) target(%dma_start3A_180 : memref<128xf32, #tpu.memory_space<vmem_shared>>) target_semaphore(%run_scoped3A : memref<!tpu.dma_semaphore, #tpu.memory_space<semaphore_mem>>)
      %dma_wait3A = tpu.memref_slice %arg11[%mul3A_6] : memref<10112xf32, #tpu.memory_space<vmem_shared>> -> memref<128xf32, #tpu.memory_space<vmem_shared>>
      %dma_wait3A_181 = tpu.memref_slice %arg11[%mul3A_6] : memref<10112xf32, #tpu.memory_space<vmem_shared>> -> memref<128xf32, #tpu.memory_space<vmem_shared>>
      tpu.wait_dma2 semaphore(%run_scoped3A : memref<!tpu.dma_semaphore, #tpu.memory_space<semaphore_mem>>) src(%arg9 : memref<128xf32, #tpu.memory_space<vmem>>) dst(%dma_wait3A_181 : memref<128xf32, #tpu.memory_space<vmem_shared>>)
      tpu.yield
    }) : () -> ()
    %mul3A_7 = arith.constant 128 : i32
    %mul3A_8 = arith.muli %add3A_4, %mul3A_7 : i32
    "tpu.region"() ({
      %run_scoped3A = tpu.sem_alloc : memref<!tpu.dma_semaphore, #tpu.memory_space<semaphore_mem>>
      %dma_start3A_179 = tpu.memref_slice %arg12[%mul3A_8] : memref<10112xf32, #tpu.memory_space<vmem_shared>> -> memref<128xf32, #tpu.memory_space<vmem_shared>>
      %dma_start3A_180 = tpu.memref_slice %arg12[%mul3A_8] : memref<10112xf32, #tpu.memory_space<vmem_shared>> -> memref<128xf32, #tpu.memory_space<vmem_shared>>
      tpu.enqueue_dma source(%arg9 : memref<128xf32, #tpu.memory_space<vmem>>) target(%dma_start3A_180 : memref<128xf32, #tpu.memory_space<vmem_shared>>) target_semaphore(%run_scoped3A : memref<!tpu.dma_semaphore, #tpu.memory_space<semaphore_mem>>)
      %dma_wait3A = tpu.memref_slice %arg12[%mul3A_8] : memref<10112xf32, #tpu.memory_space<vmem_shared>> -> memref<128xf32, #tpu.memory_space<vmem_shared>>
      %dma_wait3A_181 = tpu.memref_slice %arg12[%mul3A_8] : memref<10112xf32, #tpu.memory_space<vmem_shared>> -> memref<128xf32, #tpu.memory_space<vmem_shared>>
      tpu.wait_dma2 semaphore(%run_scoped3A : memref<!tpu.dma_semaphore, #tpu.memory_space<semaphore_mem>>) src(%arg9 : memref<128xf32, #tpu.memory_space<vmem>>) dst(%dma_wait3A_181 : memref<128xf32, #tpu.memory_space<vmem_shared>>)
      tpu.yield
    }) : () -> ()
    %add3A_9 = arith.constant 16 : i32
    %add3A_10 = arith.addi %arg1, %add3A_9 : i32
    %mul3A_11 = arith.constant 128 : i32
    %mul3A_12 = arith.muli %add3A_10, %mul3A_11 : i32
    "tpu.region"() ({
      %run_scoped3A = tpu.sem_alloc : memref<!tpu.dma_semaphore, #tpu.memory_space<semaphore_mem>>
      %dma_start3A_179 = tpu.memref_slice %arg11[%mul3A_12] : memref<10112xf32, #tpu.memory_space<vmem_shared>> -> memref<128xf32, #tpu.memory_space<vmem_shared>>
      %dma_start3A_180 = tpu.memref_slice %arg11[%mul3A_12] : memref<10112xf32, #tpu.memory_space<vmem_shared>> -> memref<128xf32, #tpu.memory_space<vmem_shared>>
      tpu.enqueue_dma source(%arg9 : memref<128xf32, #tpu.memory_space<vmem>>) target(%dma_start3A_180 : memref<128xf32, #tpu.memory_space<vmem_shared>>) target_semaphore(%run_scoped3A : memref<!tpu.dma_semaphore, #tpu.memory_space<semaphore_mem>>)
      %dma_wait3A = tpu.memref_slice %arg11[%mul3A_12] : memref<10112xf32, #tpu.memory_space<vmem_shared>> -> memref<128xf32, #tpu.memory_space<vmem_shared>>
      %dma_wait3A_181 = tpu.memref_slice %arg11[%mul3A_12] : memref<10112xf32, #tpu.memory_space<vmem_shared>> -> memref<128xf32, #tpu.memory_space<vmem_shared>>
      tpu.wait_dma2 semaphore(%run_scoped3A : memref<!tpu.dma_semaphore, #tpu.memory_space<semaphore_mem>>) src(%arg9 : memref<128xf32, #tpu.memory_space<vmem>>) dst(%dma_wait3A_181 : memref<128xf32, #tpu.memory_space<vmem_shared>>)
      tpu.yield
    }) : () -> ()
    %mul3A_13 = arith.constant 128 : i32
    %mul3A_14 = arith.muli %add3A_10, %mul3A_13 : i32
    "tpu.region"() ({
      %run_scoped3A = tpu.sem_alloc : memref<!tpu.dma_semaphore, #tpu.memory_space<semaphore_mem>>
      %dma_start3A_179 = tpu.memref_slice %arg12[%mul3A_14] : memref<10112xf32, #tpu.memory_space<vmem_shared>> -> memref<128xf32, #tpu.memory_space<vmem_shared>>
      %dma_start3A_180 = tpu.memref_slice %arg12[%mul3A_14] : memref<10112xf32, #tpu.memory_space<vmem_shared>> -> memref<128xf32, #tpu.memory_space<vmem_shared>>
      tpu.enqueue_dma source(%arg9 : memref<128xf32, #tpu.memory_space<vmem>>) target(%dma_start3A_180 : memref<128xf32, #tpu.memory_space<vmem_shared>>) target_semaphore(%run_scoped3A : memref<!tpu.dma_semaphore, #tpu.memory_space<semaphore_mem>>)
      %dma_wait3A = tpu.memref_slice %arg12[%mul3A_14] : memref<10112xf32, #tpu.memory_space<vmem_shared>> -> memref<128xf32, #tpu.memory_space<vmem_shared>>
      %dma_wait3A_181 = tpu.memref_slice %arg12[%mul3A_14] : memref<10112xf32, #tpu.memory_space<vmem_shared>> -> memref<128xf32, #tpu.memory_space<vmem_shared>>
      tpu.wait_dma2 semaphore(%run_scoped3A : memref<!tpu.dma_semaphore, #tpu.memory_space<semaphore_mem>>) src(%arg9 : memref<128xf32, #tpu.memory_space<vmem>>) dst(%dma_wait3A_181 : memref<128xf32, #tpu.memory_space<vmem_shared>>)
      tpu.yield
    }) : () -> ()
    %add3A_15 = arith.constant 32 : i32
    %add3A_16 = arith.addi %arg1, %add3A_15 : i32
    %mul3A_17 = arith.constant 128 : i32
    %mul3A_18 = arith.muli %add3A_16, %mul3A_17 : i32
    "tpu.region"() ({
      %run_scoped3A = tpu.sem_alloc : memref<!tpu.dma_semaphore, #tpu.memory_space<semaphore_mem>>
      %dma_start3A_179 = tpu.memref_slice %arg11[%mul3A_18] : memref<10112xf32, #tpu.memory_space<vmem_shared>> -> memref<128xf32, #tpu.memory_space<vmem_shared>>
      %dma_start3A_180 = tpu.memref_slice %arg11[%mul3A_18] : memref<10112xf32, #tpu.memory_space<vmem_shared>> -> memref<128xf32, #tpu.memory_space<vmem_shared>>
      tpu.enqueue_dma source(%arg9 : memref<128xf32, #tpu.memory_space<vmem>>) target(%dma_start3A_180 : memref<128xf32, #tpu.memory_space<vmem_shared>>) target_semaphore(%run_scoped3A : memref<!tpu.dma_semaphore, #tpu.memory_space<semaphore_mem>>)
      %dma_wait3A = tpu.memref_slice %arg11[%mul3A_18] : memref<10112xf32, #tpu.memory_space<vmem_shared>> -> memref<128xf32, #tpu.memory_space<vmem_shared>>
      %dma_wait3A_181 = tpu.memref_slice %arg11[%mul3A_18] : memref<10112xf32, #tpu.memory_space<vmem_shared>> -> memref<128xf32, #tpu.memory_space<vmem_shared>>
      tpu.wait_dma2 semaphore(%run_scoped3A : memref<!tpu.dma_semaphore, #tpu.memory_space<semaphore_mem>>) src(%arg9 : memref<128xf32, #tpu.memory_space<vmem>>) dst(%dma_wait3A_181 : memref<128xf32, #tpu.memory_space<vmem_shared>>)
      tpu.yield
    }) : () -> ()
    %mul3A_19 = arith.constant 128 : i32
    %mul3A_20 = arith.muli %add3A_16, %mul3A_19 : i32
    "tpu.region"() ({
      %run_scoped3A = tpu.sem_alloc : memref<!tpu.dma_semaphore, #tpu.memory_space<semaphore_mem>>
      %dma_start3A_179 = tpu.memref_slice %arg12[%mul3A_20] : memref<10112xf32, #tpu.memory_space<vmem_shared>> -> memref<128xf32, #tpu.memory_space<vmem_shared>>
      %dma_start3A_180 = tpu.memref_slice %arg12[%mul3A_20] : memref<10112xf32, #tpu.memory_space<vmem_shared>> -> memref<128xf32, #tpu.memory_space<vmem_shared>>
      tpu.enqueue_dma source(%arg9 : memref<128xf32, #tpu.memory_space<vmem>>) target(%dma_start3A_180 : memref<128xf32, #tpu.memory_space<vmem_shared>>) target_semaphore(%run_scoped3A : memref<!tpu.dma_semaphore, #tpu.memory_space<semaphore_mem>>)
      %dma_wait3A = tpu.memref_slice %arg12[%mul3A_20] : memref<10112xf32, #tpu.memory_space<vmem_shared>> -> memref<128xf32, #tpu.memory_space<vmem_shared>>
      %dma_wait3A_181 = tpu.memref_slice %arg12[%mul3A_20] : memref<10112xf32, #tpu.memory_space<vmem_shared>> -> memref<128xf32, #tpu.memory_space<vmem_shared>>
      tpu.wait_dma2 semaphore(%run_scoped3A : memref<!tpu.dma_semaphore, #tpu.memory_space<semaphore_mem>>) src(%arg9 : memref<128xf32, #tpu.memory_space<vmem>>) dst(%dma_wait3A_181 : memref<128xf32, #tpu.memory_space<vmem_shared>>)
      tpu.yield
    }) : () -> ()
    %add3A_21 = arith.constant 48 : i32
    %add3A_22 = arith.addi %arg1, %add3A_21 : i32
    %mul3A_23 = arith.constant 128 : i32
    %mul3A_24 = arith.muli %add3A_22, %mul3A_23 : i32
    "tpu.region"() ({
      %run_scoped3A = tpu.sem_alloc : memref<!tpu.dma_semaphore, #tpu.memory_space<semaphore_mem>>
      %dma_start3A_179 = tpu.memref_slice %arg11[%mul3A_24] : memref<10112xf32, #tpu.memory_space<vmem_shared>> -> memref<128xf32, #tpu.memory_space<vmem_shared>>
      %dma_start3A_180 = tpu.memref_slice %arg11[%mul3A_24] : memref<10112xf32, #tpu.memory_space<vmem_shared>> -> memref<128xf32, #tpu.memory_space<vmem_shared>>
      tpu.enqueue_dma source(%arg9 : memref<128xf32, #tpu.memory_space<vmem>>) target(%dma_start3A_180 : memref<128xf32, #tpu.memory_space<vmem_shared>>) target_semaphore(%run_scoped3A : memref<!tpu.dma_semaphore, #tpu.memory_space<semaphore_mem>>)
      %dma_wait3A = tpu.memref_slice %arg11[%mul3A_24] : memref<10112xf32, #tpu.memory_space<vmem_shared>> -> memref<128xf32, #tpu.memory_space<vmem_shared>>
      %dma_wait3A_181 = tpu.memref_slice %arg11[%mul3A_24] : memref<10112xf32, #tpu.memory_space<vmem_shared>> -> memref<128xf32, #tpu.memory_space<vmem_shared>>
      tpu.wait_dma2 semaphore(%run_scoped3A : memref<!tpu.dma_semaphore, #tpu.memory_space<semaphore_mem>>) src(%arg9 : memref<128xf32, #tpu.memory_space<vmem>>) dst(%dma_wait3A_181 : memref<128xf32, #tpu.memory_space<vmem_shared>>)
      tpu.yield
    }) : () -> ()
    %mul3A_25 = arith.constant 128 : i32
    %mul3A_26 = arith.muli %add3A_22, %mul3A_25 : i32
    "tpu.region"() ({
      %run_scoped3A = tpu.sem_alloc : memref<!tpu.dma_semaphore, #tpu.memory_space<semaphore_mem>>
      %dma_start3A_179 = tpu.memref_slice %arg12[%mul3A_26] : memref<10112xf32, #tpu.memory_space<vmem_shared>> -> memref<128xf32, #tpu.memory_space<vmem_shared>>
      %dma_start3A_180 = tpu.memref_slice %arg12[%mul3A_26] : memref<10112xf32, #tpu.memory_space<vmem_shared>> -> memref<128xf32, #tpu.memory_space<vmem_shared>>
      tpu.enqueue_dma source(%arg9 : memref<128xf32, #tpu.memory_space<vmem>>) target(%dma_start3A_180 : memref<128xf32, #tpu.memory_space<vmem_shared>>) target_semaphore(%run_scoped3A : memref<!tpu.dma_semaphore, #tpu.memory_space<semaphore_mem>>)
      %dma_wait3A = tpu.memref_slice %arg12[%mul3A_26] : memref<10112xf32, #tpu.memory_space<vmem_shared>> -> memref<128xf32, #tpu.memory_space<vmem_shared>>
      %dma_wait3A_181 = tpu.memref_slice %arg12[%mul3A_26] : memref<10112xf32, #tpu.memory_space<vmem_shared>> -> memref<128xf32, #tpu.memory_space<vmem_shared>>
      tpu.wait_dma2 semaphore(%run_scoped3A : memref<!tpu.dma_semaphore, #tpu.memory_space<semaphore_mem>>) src(%arg9 : memref<128xf32, #tpu.memory_space<vmem>>) dst(%dma_wait3A_181 : memref<128xf32, #tpu.memory_space<vmem_shared>>)
      tpu.yield
    }) : () -> ()
    %add3A_27 = arith.constant 64 : i32
    %add3A_28 = arith.addi %arg1, %add3A_27 : i32
    %lt3A = arith.constant 79 : i32
    %lt3A_29 = arith.cmpi slt, %add3A_28, %lt3A : i32
    %convert_element_type3A = arith.extui %lt3A_29 : i1 to i32
    %cond3A = arith.constant 0 : i32
    %cond3A_30 = arith.cmpi ne, %convert_element_type3A, %cond3A : i32
    scf.if %cond3A_30 {
      %mul3A_179 = arith.constant 128 : i32
      %mul3A_180 = arith.muli %add3A_28, %mul3A_179 : i32
      "tpu.region"() ({
        %run_scoped3A = tpu.sem_alloc : memref<!tpu.dma_semaphore, #tpu.memory_space<semaphore_mem>>
        %dma_start3A_183 = tpu.memref_slice %arg11[%mul3A_180] : memref<10112xf32, #tpu.memory_space<vmem_shared>> -> memref<128xf32, #tpu.memory_space<vmem_shared>>
        %dma_start3A_184 = tpu.memref_slice %arg11[%mul3A_180] : memref<10112xf32, #tpu.memory_space<vmem_shared>> -> memref<128xf32, #tpu.memory_space<vmem_shared>>
        tpu.enqueue_dma source(%arg9 : memref<128xf32, #tpu.memory_space<vmem>>) target(%dma_start3A_184 : memref<128xf32, #tpu.memory_space<vmem_shared>>) target_semaphore(%run_scoped3A : memref<!tpu.dma_semaphore, #tpu.memory_space<semaphore_mem>>)
        %dma_wait3A = tpu.memref_slice %arg11[%mul3A_180] : memref<10112xf32, #tpu.memory_space<vmem_shared>> -> memref<128xf32, #tpu.memory_space<vmem_shared>>
        %dma_wait3A_185 = tpu.memref_slice %arg11[%mul3A_180] : memref<10112xf32, #tpu.memory_space<vmem_shared>> -> memref<128xf32, #tpu.memory_space<vmem_shared>>
        tpu.wait_dma2 semaphore(%run_scoped3A : memref<!tpu.dma_semaphore, #tpu.memory_space<semaphore_mem>>) src(%arg9 : memref<128xf32, #tpu.memory_space<vmem>>) dst(%dma_wait3A_185 : memref<128xf32, #tpu.memory_space<vmem_shared>>)
        tpu.yield
      }) : () -> ()
      %mul3A_181 = arith.constant 128 : i32
      %mul3A_182 = arith.muli %add3A_28, %mul3A_181 : i32
      "tpu.region"() ({
        %run_scoped3A = tpu.sem_alloc : memref<!tpu.dma_semaphore, #tpu.memory_space<semaphore_mem>>
        %dma_start3A_183 = tpu.memref_slice %arg12[%mul3A_182] : memref<10112xf32, #tpu.memory_space<vmem_shared>> -> memref<128xf32, #tpu.memory_space<vmem_shared>>
        %dma_start3A_184 = tpu.memref_slice %arg12[%mul3A_182] : memref<10112xf32, #tpu.memory_space<vmem_shared>> -> memref<128xf32, #tpu.memory_space<vmem_shared>>
        tpu.enqueue_dma source(%arg9 : memref<128xf32, #tpu.memory_space<vmem>>) target(%dma_start3A_184 : memref<128xf32, #tpu.memory_space<vmem_shared>>) target_semaphore(%run_scoped3A : memref<!tpu.dma_semaphore, #tpu.memory_space<semaphore_mem>>)
        %dma_wait3A = tpu.memref_slice %arg12[%mul3A_182] : memref<10112xf32, #tpu.memory_space<vmem_shared>> -> memref<128xf32, #tpu.memory_space<vmem_shared>>
        %dma_wait3A_185 = tpu.memref_slice %arg12[%mul3A_182] : memref<10112xf32, #tpu.memory_space<vmem_shared>> -> memref<128xf32, #tpu.memory_space<vmem_shared>>
        tpu.wait_dma2 semaphore(%run_scoped3A : memref<!tpu.dma_semaphore, #tpu.memory_space<semaphore_mem>>) src(%arg9 : memref<128xf32, #tpu.memory_space<vmem>>) dst(%dma_wait3A_185 : memref<128xf32, #tpu.memory_space<vmem_shared>>)
        tpu.yield
      }) : () -> ()
    } else {
    }
    %barrier3A = arith.constant 0 : index
    tpu.barrier barrier_id(%barrier3A)
    %dma_start3A = arith.constant 0 : i32
    %dma_start3A_31 = arith.constant 0 : i32
    %dma_start3A_32 = tpu.memref_slice %arg7[%dma_start3A, %dma_start3A_31] : memref<160x128xi32, #tpu.memory_space<vmem>> -> memref<1x128xi32, #tpu.memory_space<vmem>>
    %dma_start3A_33 = tpu.memref_squeeze %dma_start3A_32 : memref<1x128xi32, #tpu.memory_space<vmem>> -> memref<128xi32, #tpu.memory_space<vmem>>
    %dma_start3A_34 = arith.constant 0 : i32
    %dma_start3A_35 = tpu.memref_slice %arg11[%dma_start3A_34] : memref<10112xf32, #tpu.memory_space<vmem_shared>> -> memref<10112xf32, #tpu.memory_space<vmem_shared>>
    tpu.enqueue_indirect_dma source(%arg10 : memref<128xf32, #tpu.memory_space<vmem>>) target(%dma_start3A_35 : memref<10112xf32, #tpu.memory_space<vmem_shared>>) offsets(%dma_start3A_33 : memref<128xi32, #tpu.memory_space<vmem>>) semaphore(%arg13 : memref<!tpu.dma_semaphore, #tpu.memory_space<semaphore_mem>>) {add = true}
    %dma_start3A_36 = arith.constant 0 : i32
    %dma_start3A_37 = arith.constant 0 : i32
    %dma_start3A_38 = tpu.memref_slice %arg8[%dma_start3A_36, %dma_start3A_37] : memref<160x128xi32, #tpu.memory_space<vmem>> -> memref<1x128xi32, #tpu.memory_space<vmem>>
    %dma_start3A_39 = tpu.memref_squeeze %dma_start3A_38 : memref<1x128xi32, #tpu.memory_space<vmem>> -> memref<128xi32, #tpu.memory_space<vmem>>
    %dma_start3A_40 = arith.constant 0 : i32
    %dma_start3A_41 = tpu.memref_slice %arg12[%dma_start3A_40] : memref<10112xf32, #tpu.memory_space<vmem_shared>> -> memref<10112xf32, #tpu.memory_space<vmem_shared>>
    tpu.enqueue_indirect_dma source(%arg10 : memref<128xf32, #tpu.memory_space<vmem>>) target(%dma_start3A_41 : memref<10112xf32, #tpu.memory_space<vmem_shared>>) offsets(%dma_start3A_39 : memref<128xi32, #tpu.memory_space<vmem>>) semaphore(%arg14 : memref<!tpu.dma_semaphore, #tpu.memory_space<semaphore_mem>>) {add = true}
    %dma_start3A_42 = arith.constant 1 : i32
    %dma_start3A_43 = arith.constant 0 : i32
    %dma_start3A_44 = tpu.memref_slice %arg7[%dma_start3A_42, %dma_start3A_43] : memref<160x128xi32, #tpu.memory_space<vmem>> -> memref<1x128xi32, #tpu.memory_space<vmem>>
    %dma_start3A_45 = tpu.memref_squeeze %dma_start3A_44 : memref<1x128xi32, #tpu.memory_space<vmem>> -> memref<128xi32, #tpu.memory_space<vmem>>
    %dma_start3A_46 = arith.constant 0 : i32
    %dma_start3A_47 = tpu.memref_slice %arg11[%dma_start3A_46] : memref<10112xf32, #tpu.memory_space<vmem_shared>> -> memref<10112xf32, #tpu.memory_space<vmem_shared>>
    tpu.enqueue_indirect_dma source(%arg10 : memref<128xf32, #tpu.memory_space<vmem>>) target(%dma_start3A_47 : memref<10112xf32, #tpu.memory_space<vmem_shared>>) offsets(%dma_start3A_45 : memref<128xi32, #tpu.memory_space<vmem>>) semaphore(%arg13 : memref<!tpu.dma_semaphore, #tpu.memory_space<semaphore_mem>>) {add = true}
    %dma_start3A_48 = arith.constant 1 : i32
    %dma_start3A_49 = arith.constant 0 : i32
    %dma_start3A_50 = tpu.memref_slice %arg8[%dma_start3A_48, %dma_start3A_49] : memref<160x128xi32, #tpu.memory_space<vmem>> -> memref<1x128xi32, #tpu.memory_space<vmem>>
    %dma_start3A_51 = tpu.memref_squeeze %dma_start3A_50 : memref<1x128xi32, #tpu.memory_space<vmem>> -> memref<128xi32, #tpu.memory_space<vmem>>
    %dma_start3A_52 = arith.constant 0 : i32
    %dma_start3A_53 = tpu.memref_slice %arg12[%dma_start3A_52] : memref<10112xf32, #tpu.memory_space<vmem_shared>> -> memref<10112xf32, #tpu.memory_space<vmem_shared>>
    tpu.enqueue_indirect_dma source(%arg10 : memref<128xf32, #tpu.memory_space<vmem>>) target(%dma_start3A_53 : memref<10112xf32, #tpu.memory_space<vmem_shared>>) offsets(%dma_start3A_51 : memref<128xi32, #tpu.memory_space<vmem>>) semaphore(%arg14 : memref<!tpu.dma_semaphore, #tpu.memory_space<semaphore_mem>>) {add = true}
    %dma_start3A_54 = arith.constant 2 : i32
    %dma_start3A_55 = arith.constant 0 : i32
    %dma_start3A_56 = tpu.memref_slice %arg7[%dma_start3A_54, %dma_start3A_55] : memref<160x128xi32, #tpu.memory_space<vmem>> -> memref<1x128xi32, #tpu.memory_space<vmem>>
    %dma_start3A_57 = tpu.memref_squeeze %dma_start3A_56 : memref<1x128xi32, #tpu.memory_space<vmem>> -> memref<128xi32, #tpu.memory_space<vmem>>
    %dma_start3A_58 = arith.constant 0 : i32
    %dma_start3A_59 = tpu.memref_slice %arg11[%dma_start3A_58] : memref<10112xf32, #tpu.memory_space<vmem_shared>> -> memref<10112xf32, #tpu.memory_space<vmem_shared>>
    tpu.enqueue_indirect_dma source(%arg10 : memref<128xf32, #tpu.memory_space<vmem>>) target(%dma_start3A_59 : memref<10112xf32, #tpu.memory_space<vmem_shared>>) offsets(%dma_start3A_57 : memref<128xi32, #tpu.memory_space<vmem>>) semaphore(%arg13 : memref<!tpu.dma_semaphore, #tpu.memory_space<semaphore_mem>>) {add = true}
    %dma_start3A_60 = arith.constant 2 : i32
    %dma_start3A_61 = arith.constant 0 : i32
    %dma_start3A_62 = tpu.memref_slice %arg8[%dma_start3A_60, %dma_start3A_61] : memref<160x128xi32, #tpu.memory_space<vmem>> -> memref<1x128xi32, #tpu.memory_space<vmem>>
    %dma_start3A_63 = tpu.memref_squeeze %dma_start3A_62 : memref<1x128xi32, #tpu.memory_space<vmem>> -> memref<128xi32, #tpu.memory_space<vmem>>
    %dma_start3A_64 = arith.constant 0 : i32
    %dma_start3A_65 = tpu.memref_slice %arg12[%dma_start3A_64] : memref<10112xf32, #tpu.memory_space<vmem_shared>> -> memref<10112xf32, #tpu.memory_space<vmem_shared>>
    tpu.enqueue_indirect_dma source(%arg10 : memref<128xf32, #tpu.memory_space<vmem>>) target(%dma_start3A_65 : memref<10112xf32, #tpu.memory_space<vmem_shared>>) offsets(%dma_start3A_63 : memref<128xi32, #tpu.memory_space<vmem>>) semaphore(%arg14 : memref<!tpu.dma_semaphore, #tpu.memory_space<semaphore_mem>>) {add = true}
    %dma_start3A_66 = arith.constant 3 : i32
    %dma_start3A_67 = arith.constant 0 : i32
    %dma_start3A_68 = tpu.memref_slice %arg7[%dma_start3A_66, %dma_start3A_67] : memref<160x128xi32, #tpu.memory_space<vmem>> -> memref<1x128xi32, #tpu.memory_space<vmem>>
    %dma_start3A_69 = tpu.memref_squeeze %dma_start3A_68 : memref<1x128xi32, #tpu.memory_space<vmem>> -> memref<128xi32, #tpu.memory_space<vmem>>
    %dma_start3A_70 = arith.constant 0 : i32
    %dma_start3A_71 = tpu.memref_slice %arg11[%dma_start3A_70] : memref<10112xf32, #tpu.memory_space<vmem_shared>> -> memref<10112xf32, #tpu.memory_space<vmem_shared>>
    tpu.enqueue_indirect_dma source(%arg10 : memref<128xf32, #tpu.memory_space<vmem>>) target(%dma_start3A_71 : memref<10112xf32, #tpu.memory_space<vmem_shared>>) offsets(%dma_start3A_69 : memref<128xi32, #tpu.memory_space<vmem>>) semaphore(%arg13 : memref<!tpu.dma_semaphore, #tpu.memory_space<semaphore_mem>>) {add = true}
    %dma_start3A_72 = arith.constant 3 : i32
    %dma_start3A_73 = arith.constant 0 : i32
    %dma_start3A_74 = tpu.memref_slice %arg8[%dma_start3A_72, %dma_start3A_73] : memref<160x128xi32, #tpu.memory_space<vmem>> -> memref<1x128xi32, #tpu.memory_space<vmem>>
    %dma_start3A_75 = tpu.memref_squeeze %dma_start3A_74 : memref<1x128xi32, #tpu.memory_space<vmem>> -> memref<128xi32, #tpu.memory_space<vmem>>
    %dma_start3A_76 = arith.constant 0 : i32
    %dma_start3A_77 = tpu.memref_slice %arg12[%dma_start3A_76] : memref<10112xf32, #tpu.memory_space<vmem_shared>> -> memref<10112xf32, #tpu.memory_space<vmem_shared>>
    tpu.enqueue_indirect_dma source(%arg10 : memref<128xf32, #tpu.memory_space<vmem>>) target(%dma_start3A_77 : memref<10112xf32, #tpu.memory_space<vmem_shared>>) offsets(%dma_start3A_75 : memref<128xi32, #tpu.memory_space<vmem>>) semaphore(%arg14 : memref<!tpu.dma_semaphore, #tpu.memory_space<semaphore_mem>>) {add = true}
    %scan3A = arith.constant 0 : i32
    %scan3A_78 = arith.constant 0 : i32
    %scan3A_79 = arith.constant 40 : i32
    %scan3A_80 = arith.addi %scan3A_78, %scan3A_79 : i32
    %scan3A_81 = arith.constant 1 : i32
    scf.for %scan3A_179 = %scan3A_78 to %scan3A_80 step %scan3A_81  : i32 {
      %lt3A_180 = arith.constant 39 : i32
      %lt3A_181 = arith.cmpi slt, %scan3A_179, %lt3A_180 : i32
      %convert_element_type3A_182 = arith.extui %lt3A_181 : i1 to i32
      %cond3A_183 = arith.constant 0 : i32
      %cond3A_184 = arith.cmpi ne, %convert_element_type3A_182, %cond3A_183 : i32
      scf.if %cond3A_184 {
        %add3A_232 = arith.constant 1 : i32
        %add3A_233 = arith.addi %scan3A_179, %add3A_232 : i32
        %mul3A_234 = arith.constant 4 : i32
        %mul3A_235 = arith.muli %mul3A_234, %add3A_233 : i32
        %add3A_236 = arith.constant 0 : i32
        %add3A_237 = arith.addi %mul3A_235, %add3A_236 : i32
        %dma_start3A_238 = arith.constant 0 : i32
        %dma_start3A_239 = tpu.memref_slice %arg7[%add3A_237, %dma_start3A_238] : memref<160x128xi32, #tpu.memory_space<vmem>> -> memref<1x128xi32, #tpu.memory_space<vmem>>
        %dma_start3A_240 = tpu.memref_squeeze %dma_start3A_239 : memref<1x128xi32, #tpu.memory_space<vmem>> -> memref<128xi32, #tpu.memory_space<vmem>>
        %dma_start3A_241 = arith.constant 0 : i32
        %dma_start3A_242 = tpu.memref_slice %arg11[%dma_start3A_241] : memref<10112xf32, #tpu.memory_space<vmem_shared>> -> memref<10112xf32, #tpu.memory_space<vmem_shared>>
        tpu.enqueue_indirect_dma source(%arg10 : memref<128xf32, #tpu.memory_space<vmem>>) target(%dma_start3A_242 : memref<10112xf32, #tpu.memory_space<vmem_shared>>) offsets(%dma_start3A_240 : memref<128xi32, #tpu.memory_space<vmem>>) semaphore(%arg13 : memref<!tpu.dma_semaphore, #tpu.memory_space<semaphore_mem>>) {add = true}
        %dma_start3A_243 = arith.constant 0 : i32
        %dma_start3A_244 = tpu.memref_slice %arg8[%add3A_237, %dma_start3A_243] : memref<160x128xi32, #tpu.memory_space<vmem>> -> memref<1x128xi32, #tpu.memory_space<vmem>>
        %dma_start3A_245 = tpu.memref_squeeze %dma_start3A_244 : memref<1x128xi32, #tpu.memory_space<vmem>> -> memref<128xi32, #tpu.memory_space<vmem>>
        %dma_start3A_246 = arith.constant 0 : i32
        %dma_start3A_247 = tpu.memref_slice %arg12[%dma_start3A_246] : memref<10112xf32, #tpu.memory_space<vmem_shared>> -> memref<10112xf32, #tpu.memory_space<vmem_shared>>
        tpu.enqueue_indirect_dma source(%arg10 : memref<128xf32, #tpu.memory_space<vmem>>) target(%dma_start3A_247 : memref<10112xf32, #tpu.memory_space<vmem_shared>>) offsets(%dma_start3A_245 : memref<128xi32, #tpu.memory_space<vmem>>) semaphore(%arg14 : memref<!tpu.dma_semaphore, #tpu.memory_space<semaphore_mem>>) {add = true}
        %add3A_248 = arith.constant 1 : i32
        %add3A_249 = arith.addi %scan3A_179, %add3A_248 : i32
        %mul3A_250 = arith.constant 4 : i32
        %mul3A_251 = arith.muli %mul3A_250, %add3A_249 : i32
        %add3A_252 = arith.constant 1 : i32
        %add3A_253 = arith.addi %mul3A_251, %add3A_252 : i32
        %dma_start3A_254 = arith.constant 0 : i32
        %dma_start3A_255 = tpu.memref_slice %arg7[%add3A_253, %dma_start3A_254] : memref<160x128xi32, #tpu.memory_space<vmem>> -> memref<1x128xi32, #tpu.memory_space<vmem>>
        %dma_start3A_256 = tpu.memref_squeeze %dma_start3A_255 : memref<1x128xi32, #tpu.memory_space<vmem>> -> memref<128xi32, #tpu.memory_space<vmem>>
        %dma_start3A_257 = arith.constant 0 : i32
        %dma_start3A_258 = tpu.memref_slice %arg11[%dma_start3A_257] : memref<10112xf32, #tpu.memory_space<vmem_shared>> -> memref<10112xf32, #tpu.memory_space<vmem_shared>>
        tpu.enqueue_indirect_dma source(%arg10 : memref<128xf32, #tpu.memory_space<vmem>>) target(%dma_start3A_258 : memref<10112xf32, #tpu.memory_space<vmem_shared>>) offsets(%dma_start3A_256 : memref<128xi32, #tpu.memory_space<vmem>>) semaphore(%arg13 : memref<!tpu.dma_semaphore, #tpu.memory_space<semaphore_mem>>) {add = true}
        %dma_start3A_259 = arith.constant 0 : i32
        %dma_start3A_260 = tpu.memref_slice %arg8[%add3A_253, %dma_start3A_259] : memref<160x128xi32, #tpu.memory_space<vmem>> -> memref<1x128xi32, #tpu.memory_space<vmem>>
        %dma_start3A_261 = tpu.memref_squeeze %dma_start3A_260 : memref<1x128xi32, #tpu.memory_space<vmem>> -> memref<128xi32, #tpu.memory_space<vmem>>
        %dma_start3A_262 = arith.constant 0 : i32
        %dma_start3A_263 = tpu.memref_slice %arg12[%dma_start3A_262] : memref<10112xf32, #tpu.memory_space<vmem_shared>> -> memref<10112xf32, #tpu.memory_space<vmem_shared>>
        tpu.enqueue_indirect_dma source(%arg10 : memref<128xf32, #tpu.memory_space<vmem>>) target(%dma_start3A_263 : memref<10112xf32, #tpu.memory_space<vmem_shared>>) offsets(%dma_start3A_261 : memref<128xi32, #tpu.memory_space<vmem>>) semaphore(%arg14 : memref<!tpu.dma_semaphore, #tpu.memory_space<semaphore_mem>>) {add = true}
        %add3A_264 = arith.constant 1 : i32
        %add3A_265 = arith.addi %scan3A_179, %add3A_264 : i32
        %mul3A_266 = arith.constant 4 : i32
        %mul3A_267 = arith.muli %mul3A_266, %add3A_265 : i32
        %add3A_268 = arith.constant 2 : i32
        %add3A_269 = arith.addi %mul3A_267, %add3A_268 : i32
        %dma_start3A_270 = arith.constant 0 : i32
        %dma_start3A_271 = tpu.memref_slice %arg7[%add3A_269, %dma_start3A_270] : memref<160x128xi32, #tpu.memory_space<vmem>> -> memref<1x128xi32, #tpu.memory_space<vmem>>
        %dma_start3A_272 = tpu.memref_squeeze %dma_start3A_271 : memref<1x128xi32, #tpu.memory_space<vmem>> -> memref<128xi32, #tpu.memory_space<vmem>>
        %dma_start3A_273 = arith.constant 0 : i32
        %dma_start3A_274 = tpu.memref_slice %arg11[%dma_start3A_273] : memref<10112xf32, #tpu.memory_space<vmem_shared>> -> memref<10112xf32, #tpu.memory_space<vmem_shared>>
        tpu.enqueue_indirect_dma source(%arg10 : memref<128xf32, #tpu.memory_space<vmem>>) target(%dma_start3A_274 : memref<10112xf32, #tpu.memory_space<vmem_shared>>) offsets(%dma_start3A_272 : memref<128xi32, #tpu.memory_space<vmem>>) semaphore(%arg13 : memref<!tpu.dma_semaphore, #tpu.memory_space<semaphore_mem>>) {add = true}
        %dma_start3A_275 = arith.constant 0 : i32
        %dma_start3A_276 = tpu.memref_slice %arg8[%add3A_269, %dma_start3A_275] : memref<160x128xi32, #tpu.memory_space<vmem>> -> memref<1x128xi32, #tpu.memory_space<vmem>>
        %dma_start3A_277 = tpu.memref_squeeze %dma_start3A_276 : memref<1x128xi32, #tpu.memory_space<vmem>> -> memref<128xi32, #tpu.memory_space<vmem>>
        %dma_start3A_278 = arith.constant 0 : i32
        %dma_start3A_279 = tpu.memref_slice %arg12[%dma_start3A_278] : memref<10112xf32, #tpu.memory_space<vmem_shared>> -> memref<10112xf32, #tpu.memory_space<vmem_shared>>
        tpu.enqueue_indirect_dma source(%arg10 : memref<128xf32, #tpu.memory_space<vmem>>) target(%dma_start3A_279 : memref<10112xf32, #tpu.memory_space<vmem_shared>>) offsets(%dma_start3A_277 : memref<128xi32, #tpu.memory_space<vmem>>) semaphore(%arg14 : memref<!tpu.dma_semaphore, #tpu.memory_space<semaphore_mem>>) {add = true}
        %add3A_280 = arith.constant 1 : i32
        %add3A_281 = arith.addi %scan3A_179, %add3A_280 : i32
        %mul3A_282 = arith.constant 4 : i32
        %mul3A_283 = arith.muli %mul3A_282, %add3A_281 : i32
        %add3A_284 = arith.constant 3 : i32
        %add3A_285 = arith.addi %mul3A_283, %add3A_284 : i32
        %dma_start3A_286 = arith.constant 0 : i32
        %dma_start3A_287 = tpu.memref_slice %arg7[%add3A_285, %dma_start3A_286] : memref<160x128xi32, #tpu.memory_space<vmem>> -> memref<1x128xi32, #tpu.memory_space<vmem>>
        %dma_start3A_288 = tpu.memref_squeeze %dma_start3A_287 : memref<1x128xi32, #tpu.memory_space<vmem>> -> memref<128xi32, #tpu.memory_space<vmem>>
        %dma_start3A_289 = arith.constant 0 : i32
        %dma_start3A_290 = tpu.memref_slice %arg11[%dma_start3A_289] : memref<10112xf32, #tpu.memory_space<vmem_shared>> -> memref<10112xf32, #tpu.memory_space<vmem_shared>>
        tpu.enqueue_indirect_dma source(%arg10 : memref<128xf32, #tpu.memory_space<vmem>>) target(%dma_start3A_290 : memref<10112xf32, #tpu.memory_space<vmem_shared>>) offsets(%dma_start3A_288 : memref<128xi32, #tpu.memory_space<vmem>>) semaphore(%arg13 : memref<!tpu.dma_semaphore, #tpu.memory_space<semaphore_mem>>) {add = true}
        %dma_start3A_291 = arith.constant 0 : i32
        %dma_start3A_292 = tpu.memref_slice %arg8[%add3A_285, %dma_start3A_291] : memref<160x128xi32, #tpu.memory_space<vmem>> -> memref<1x128xi32, #tpu.memory_space<vmem>>
        %dma_start3A_293 = tpu.memref_squeeze %dma_start3A_292 : memref<1x128xi32, #tpu.memory_space<vmem>> -> memref<128xi32, #tpu.memory_space<vmem>>
        %dma_start3A_294 = arith.constant 0 : i32
        %dma_start3A_295 = tpu.memref_slice %arg12[%dma_start3A_294] : memref<10112xf32, #tpu.memory_space<vmem_shared>> -> memref<10112xf32, #tpu.memory_space<vmem_shared>>
        tpu.enqueue_indirect_dma source(%arg10 : memref<128xf32, #tpu.memory_space<vmem>>) target(%dma_start3A_295 : memref<10112xf32, #tpu.memory_space<vmem_shared>>) offsets(%dma_start3A_293 : memref<128xi32, #tpu.memory_space<vmem>>) semaphore(%arg14 : memref<!tpu.dma_semaphore, #tpu.memory_space<semaphore_mem>>) {add = true}
      } else {
      }
      %dma_wait3A = arith.constant 0 : i32
      %dma_wait3A_185 = arith.constant 0 : i32
      %dma_wait3A_186 = tpu.memref_slice %arg7[%dma_wait3A, %dma_wait3A_185] : memref<160x128xi32, #tpu.memory_space<vmem>> -> memref<1x128xi32, #tpu.memory_space<vmem>>
      %dma_wait3A_187 = tpu.memref_squeeze %dma_wait3A_186 : memref<1x128xi32, #tpu.memory_space<vmem>> -> memref<128xi32, #tpu.memory_space<vmem>>
      %dma_wait3A_188 = arith.constant 0 : i32
      %dma_wait3A_189 = tpu.memref_slice %arg11[%dma_wait3A_188] : memref<10112xf32, #tpu.memory_space<vmem_shared>> -> memref<10112xf32, #tpu.memory_space<vmem_shared>>
      tpu.wait_indirect_dma semaphore(%arg13 : memref<!tpu.dma_semaphore, #tpu.memory_space<semaphore_mem>>) src(%arg10 : memref<128xf32, #tpu.memory_space<vmem>>) dst(%dma_wait3A_189 : memref<10112xf32, #tpu.memory_space<vmem_shared>>)
      %dma_wait3A_190 = arith.constant 0 : i32
      %dma_wait3A_191 = arith.constant 0 : i32
      %dma_wait3A_192 = tpu.memref_slice %arg8[%dma_wait3A_190, %dma_wait3A_191] : memref<160x128xi32, #tpu.memory_space<vmem>> -> memref<1x128xi32, #tpu.memory_space<vmem>>
      %dma_wait3A_193 = tpu.memref_squeeze %dma_wait3A_192 : memref<1x128xi32, #tpu.memory_space<vmem>> -> memref<128xi32, #tpu.memory_space<vmem>>
      %dma_wait3A_194 = arith.constant 0 : i32
      %dma_wait3A_195 = tpu.memref_slice %arg12[%dma_wait3A_194] : memref<10112xf32, #tpu.memory_space<vmem_shared>> -> memref<10112xf32, #tpu.memory_space<vmem_shared>>
      tpu.wait_indirect_dma semaphore(%arg14 : memref<!tpu.dma_semaphore, #tpu.memory_space<semaphore_mem>>) src(%arg10 : memref<128xf32, #tpu.memory_space<vmem>>) dst(%dma_wait3A_195 : memref<10112xf32, #tpu.memory_space<vmem_shared>>)
      %dma_wait3A_196 = arith.constant 0 : i32
      %dma_wait3A_197 = arith.constant 0 : i32
      %dma_wait3A_198 = tpu.memref_slice %arg7[%dma_wait3A_196, %dma_wait3A_197] : memref<160x128xi32, #tpu.memory_space<vmem>> -> memref<1x128xi32, #tpu.memory_space<vmem>>
      %dma_wait3A_199 = tpu.memref_squeeze %dma_wait3A_198 : memref<1x128xi32, #tpu.memory_space<vmem>> -> memref<128xi32, #tpu.memory_space<vmem>>
      %dma_wait3A_200 = arith.constant 0 : i32
      %dma_wait3A_201 = tpu.memref_slice %arg11[%dma_wait3A_200] : memref<10112xf32, #tpu.memory_space<vmem_shared>> -> memref<10112xf32, #tpu.memory_space<vmem_shared>>
      tpu.wait_indirect_dma semaphore(%arg13 : memref<!tpu.dma_semaphore, #tpu.memory_space<semaphore_mem>>) src(%arg10 : memref<128xf32, #tpu.memory_space<vmem>>) dst(%dma_wait3A_201 : memref<10112xf32, #tpu.memory_space<vmem_shared>>)
      %dma_wait3A_202 = arith.constant 0 : i32
      %dma_wait3A_203 = arith.constant 0 : i32
      %dma_wait3A_204 = tpu.memref_slice %arg8[%dma_wait3A_202, %dma_wait3A_203] : memref<160x128xi32, #tpu.memory_space<vmem>> -> memref<1x128xi32, #tpu.memory_space<vmem>>
      %dma_wait3A_205 = tpu.memref_squeeze %dma_wait3A_204 : memref<1x128xi32, #tpu.memory_space<vmem>> -> memref<128xi32, #tpu.memory_space<vmem>>
      %dma_wait3A_206 = arith.constant 0 : i32
      %dma_wait3A_207 = tpu.memref_slice %arg12[%dma_wait3A_206] : memref<10112xf32, #tpu.memory_space<vmem_shared>> -> memref<10112xf32, #tpu.memory_space<vmem_shared>>
      tpu.wait_indirect_dma semaphore(%arg14 : memref<!tpu.dma_semaphore, #tpu.memory_space<semaphore_mem>>) src(%arg10 : memref<128xf32, #tpu.memory_space<vmem>>) dst(%dma_wait3A_207 : memref<10112xf32, #tpu.memory_space<vmem_shared>>)
      %dma_wait3A_208 = arith.constant 0 : i32
      %dma_wait3A_209 = arith.constant 0 : i32
      %dma_wait3A_210 = tpu.memref_slice %arg7[%dma_wait3A_208, %dma_wait3A_209] : memref<160x128xi32, #tpu.memory_space<vmem>> -> memref<1x128xi32, #tpu.memory_space<vmem>>
      %dma_wait3A_211 = tpu.memref_squeeze %dma_wait3A_210 : memref<1x128xi32, #tpu.memory_space<vmem>> -> memref<128xi32, #tpu.memory_space<vmem>>
      %dma_wait3A_212 = arith.constant 0 : i32
      %dma_wait3A_213 = tpu.memref_slice %arg11[%dma_wait3A_212] : memref<10112xf32, #tpu.memory_space<vmem_shared>> -> memref<10112xf32, #tpu.memory_space<vmem_shared>>
      tpu.wait_indirect_dma semaphore(%arg13 : memref<!tpu.dma_semaphore, #tpu.memory_space<semaphore_mem>>) src(%arg10 : memref<128xf32, #tpu.memory_space<vmem>>) dst(%dma_wait3A_213 : memref<10112xf32, #tpu.memory_space<vmem_shared>>)
      %dma_wait3A_214 = arith.constant 0 : i32
      %dma_wait3A_215 = arith.constant 0 : i32
      %dma_wait3A_216 = tpu.memref_slice %arg8[%dma_wait3A_214, %dma_wait3A_215] : memref<160x128xi32, #tpu.memory_space<vmem>> -> memref<1x128xi32, #tpu.memory_space<vmem>>
      %dma_wait3A_217 = tpu.memref_squeeze %dma_wait3A_216 : memref<1x128xi32, #tpu.memory_space<vmem>> -> memref<128xi32, #tpu.memory_space<vmem>>
      %dma_wait3A_218 = arith.constant 0 : i32
      %dma_wait3A_219 = tpu.memref_slice %arg12[%dma_wait3A_218] : memref<10112xf32, #tpu.memory_space<vmem_shared>> -> memref<10112xf32, #tpu.memory_space<vmem_shared>>
      tpu.wait_indirect_dma semaphore(%arg14 : memref<!tpu.dma_semaphore, #tpu.memory_space<semaphore_mem>>) src(%arg10 : memref<128xf32, #tpu.memory_space<vmem>>) dst(%dma_wait3A_219 : memref<10112xf32, #tpu.memory_space<vmem_shared>>)
      %dma_wait3A_220 = arith.constant 0 : i32
      %dma_wait3A_221 = arith.constant 0 : i32
      %dma_wait3A_222 = tpu.memref_slice %arg7[%dma_wait3A_220, %dma_wait3A_221] : memref<160x128xi32, #tpu.memory_space<vmem>> -> memref<1x128xi32, #tpu.memory_space<vmem>>
      %dma_wait3A_223 = tpu.memref_squeeze %dma_wait3A_222 : memref<1x128xi32, #tpu.memory_space<vmem>> -> memref<128xi32, #tpu.memory_space<vmem>>
      %dma_wait3A_224 = arith.constant 0 : i32
      %dma_wait3A_225 = tpu.memref_slice %arg11[%dma_wait3A_224] : memref<10112xf32, #tpu.memory_space<vmem_shared>> -> memref<10112xf32, #tpu.memory_space<vmem_shared>>
      tpu.wait_indirect_dma semaphore(%arg13 : memref<!tpu.dma_semaphore, #tpu.memory_space<semaphore_mem>>) src(%arg10 : memref<128xf32, #tpu.memory_space<vmem>>) dst(%dma_wait3A_225 : memref<10112xf32, #tpu.memory_space<vmem_shared>>)
      %dma_wait3A_226 = arith.constant 0 : i32
      %dma_wait3A_227 = arith.constant 0 : i32
      %dma_wait3A_228 = tpu.memref_slice %arg8[%dma_wait3A_226, %dma_wait3A_227] : memref<160x128xi32, #tpu.memory_space<vmem>> -> memref<1x128xi32, #tpu.memory_space<vmem>>
      %dma_wait3A_229 = tpu.memref_squeeze %dma_wait3A_228 : memref<1x128xi32, #tpu.memory_space<vmem>> -> memref<128xi32, #tpu.memory_space<vmem>>
      %dma_wait3A_230 = arith.constant 0 : i32
      %dma_wait3A_231 = tpu.memref_slice %arg12[%dma_wait3A_230] : memref<10112xf32, #tpu.memory_space<vmem_shared>> -> memref<10112xf32, #tpu.memory_space<vmem_shared>>
      tpu.wait_indirect_dma semaphore(%arg14 : memref<!tpu.dma_semaphore, #tpu.memory_space<semaphore_mem>>) src(%arg10 : memref<128xf32, #tpu.memory_space<vmem>>) dst(%dma_wait3A_231 : memref<10112xf32, #tpu.memory_space<vmem_shared>>)
    }
    %scan3A_82 = arith.constant 40 : i32
    %barrier3A_83 = arith.constant 0 : index
    tpu.barrier barrier_id(%barrier3A_83)
    %add3A_84 = arith.constant 0 : i32
    %add3A_85 = arith.addi %arg1, %add3A_84 : i32
    %mul3A_86 = arith.constant 128 : i32
    %mul3A_87 = arith.muli %add3A_85, %mul3A_86 : i32
    "tpu.region"() ({
      %run_scoped3A = tpu.sem_alloc : memref<!tpu.dma_semaphore, #tpu.memory_space<semaphore_mem>>
      %dma_start3A_179 = tpu.memref_slice %arg11[%mul3A_87] : memref<10112xf32, #tpu.memory_space<vmem_shared>> -> memref<128xf32, #tpu.memory_space<vmem_shared>>
      %dma_start3A_180 = tpu.memref_slice %arg11[%mul3A_87] : memref<10112xf32, #tpu.memory_space<vmem_shared>> -> memref<128xf32, #tpu.memory_space<vmem_shared>>
      tpu.enqueue_dma source(%dma_start3A_180 : memref<128xf32, #tpu.memory_space<vmem_shared>>) target(%arg9 : memref<128xf32, #tpu.memory_space<vmem>>) target_semaphore(%run_scoped3A : memref<!tpu.dma_semaphore, #tpu.memory_space<semaphore_mem>>)
      %dma_wait3A = tpu.memref_slice %arg11[%mul3A_87] : memref<10112xf32, #tpu.memory_space<vmem_shared>> -> memref<128xf32, #tpu.memory_space<vmem_shared>>
      %dma_wait3A_181 = tpu.memref_slice %arg11[%mul3A_87] : memref<10112xf32, #tpu.memory_space<vmem_shared>> -> memref<128xf32, #tpu.memory_space<vmem_shared>>
      tpu.wait_dma2 semaphore(%run_scoped3A : memref<!tpu.dma_semaphore, #tpu.memory_space<semaphore_mem>>) src(%dma_wait3A_181 : memref<128xf32, #tpu.memory_space<vmem_shared>>) dst(%arg9 : memref<128xf32, #tpu.memory_space<vmem>>)
      tpu.yield
    }) : () -> ()
    %mul3A_88 = arith.constant 2 : i32
    %mul3A_89 = arith.muli %mul3A_88, %arg0 : i32
    %mul3A_90 = arith.constant 10112 : i32
    %mul3A_91 = arith.muli %mul3A_89, %mul3A_90 : i32
    %mul3A_92 = arith.constant 128 : i32
    %mul3A_93 = arith.muli %add3A_85, %mul3A_92 : i32
    %add3A_94 = arith.addi %mul3A_91, %mul3A_93 : i32
    "tpu.region"() ({
      %run_scoped3A = tpu.sem_alloc : memref<!tpu.dma_semaphore, #tpu.memory_space<semaphore_mem>>
      %dma_start3A_179 = tpu.memref_slice %arg6[%add3A_94] : memref<40448xf32, #tpu.memory_space<hbm>> -> memref<128xf32, #tpu.memory_space<hbm>>
      %dma_start3A_180 = tpu.memref_slice %arg6[%add3A_94] : memref<40448xf32, #tpu.memory_space<hbm>> -> memref<128xf32, #tpu.memory_space<hbm>>
      tpu.enqueue_dma source(%arg9 : memref<128xf32, #tpu.memory_space<vmem>>) target(%dma_start3A_180 : memref<128xf32, #tpu.memory_space<hbm>>) target_semaphore(%run_scoped3A : memref<!tpu.dma_semaphore, #tpu.memory_space<semaphore_mem>>)
      %dma_wait3A = tpu.memref_slice %arg6[%add3A_94] : memref<40448xf32, #tpu.memory_space<hbm>> -> memref<128xf32, #tpu.memory_space<hbm>>
      %dma_wait3A_181 = tpu.memref_slice %arg6[%add3A_94] : memref<40448xf32, #tpu.memory_space<hbm>> -> memref<128xf32, #tpu.memory_space<hbm>>
      tpu.wait_dma2 semaphore(%run_scoped3A : memref<!tpu.dma_semaphore, #tpu.memory_space<semaphore_mem>>) src(%arg9 : memref<128xf32, #tpu.memory_space<vmem>>) dst(%dma_wait3A_181 : memref<128xf32, #tpu.memory_space<hbm>>)
      tpu.yield
    }) : () -> ()
    %mul3A_95 = arith.constant 128 : i32
    %mul3A_96 = arith.muli %add3A_85, %mul3A_95 : i32
    "tpu.region"() ({
      %run_scoped3A = tpu.sem_alloc : memref<!tpu.dma_semaphore, #tpu.memory_space<semaphore_mem>>
      %dma_start3A_179 = tpu.memref_slice %arg12[%mul3A_96] : memref<10112xf32, #tpu.memory_space<vmem_shared>> -> memref<128xf32, #tpu.memory_space<vmem_shared>>
      %dma_start3A_180 = tpu.memref_slice %arg12[%mul3A_96] : memref<10112xf32, #tpu.memory_space<vmem_shared>> -> memref<128xf32, #tpu.memory_space<vmem_shared>>
      tpu.enqueue_dma source(%dma_start3A_180 : memref<128xf32, #tpu.memory_space<vmem_shared>>) target(%arg9 : memref<128xf32, #tpu.memory_space<vmem>>) target_semaphore(%run_scoped3A : memref<!tpu.dma_semaphore, #tpu.memory_space<semaphore_mem>>)
      %dma_wait3A = tpu.memref_slice %arg12[%mul3A_96] : memref<10112xf32, #tpu.memory_space<vmem_shared>> -> memref<128xf32, #tpu.memory_space<vmem_shared>>
      %dma_wait3A_181 = tpu.memref_slice %arg12[%mul3A_96] : memref<10112xf32, #tpu.memory_space<vmem_shared>> -> memref<128xf32, #tpu.memory_space<vmem_shared>>
      tpu.wait_dma2 semaphore(%run_scoped3A : memref<!tpu.dma_semaphore, #tpu.memory_space<semaphore_mem>>) src(%dma_wait3A_181 : memref<128xf32, #tpu.memory_space<vmem_shared>>) dst(%arg9 : memref<128xf32, #tpu.memory_space<vmem>>)
      tpu.yield
    }) : () -> ()
    %mul3A_97 = arith.constant 2 : i32
    %mul3A_98 = arith.muli %mul3A_97, %arg0 : i32
    %add3A_99 = arith.constant 1 : i32
    %add3A_100 = arith.addi %mul3A_98, %add3A_99 : i32
    %mul3A_101 = arith.constant 10112 : i32
    %mul3A_102 = arith.muli %add3A_100, %mul3A_101 : i32
    %mul3A_103 = arith.constant 128 : i32
    %mul3A_104 = arith.muli %add3A_85, %mul3A_103 : i32
    %add3A_105 = arith.addi %mul3A_102, %mul3A_104 : i32
    "tpu.region"() ({
      %run_scoped3A = tpu.sem_alloc : memref<!tpu.dma_semaphore, #tpu.memory_space<semaphore_mem>>
      %dma_start3A_179 = tpu.memref_slice %arg6[%add3A_105] : memref<40448xf32, #tpu.memory_space<hbm>> -> memref<128xf32, #tpu.memory_space<hbm>>
      %dma_start3A_180 = tpu.memref_slice %arg6[%add3A_105] : memref<40448xf32, #tpu.memory_space<hbm>> -> memref<128xf32, #tpu.memory_space<hbm>>
      tpu.enqueue_dma source(%arg9 : memref<128xf32, #tpu.memory_space<vmem>>) target(%dma_start3A_180 : memref<128xf32, #tpu.memory_space<hbm>>) target_semaphore(%run_scoped3A : memref<!tpu.dma_semaphore, #tpu.memory_space<semaphore_mem>>)
      %dma_wait3A = tpu.memref_slice %arg6[%add3A_105] : memref<40448xf32, #tpu.memory_space<hbm>> -> memref<128xf32, #tpu.memory_space<hbm>>
      %dma_wait3A_181 = tpu.memref_slice %arg6[%add3A_105] : memref<40448xf32, #tpu.memory_space<hbm>> -> memref<128xf32, #tpu.memory_space<hbm>>
      tpu.wait_dma2 semaphore(%run_scoped3A : memref<!tpu.dma_semaphore, #tpu.memory_space<semaphore_mem>>) src(%arg9 : memref<128xf32, #tpu.memory_space<vmem>>) dst(%dma_wait3A_181 : memref<128xf32, #tpu.memory_space<hbm>>)
      tpu.yield
    }) : () -> ()
    %add3A_106 = arith.constant 16 : i32
    %add3A_107 = arith.addi %arg1, %add3A_106 : i32
    %mul3A_108 = arith.constant 128 : i32
    %mul3A_109 = arith.muli %add3A_107, %mul3A_108 : i32
    "tpu.region"() ({
      %run_scoped3A = tpu.sem_alloc : memref<!tpu.dma_semaphore, #tpu.memory_space<semaphore_mem>>
      %dma_start3A_179 = tpu.memref_slice %arg11[%mul3A_109] : memref<10112xf32, #tpu.memory_space<vmem_shared>> -> memref<128xf32, #tpu.memory_space<vmem_shared>>
      %dma_start3A_180 = tpu.memref_slice %arg11[%mul3A_109] : memref<10112xf32, #tpu.memory_space<vmem_shared>> -> memref<128xf32, #tpu.memory_space<vmem_shared>>
      tpu.enqueue_dma source(%dma_start3A_180 : memref<128xf32, #tpu.memory_space<vmem_shared>>) target(%arg9 : memref<128xf32, #tpu.memory_space<vmem>>) target_semaphore(%run_scoped3A : memref<!tpu.dma_semaphore, #tpu.memory_space<semaphore_mem>>)
      %dma_wait3A = tpu.memref_slice %arg11[%mul3A_109] : memref<10112xf32, #tpu.memory_space<vmem_shared>> -> memref<128xf32, #tpu.memory_space<vmem_shared>>
      %dma_wait3A_181 = tpu.memref_slice %arg11[%mul3A_109] : memref<10112xf32, #tpu.memory_space<vmem_shared>> -> memref<128xf32, #tpu.memory_space<vmem_shared>>
      tpu.wait_dma2 semaphore(%run_scoped3A : memref<!tpu.dma_semaphore, #tpu.memory_space<semaphore_mem>>) src(%dma_wait3A_181 : memref<128xf32, #tpu.memory_space<vmem_shared>>) dst(%arg9 : memref<128xf32, #tpu.memory_space<vmem>>)
      tpu.yield
    }) : () -> ()
    %mul3A_110 = arith.constant 2 : i32
    %mul3A_111 = arith.muli %mul3A_110, %arg0 : i32
    %mul3A_112 = arith.constant 10112 : i32
    %mul3A_113 = arith.muli %mul3A_111, %mul3A_112 : i32
    %mul3A_114 = arith.constant 128 : i32
    %mul3A_115 = arith.muli %add3A_107, %mul3A_114 : i32
    %add3A_116 = arith.addi %mul3A_113, %mul3A_115 : i32
    "tpu.region"() ({
      %run_scoped3A = tpu.sem_alloc : memref<!tpu.dma_semaphore, #tpu.memory_space<semaphore_mem>>
      %dma_start3A_179 = tpu.memref_slice %arg6[%add3A_116] : memref<40448xf32, #tpu.memory_space<hbm>> -> memref<128xf32, #tpu.memory_space<hbm>>
      %dma_start3A_180 = tpu.memref_slice %arg6[%add3A_116] : memref<40448xf32, #tpu.memory_space<hbm>> -> memref<128xf32, #tpu.memory_space<hbm>>
      tpu.enqueue_dma source(%arg9 : memref<128xf32, #tpu.memory_space<vmem>>) target(%dma_start3A_180 : memref<128xf32, #tpu.memory_space<hbm>>) target_semaphore(%run_scoped3A : memref<!tpu.dma_semaphore, #tpu.memory_space<semaphore_mem>>)
      %dma_wait3A = tpu.memref_slice %arg6[%add3A_116] : memref<40448xf32, #tpu.memory_space<hbm>> -> memref<128xf32, #tpu.memory_space<hbm>>
      %dma_wait3A_181 = tpu.memref_slice %arg6[%add3A_116] : memref<40448xf32, #tpu.memory_space<hbm>> -> memref<128xf32, #tpu.memory_space<hbm>>
      tpu.wait_dma2 semaphore(%run_scoped3A : memref<!tpu.dma_semaphore, #tpu.memory_space<semaphore_mem>>) src(%arg9 : memref<128xf32, #tpu.memory_space<vmem>>) dst(%dma_wait3A_181 : memref<128xf32, #tpu.memory_space<hbm>>)
      tpu.yield
    }) : () -> ()
    %mul3A_117 = arith.constant 128 : i32
    %mul3A_118 = arith.muli %add3A_107, %mul3A_117 : i32
    "tpu.region"() ({
      %run_scoped3A = tpu.sem_alloc : memref<!tpu.dma_semaphore, #tpu.memory_space<semaphore_mem>>
      %dma_start3A_179 = tpu.memref_slice %arg12[%mul3A_118] : memref<10112xf32, #tpu.memory_space<vmem_shared>> -> memref<128xf32, #tpu.memory_space<vmem_shared>>
      %dma_start3A_180 = tpu.memref_slice %arg12[%mul3A_118] : memref<10112xf32, #tpu.memory_space<vmem_shared>> -> memref<128xf32, #tpu.memory_space<vmem_shared>>
      tpu.enqueue_dma source(%dma_start3A_180 : memref<128xf32, #tpu.memory_space<vmem_shared>>) target(%arg9 : memref<128xf32, #tpu.memory_space<vmem>>) target_semaphore(%run_scoped3A : memref<!tpu.dma_semaphore, #tpu.memory_space<semaphore_mem>>)
      %dma_wait3A = tpu.memref_slice %arg12[%mul3A_118] : memref<10112xf32, #tpu.memory_space<vmem_shared>> -> memref<128xf32, #tpu.memory_space<vmem_shared>>
      %dma_wait3A_181 = tpu.memref_slice %arg12[%mul3A_118] : memref<10112xf32, #tpu.memory_space<vmem_shared>> -> memref<128xf32, #tpu.memory_space<vmem_shared>>
      tpu.wait_dma2 semaphore(%run_scoped3A : memref<!tpu.dma_semaphore, #tpu.memory_space<semaphore_mem>>) src(%dma_wait3A_181 : memref<128xf32, #tpu.memory_space<vmem_shared>>) dst(%arg9 : memref<128xf32, #tpu.memory_space<vmem>>)
      tpu.yield
    }) : () -> ()
    %mul3A_119 = arith.constant 2 : i32
    %mul3A_120 = arith.muli %mul3A_119, %arg0 : i32
    %add3A_121 = arith.constant 1 : i32
    %add3A_122 = arith.addi %mul3A_120, %add3A_121 : i32
    %mul3A_123 = arith.constant 10112 : i32
    %mul3A_124 = arith.muli %add3A_122, %mul3A_123 : i32
    %mul3A_125 = arith.constant 128 : i32
    %mul3A_126 = arith.muli %add3A_107, %mul3A_125 : i32
    %add3A_127 = arith.addi %mul3A_124, %mul3A_126 : i32
    "tpu.region"() ({
      %run_scoped3A = tpu.sem_alloc : memref<!tpu.dma_semaphore, #tpu.memory_space<semaphore_mem>>
      %dma_start3A_179 = tpu.memref_slice %arg6[%add3A_127] : memref<40448xf32, #tpu.memory_space<hbm>> -> memref<128xf32, #tpu.memory_space<hbm>>
      %dma_start3A_180 = tpu.memref_slice %arg6[%add3A_127] : memref<40448xf32, #tpu.memory_space<hbm>> -> memref<128xf32, #tpu.memory_space<hbm>>
      tpu.enqueue_dma source(%arg9 : memref<128xf32, #tpu.memory_space<vmem>>) target(%dma_start3A_180 : memref<128xf32, #tpu.memory_space<hbm>>) target_semaphore(%run_scoped3A : memref<!tpu.dma_semaphore, #tpu.memory_space<semaphore_mem>>)
      %dma_wait3A = tpu.memref_slice %arg6[%add3A_127] : memref<40448xf32, #tpu.memory_space<hbm>> -> memref<128xf32, #tpu.memory_space<hbm>>
      %dma_wait3A_181 = tpu.memref_slice %arg6[%add3A_127] : memref<40448xf32, #tpu.memory_space<hbm>> -> memref<128xf32, #tpu.memory_space<hbm>>
      tpu.wait_dma2 semaphore(%run_scoped3A : memref<!tpu.dma_semaphore, #tpu.memory_space<semaphore_mem>>) src(%arg9 : memref<128xf32, #tpu.memory_space<vmem>>) dst(%dma_wait3A_181 : memref<128xf32, #tpu.memory_space<hbm>>)
      tpu.yield
    }) : () -> ()
    %add3A_128 = arith.constant 32 : i32
    %add3A_129 = arith.addi %arg1, %add3A_128 : i32
    %mul3A_130 = arith.constant 128 : i32
    %mul3A_131 = arith.muli %add3A_129, %mul3A_130 : i32
    "tpu.region"() ({
      %run_scoped3A = tpu.sem_alloc : memref<!tpu.dma_semaphore, #tpu.memory_space<semaphore_mem>>
      %dma_start3A_179 = tpu.memref_slice %arg11[%mul3A_131] : memref<10112xf32, #tpu.memory_space<vmem_shared>> -> memref<128xf32, #tpu.memory_space<vmem_shared>>
      %dma_start3A_180 = tpu.memref_slice %arg11[%mul3A_131] : memref<10112xf32, #tpu.memory_space<vmem_shared>> -> memref<128xf32, #tpu.memory_space<vmem_shared>>
      tpu.enqueue_dma source(%dma_start3A_180 : memref<128xf32, #tpu.memory_space<vmem_shared>>) target(%arg9 : memref<128xf32, #tpu.memory_space<vmem>>) target_semaphore(%run_scoped3A : memref<!tpu.dma_semaphore, #tpu.memory_space<semaphore_mem>>)
      %dma_wait3A = tpu.memref_slice %arg11[%mul3A_131] : memref<10112xf32, #tpu.memory_space<vmem_shared>> -> memref<128xf32, #tpu.memory_space<vmem_shared>>
      %dma_wait3A_181 = tpu.memref_slice %arg11[%mul3A_131] : memref<10112xf32, #tpu.memory_space<vmem_shared>> -> memref<128xf32, #tpu.memory_space<vmem_shared>>
      tpu.wait_dma2 semaphore(%run_scoped3A : memref<!tpu.dma_semaphore, #tpu.memory_space<semaphore_mem>>) src(%dma_wait3A_181 : memref<128xf32, #tpu.memory_space<vmem_shared>>) dst(%arg9 : memref<128xf32, #tpu.memory_space<vmem>>)
      tpu.yield
    }) : () -> ()
    %mul3A_132 = arith.constant 2 : i32
    %mul3A_133 = arith.muli %mul3A_132, %arg0 : i32
    %mul3A_134 = arith.constant 10112 : i32
    %mul3A_135 = arith.muli %mul3A_133, %mul3A_134 : i32
    %mul3A_136 = arith.constant 128 : i32
    %mul3A_137 = arith.muli %add3A_129, %mul3A_136 : i32
    %add3A_138 = arith.addi %mul3A_135, %mul3A_137 : i32
    "tpu.region"() ({
      %run_scoped3A = tpu.sem_alloc : memref<!tpu.dma_semaphore, #tpu.memory_space<semaphore_mem>>
      %dma_start3A_179 = tpu.memref_slice %arg6[%add3A_138] : memref<40448xf32, #tpu.memory_space<hbm>> -> memref<128xf32, #tpu.memory_space<hbm>>
      %dma_start3A_180 = tpu.memref_slice %arg6[%add3A_138] : memref<40448xf32, #tpu.memory_space<hbm>> -> memref<128xf32, #tpu.memory_space<hbm>>
      tpu.enqueue_dma source(%arg9 : memref<128xf32, #tpu.memory_space<vmem>>) target(%dma_start3A_180 : memref<128xf32, #tpu.memory_space<hbm>>) target_semaphore(%run_scoped3A : memref<!tpu.dma_semaphore, #tpu.memory_space<semaphore_mem>>)
      %dma_wait3A = tpu.memref_slice %arg6[%add3A_138] : memref<40448xf32, #tpu.memory_space<hbm>> -> memref<128xf32, #tpu.memory_space<hbm>>
      %dma_wait3A_181 = tpu.memref_slice %arg6[%add3A_138] : memref<40448xf32, #tpu.memory_space<hbm>> -> memref<128xf32, #tpu.memory_space<hbm>>
      tpu.wait_dma2 semaphore(%run_scoped3A : memref<!tpu.dma_semaphore, #tpu.memory_space<semaphore_mem>>) src(%arg9 : memref<128xf32, #tpu.memory_space<vmem>>) dst(%dma_wait3A_181 : memref<128xf32, #tpu.memory_space<hbm>>)
      tpu.yield
    }) : () -> ()
    %mul3A_139 = arith.constant 128 : i32
    %mul3A_140 = arith.muli %add3A_129, %mul3A_139 : i32
    "tpu.region"() ({
      %run_scoped3A = tpu.sem_alloc : memref<!tpu.dma_semaphore, #tpu.memory_space<semaphore_mem>>
      %dma_start3A_179 = tpu.memref_slice %arg12[%mul3A_140] : memref<10112xf32, #tpu.memory_space<vmem_shared>> -> memref<128xf32, #tpu.memory_space<vmem_shared>>
      %dma_start3A_180 = tpu.memref_slice %arg12[%mul3A_140] : memref<10112xf32, #tpu.memory_space<vmem_shared>> -> memref<128xf32, #tpu.memory_space<vmem_shared>>
      tpu.enqueue_dma source(%dma_start3A_180 : memref<128xf32, #tpu.memory_space<vmem_shared>>) target(%arg9 : memref<128xf32, #tpu.memory_space<vmem>>) target_semaphore(%run_scoped3A : memref<!tpu.dma_semaphore, #tpu.memory_space<semaphore_mem>>)
      %dma_wait3A = tpu.memref_slice %arg12[%mul3A_140] : memref<10112xf32, #tpu.memory_space<vmem_shared>> -> memref<128xf32, #tpu.memory_space<vmem_shared>>
      %dma_wait3A_181 = tpu.memref_slice %arg12[%mul3A_140] : memref<10112xf32, #tpu.memory_space<vmem_shared>> -> memref<128xf32, #tpu.memory_space<vmem_shared>>
      tpu.wait_dma2 semaphore(%run_scoped3A : memref<!tpu.dma_semaphore, #tpu.memory_space<semaphore_mem>>) src(%dma_wait3A_181 : memref<128xf32, #tpu.memory_space<vmem_shared>>) dst(%arg9 : memref<128xf32, #tpu.memory_space<vmem>>)
      tpu.yield
    }) : () -> ()
    %mul3A_141 = arith.constant 2 : i32
    %mul3A_142 = arith.muli %mul3A_141, %arg0 : i32
    %add3A_143 = arith.constant 1 : i32
    %add3A_144 = arith.addi %mul3A_142, %add3A_143 : i32
    %mul3A_145 = arith.constant 10112 : i32
    %mul3A_146 = arith.muli %add3A_144, %mul3A_145 : i32
    %mul3A_147 = arith.constant 128 : i32
    %mul3A_148 = arith.muli %add3A_129, %mul3A_147 : i32
    %add3A_149 = arith.addi %mul3A_146, %mul3A_148 : i32
    "tpu.region"() ({
      %run_scoped3A = tpu.sem_alloc : memref<!tpu.dma_semaphore, #tpu.memory_space<semaphore_mem>>
      %dma_start3A_179 = tpu.memref_slice %arg6[%add3A_149] : memref<40448xf32, #tpu.memory_space<hbm>> -> memref<128xf32, #tpu.memory_space<hbm>>
      %dma_start3A_180 = tpu.memref_slice %arg6[%add3A_149] : memref<40448xf32, #tpu.memory_space<hbm>> -> memref<128xf32, #tpu.memory_space<hbm>>
      tpu.enqueue_dma source(%arg9 : memref<128xf32, #tpu.memory_space<vmem>>) target(%dma_start3A_180 : memref<128xf32, #tpu.memory_space<hbm>>) target_semaphore(%run_scoped3A : memref<!tpu.dma_semaphore, #tpu.memory_space<semaphore_mem>>)
      %dma_wait3A = tpu.memref_slice %arg6[%add3A_149] : memref<40448xf32, #tpu.memory_space<hbm>> -> memref<128xf32, #tpu.memory_space<hbm>>
      %dma_wait3A_181 = tpu.memref_slice %arg6[%add3A_149] : memref<40448xf32, #tpu.memory_space<hbm>> -> memref<128xf32, #tpu.memory_space<hbm>>
      tpu.wait_dma2 semaphore(%run_scoped3A : memref<!tpu.dma_semaphore, #tpu.memory_space<semaphore_mem>>) src(%arg9 : memref<128xf32, #tpu.memory_space<vmem>>) dst(%dma_wait3A_181 : memref<128xf32, #tpu.memory_space<hbm>>)
      tpu.yield
    }) : () -> ()
    %add3A_150 = arith.constant 48 : i32
    %add3A_151 = arith.addi %arg1, %add3A_150 : i32
    %mul3A_152 = arith.constant 128 : i32
    %mul3A_153 = arith.muli %add3A_151, %mul3A_152 : i32
    "tpu.region"() ({
      %run_scoped3A = tpu.sem_alloc : memref<!tpu.dma_semaphore, #tpu.memory_space<semaphore_mem>>
      %dma_start3A_179 = tpu.memref_slice %arg11[%mul3A_153] : memref<10112xf32, #tpu.memory_space<vmem_shared>> -> memref<128xf32, #tpu.memory_space<vmem_shared>>
      %dma_start3A_180 = tpu.memref_slice %arg11[%mul3A_153] : memref<10112xf32, #tpu.memory_space<vmem_shared>> -> memref<128xf32, #tpu.memory_space<vmem_shared>>
      tpu.enqueue_dma source(%dma_start3A_180 : memref<128xf32, #tpu.memory_space<vmem_shared>>) target(%arg9 : memref<128xf32, #tpu.memory_space<vmem>>) target_semaphore(%run_scoped3A : memref<!tpu.dma_semaphore, #tpu.memory_space<semaphore_mem>>)
      %dma_wait3A = tpu.memref_slice %arg11[%mul3A_153] : memref<10112xf32, #tpu.memory_space<vmem_shared>> -> memref<128xf32, #tpu.memory_space<vmem_shared>>
      %dma_wait3A_181 = tpu.memref_slice %arg11[%mul3A_153] : memref<10112xf32, #tpu.memory_space<vmem_shared>> -> memref<128xf32, #tpu.memory_space<vmem_shared>>
      tpu.wait_dma2 semaphore(%run_scoped3A : memref<!tpu.dma_semaphore, #tpu.memory_space<semaphore_mem>>) src(%dma_wait3A_181 : memref<128xf32, #tpu.memory_space<vmem_shared>>) dst(%arg9 : memref<128xf32, #tpu.memory_space<vmem>>)
      tpu.yield
    }) : () -> ()
    %mul3A_154 = arith.constant 2 : i32
    %mul3A_155 = arith.muli %mul3A_154, %arg0 : i32
    %mul3A_156 = arith.constant 10112 : i32
    %mul3A_157 = arith.muli %mul3A_155, %mul3A_156 : i32
    %mul3A_158 = arith.constant 128 : i32
    %mul3A_159 = arith.muli %add3A_151, %mul3A_158 : i32
    %add3A_160 = arith.addi %mul3A_157, %mul3A_159 : i32
    "tpu.region"() ({
      %run_scoped3A = tpu.sem_alloc : memref<!tpu.dma_semaphore, #tpu.memory_space<semaphore_mem>>
      %dma_start3A_179 = tpu.memref_slice %arg6[%add3A_160] : memref<40448xf32, #tpu.memory_space<hbm>> -> memref<128xf32, #tpu.memory_space<hbm>>
      %dma_start3A_180 = tpu.memref_slice %arg6[%add3A_160] : memref<40448xf32, #tpu.memory_space<hbm>> -> memref<128xf32, #tpu.memory_space<hbm>>
      tpu.enqueue_dma source(%arg9 : memref<128xf32, #tpu.memory_space<vmem>>) target(%dma_start3A_180 : memref<128xf32, #tpu.memory_space<hbm>>) target_semaphore(%run_scoped3A : memref<!tpu.dma_semaphore, #tpu.memory_space<semaphore_mem>>)
      %dma_wait3A = tpu.memref_slice %arg6[%add3A_160] : memref<40448xf32, #tpu.memory_space<hbm>> -> memref<128xf32, #tpu.memory_space<hbm>>
      %dma_wait3A_181 = tpu.memref_slice %arg6[%add3A_160] : memref<40448xf32, #tpu.memory_space<hbm>> -> memref<128xf32, #tpu.memory_space<hbm>>
      tpu.wait_dma2 semaphore(%run_scoped3A : memref<!tpu.dma_semaphore, #tpu.memory_space<semaphore_mem>>) src(%arg9 : memref<128xf32, #tpu.memory_space<vmem>>) dst(%dma_wait3A_181 : memref<128xf32, #tpu.memory_space<hbm>>)
      tpu.yield
    }) : () -> ()
    %mul3A_161 = arith.constant 128 : i32
    %mul3A_162 = arith.muli %add3A_151, %mul3A_161 : i32
    "tpu.region"() ({
      %run_scoped3A = tpu.sem_alloc : memref<!tpu.dma_semaphore, #tpu.memory_space<semaphore_mem>>
      %dma_start3A_179 = tpu.memref_slice %arg12[%mul3A_162] : memref<10112xf32, #tpu.memory_space<vmem_shared>> -> memref<128xf32, #tpu.memory_space<vmem_shared>>
      %dma_start3A_180 = tpu.memref_slice %arg12[%mul3A_162] : memref<10112xf32, #tpu.memory_space<vmem_shared>> -> memref<128xf32, #tpu.memory_space<vmem_shared>>
      tpu.enqueue_dma source(%dma_start3A_180 : memref<128xf32, #tpu.memory_space<vmem_shared>>) target(%arg9 : memref<128xf32, #tpu.memory_space<vmem>>) target_semaphore(%run_scoped3A : memref<!tpu.dma_semaphore, #tpu.memory_space<semaphore_mem>>)
      %dma_wait3A = tpu.memref_slice %arg12[%mul3A_162] : memref<10112xf32, #tpu.memory_space<vmem_shared>> -> memref<128xf32, #tpu.memory_space<vmem_shared>>
      %dma_wait3A_181 = tpu.memref_slice %arg12[%mul3A_162] : memref<10112xf32, #tpu.memory_space<vmem_shared>> -> memref<128xf32, #tpu.memory_space<vmem_shared>>
      tpu.wait_dma2 semaphore(%run_scoped3A : memref<!tpu.dma_semaphore, #tpu.memory_space<semaphore_mem>>) src(%dma_wait3A_181 : memref<128xf32, #tpu.memory_space<vmem_shared>>) dst(%arg9 : memref<128xf32, #tpu.memory_space<vmem>>)
      tpu.yield
    }) : () -> ()
    %mul3A_163 = arith.constant 2 : i32
    %mul3A_164 = arith.muli %mul3A_163, %arg0 : i32
    %add3A_165 = arith.constant 1 : i32
    %add3A_166 = arith.addi %mul3A_164, %add3A_165 : i32
    %mul3A_167 = arith.constant 10112 : i32
    %mul3A_168 = arith.muli %add3A_166, %mul3A_167 : i32
    %mul3A_169 = arith.constant 128 : i32
    %mul3A_170 = arith.muli %add3A_151, %mul3A_169 : i32
    %add3A_171 = arith.addi %mul3A_168, %mul3A_170 : i32
    "tpu.region"() ({
      %run_scoped3A = tpu.sem_alloc : memref<!tpu.dma_semaphore, #tpu.memory_space<semaphore_mem>>
      %dma_start3A_179 = tpu.memref_slice %arg6[%add3A_171] : memref<40448xf32, #tpu.memory_space<hbm>> -> memref<128xf32, #tpu.memory_space<hbm>>
      %dma_start3A_180 = tpu.memref_slice %arg6[%add3A_171] : memref<40448xf32, #tpu.memory_space<hbm>> -> memref<128xf32, #tpu.memory_space<hbm>>
      tpu.enqueue_dma source(%arg9 : memref<128xf32, #tpu.memory_space<vmem>>) target(%dma_start3A_180 : memref<128xf32, #tpu.memory_space<hbm>>) target_semaphore(%run_scoped3A : memref<!tpu.dma_semaphore, #tpu.memory_space<semaphore_mem>>)
      %dma_wait3A = tpu.memref_slice %arg6[%add3A_171] : memref<40448xf32, #tpu.memory_space<hbm>> -> memref<128xf32, #tpu.memory_space<hbm>>
      %dma_wait3A_181 = tpu.memref_slice %arg6[%add3A_171] : memref<40448xf32, #tpu.memory_space<hbm>> -> memref<128xf32, #tpu.memory_space<hbm>>
      tpu.wait_dma2 semaphore(%run_scoped3A : memref<!tpu.dma_semaphore, #tpu.memory_space<semaphore_mem>>) src(%arg9 : memref<128xf32, #tpu.memory_space<vmem>>) dst(%dma_wait3A_181 : memref<128xf32, #tpu.memory_space<hbm>>)
      tpu.yield
    }) : () -> ()
    %add3A_172 = arith.constant 64 : i32
    %add3A_173 = arith.addi %arg1, %add3A_172 : i32
    %lt3A_174 = arith.constant 79 : i32
    %lt3A_175 = arith.cmpi slt, %add3A_173, %lt3A_174 : i32
    %convert_element_type3A_176 = arith.extui %lt3A_175 : i1 to i32
    %cond3A_177 = arith.constant 0 : i32
    %cond3A_178 = arith.cmpi ne, %convert_element_type3A_176, %cond3A_177 : i32
    scf.if %cond3A_178 {
      %mul3A_179 = arith.constant 128 : i32
      %mul3A_180 = arith.muli %add3A_173, %mul3A_179 : i32
      "tpu.region"() ({
        %run_scoped3A = tpu.sem_alloc : memref<!tpu.dma_semaphore, #tpu.memory_space<semaphore_mem>>
        %dma_start3A_199 = tpu.memref_slice %arg11[%mul3A_180] : memref<10112xf32, #tpu.memory_space<vmem_shared>> -> memref<128xf32, #tpu.memory_space<vmem_shared>>
        %dma_start3A_200 = tpu.memref_slice %arg11[%mul3A_180] : memref<10112xf32, #tpu.memory_space<vmem_shared>> -> memref<128xf32, #tpu.memory_space<vmem_shared>>
        tpu.enqueue_dma source(%dma_start3A_200 : memref<128xf32, #tpu.memory_space<vmem_shared>>) target(%arg9 : memref<128xf32, #tpu.memory_space<vmem>>) target_semaphore(%run_scoped3A : memref<!tpu.dma_semaphore, #tpu.memory_space<semaphore_mem>>)
        %dma_wait3A = tpu.memref_slice %arg11[%mul3A_180] : memref<10112xf32, #tpu.memory_space<vmem_shared>> -> memref<128xf32, #tpu.memory_space<vmem_shared>>
        %dma_wait3A_201 = tpu.memref_slice %arg11[%mul3A_180] : memref<10112xf32, #tpu.memory_space<vmem_shared>> -> memref<128xf32, #tpu.memory_space<vmem_shared>>
        tpu.wait_dma2 semaphore(%run_scoped3A : memref<!tpu.dma_semaphore, #tpu.memory_space<semaphore_mem>>) src(%dma_wait3A_201 : memref<128xf32, #tpu.memory_space<vmem_shared>>) dst(%arg9 : memref<128xf32, #tpu.memory_space<vmem>>)
        tpu.yield
      }) : () -> ()
      %mul3A_181 = arith.constant 2 : i32
      %mul3A_182 = arith.muli %mul3A_181, %arg0 : i32
      %mul3A_183 = arith.constant 10112 : i32
      %mul3A_184 = arith.muli %mul3A_182, %mul3A_183 : i32
      %mul3A_185 = arith.constant 128 : i32
      %mul3A_186 = arith.muli %add3A_173, %mul3A_185 : i32
      %add3A_187 = arith.addi %mul3A_184, %mul3A_186 : i32
      "tpu.region"() ({
        %run_scoped3A = tpu.sem_alloc : memref<!tpu.dma_semaphore, #tpu.memory_space<semaphore_mem>>
        %dma_start3A_199 = tpu.memref_slice %arg6[%add3A_187] : memref<40448xf32, #tpu.memory_space<hbm>> -> memref<128xf32, #tpu.memory_space<hbm>>
        %dma_start3A_200 = tpu.memref_slice %arg6[%add3A_187] : memref<40448xf32, #tpu.memory_space<hbm>> -> memref<128xf32, #tpu.memory_space<hbm>>
        tpu.enqueue_dma source(%arg9 : memref<128xf32, #tpu.memory_space<vmem>>) target(%dma_start3A_200 : memref<128xf32, #tpu.memory_space<hbm>>) target_semaphore(%run_scoped3A : memref<!tpu.dma_semaphore, #tpu.memory_space<semaphore_mem>>)
        %dma_wait3A = tpu.memref_slice %arg6[%add3A_187] : memref<40448xf32, #tpu.memory_space<hbm>> -> memref<128xf32, #tpu.memory_space<hbm>>
        %dma_wait3A_201 = tpu.memref_slice %arg6[%add3A_187] : memref<40448xf32, #tpu.memory_space<hbm>> -> memref<128xf32, #tpu.memory_space<hbm>>
        tpu.wait_dma2 semaphore(%run_scoped3A : memref<!tpu.dma_semaphore, #tpu.memory_space<semaphore_mem>>) src(%arg9 : memref<128xf32, #tpu.memory_space<vmem>>) dst(%dma_wait3A_201 : memref<128xf32, #tpu.memory_space<hbm>>)
        tpu.yield
      }) : () -> ()
      %mul3A_188 = arith.constant 128 : i32
      %mul3A_189 = arith.muli %add3A_173, %mul3A_188 : i32
      "tpu.region"() ({
        %run_scoped3A = tpu.sem_alloc : memref<!tpu.dma_semaphore, #tpu.memory_space<semaphore_mem>>
        %dma_start3A_199 = tpu.memref_slice %arg12[%mul3A_189] : memref<10112xf32, #tpu.memory_space<vmem_shared>> -> memref<128xf32, #tpu.memory_space<vmem_shared>>
        %dma_start3A_200 = tpu.memref_slice %arg12[%mul3A_189] : memref<10112xf32, #tpu.memory_space<vmem_shared>> -> memref<128xf32, #tpu.memory_space<vmem_shared>>
        tpu.enqueue_dma source(%dma_start3A_200 : memref<128xf32, #tpu.memory_space<vmem_shared>>) target(%arg9 : memref<128xf32, #tpu.memory_space<vmem>>) target_semaphore(%run_scoped3A : memref<!tpu.dma_semaphore, #tpu.memory_space<semaphore_mem>>)
        %dma_wait3A = tpu.memref_slice %arg12[%mul3A_189] : memref<10112xf32, #tpu.memory_space<vmem_shared>> -> memref<128xf32, #tpu.memory_space<vmem_shared>>
        %dma_wait3A_201 = tpu.memref_slice %arg12[%mul3A_189] : memref<10112xf32, #tpu.memory_space<vmem_shared>> -> memref<128xf32, #tpu.memory_space<vmem_shared>>
        tpu.wait_dma2 semaphore(%run_scoped3A : memref<!tpu.dma_semaphore, #tpu.memory_space<semaphore_mem>>) src(%dma_wait3A_201 : memref<128xf32, #tpu.memory_space<vmem_shared>>) dst(%arg9 : memref<128xf32, #tpu.memory_space<vmem>>)
        tpu.yield
      }) : () -> ()
      %mul3A_190 = arith.constant 2 : i32
      %mul3A_191 = arith.muli %mul3A_190, %arg0 : i32
      %add3A_192 = arith.constant 1 : i32
      %add3A_193 = arith.addi %mul3A_191, %add3A_192 : i32
      %mul3A_194 = arith.constant 10112 : i32
      %mul3A_195 = arith.muli %add3A_193, %mul3A_194 : i32
      %mul3A_196 = arith.constant 128 : i32
      %mul3A_197 = arith.muli %add3A_173, %mul3A_196 : i32
      %add3A_198 = arith.addi %mul3A_195, %mul3A_197 : i32
      "tpu.region"() ({
        %run_scoped3A = tpu.sem_alloc : memref<!tpu.dma_semaphore, #tpu.memory_space<semaphore_mem>>
        %dma_start3A_199 = tpu.memref_slice %arg6[%add3A_198] : memref<40448xf32, #tpu.memory_space<hbm>> -> memref<128xf32, #tpu.memory_space<hbm>>
        %dma_start3A_200 = tpu.memref_slice %arg6[%add3A_198] : memref<40448xf32, #tpu.memory_space<hbm>> -> memref<128xf32, #tpu.memory_space<hbm>>
        tpu.enqueue_dma source(%arg9 : memref<128xf32, #tpu.memory_space<vmem>>) target(%dma_start3A_200 : memref<128xf32, #tpu.memory_space<hbm>>) target_semaphore(%run_scoped3A : memref<!tpu.dma_semaphore, #tpu.memory_space<semaphore_mem>>)
        %dma_wait3A = tpu.memref_slice %arg6[%add3A_198] : memref<40448xf32, #tpu.memory_space<hbm>> -> memref<128xf32, #tpu.memory_space<hbm>>
        %dma_wait3A_201 = tpu.memref_slice %arg6[%add3A_198] : memref<40448xf32, #tpu.memory_space<hbm>> -> memref<128xf32, #tpu.memory_space<hbm>>
        tpu.wait_dma2 semaphore(%run_scoped3A : memref<!tpu.dma_semaphore, #tpu.memory_space<semaphore_mem>>) src(%arg9 : memref<128xf32, #tpu.memory_space<vmem>>) dst(%dma_wait3A_201 : memref<128xf32, #tpu.memory_space<hbm>>)
        tpu.yield
      }) : () -> ()
    } else {
    }
    return
  }
}

#map = affine_map<(d0, d1) -> (0, 0)>
#map1 = affine_map<(d0, d1) -> (0)>
#map2 = affine_map<(d0, d1) -> (0, 0, 0)>
module attributes {stable_mosaic.version = 14 : i64} {
  func.func @_agg_kernel(%arg0: i32, %arg1: i32, %arg2: memref<20224x128xf32, #tpu.memory_space<hbm>>, %arg3: memref<655360xi32, #tpu.memory_space<hbm>>, %arg4: memref<655360xi32, #tpu.memory_space<hbm>>, %arg5: memref<128x128xf32, #tpu.memory_space<hbm>>, %arg6: memref<2x10112x128xf32, #tpu.memory_space<hbm>>, %arg7: memref<128x128xf32, #tpu.memory_space<vmem>>, %arg8: memref<128x128xf32, #tpu.memory_space<vmem>>, %arg9: memref<128x128xf32, #tpu.memory_space<vmem>>, %arg10: memref<128xi32, #tpu.memory_space<vmem>>, %arg11: memref<128xi32, #tpu.memory_space<vmem>>, %arg12: memref<128xi32, #tpu.memory_space<vmem>>, %arg13: memref<128xi32, #tpu.memory_space<vmem>>, %arg14: memref<10112x128xf32, #tpu.memory_space<vmem_shared>>, %arg15: memref<!tpu.dma_semaphore, #tpu.memory_space<semaphore_mem>>, %arg16: memref<!tpu.dma_semaphore, #tpu.memory_space<semaphore_mem>>) attributes {dimension_semantics = [#tpu.dimension_semantics<core_parallel>, #tpu.dimension_semantics<subcore_parallel>], iteration_bounds = array<i64: 2, 16>, scalar_prefetch = 0 : i64, scratch_operands = 10 : i64, tpu.core_type = #tpu.core_type<sc_vector_subcore>, window_params = [{transform_indices = #map}, {transform_indices = #map1}, {transform_indices = #map1}, {transform_indices = #map}, {transform_indices = #map2}]} {
    "tpu.region"() ({
      %run_scoped3A = tpu.sem_alloc : memref<!tpu.dma_semaphore, #tpu.memory_space<semaphore_mem>>
      tpu.enqueue_dma source(%arg5 : memref<128x128xf32, #tpu.memory_space<hbm>>) target(%arg7 : memref<128x128xf32, #tpu.memory_space<vmem>>) target_semaphore(%run_scoped3A : memref<!tpu.dma_semaphore, #tpu.memory_space<semaphore_mem>>)
      tpu.wait_dma2 semaphore(%run_scoped3A : memref<!tpu.dma_semaphore, #tpu.memory_space<semaphore_mem>>) src(%arg5 : memref<128x128xf32, #tpu.memory_space<hbm>>) dst(%arg7 : memref<128x128xf32, #tpu.memory_space<vmem>>)
      tpu.yield
    }) : () -> ()
    %add3A = arith.constant 0 : i32
    %add3A_0 = arith.addi %arg1, %add3A : i32
    %mul3A = arith.constant 128 : i32
    %mul3A_1 = arith.muli %add3A_0, %mul3A : i32
    "tpu.region"() ({
      %run_scoped3A = tpu.sem_alloc : memref<!tpu.dma_semaphore, #tpu.memory_space<semaphore_mem>>
      %dma_start3A_62 = arith.constant 0 : i32
      %dma_start3A_63 = tpu.memref_slice %arg14[%mul3A_1, %dma_start3A_62] : memref<10112x128xf32, #tpu.memory_space<vmem_shared>> -> memref<128x128xf32, #tpu.memory_space<vmem_shared>>
      %dma_start3A_64 = arith.constant 0 : i32
      %dma_start3A_65 = tpu.memref_slice %arg14[%mul3A_1, %dma_start3A_64] : memref<10112x128xf32, #tpu.memory_space<vmem_shared>> -> memref<128x128xf32, #tpu.memory_space<vmem_shared>>
      tpu.enqueue_dma source(%arg7 : memref<128x128xf32, #tpu.memory_space<vmem>>) target(%dma_start3A_65 : memref<128x128xf32, #tpu.memory_space<vmem_shared>>) target_semaphore(%run_scoped3A : memref<!tpu.dma_semaphore, #tpu.memory_space<semaphore_mem>>)
      %dma_wait3A = arith.constant 0 : i32
      %dma_wait3A_66 = tpu.memref_slice %arg14[%mul3A_1, %dma_wait3A] : memref<10112x128xf32, #tpu.memory_space<vmem_shared>> -> memref<128x128xf32, #tpu.memory_space<vmem_shared>>
      %dma_wait3A_67 = arith.constant 0 : i32
      %dma_wait3A_68 = tpu.memref_slice %arg14[%mul3A_1, %dma_wait3A_67] : memref<10112x128xf32, #tpu.memory_space<vmem_shared>> -> memref<128x128xf32, #tpu.memory_space<vmem_shared>>
      tpu.wait_dma2 semaphore(%run_scoped3A : memref<!tpu.dma_semaphore, #tpu.memory_space<semaphore_mem>>) src(%arg7 : memref<128x128xf32, #tpu.memory_space<vmem>>) dst(%dma_wait3A_68 : memref<128x128xf32, #tpu.memory_space<vmem_shared>>)
      tpu.yield
    }) : () -> ()
    %add3A_2 = arith.constant 16 : i32
    %add3A_3 = arith.addi %arg1, %add3A_2 : i32
    %mul3A_4 = arith.constant 128 : i32
    %mul3A_5 = arith.muli %add3A_3, %mul3A_4 : i32
    "tpu.region"() ({
      %run_scoped3A = tpu.sem_alloc : memref<!tpu.dma_semaphore, #tpu.memory_space<semaphore_mem>>
      %dma_start3A_62 = arith.constant 0 : i32
      %dma_start3A_63 = tpu.memref_slice %arg14[%mul3A_5, %dma_start3A_62] : memref<10112x128xf32, #tpu.memory_space<vmem_shared>> -> memref<128x128xf32, #tpu.memory_space<vmem_shared>>
      %dma_start3A_64 = arith.constant 0 : i32
      %dma_start3A_65 = tpu.memref_slice %arg14[%mul3A_5, %dma_start3A_64] : memref<10112x128xf32, #tpu.memory_space<vmem_shared>> -> memref<128x128xf32, #tpu.memory_space<vmem_shared>>
      tpu.enqueue_dma source(%arg7 : memref<128x128xf32, #tpu.memory_space<vmem>>) target(%dma_start3A_65 : memref<128x128xf32, #tpu.memory_space<vmem_shared>>) target_semaphore(%run_scoped3A : memref<!tpu.dma_semaphore, #tpu.memory_space<semaphore_mem>>)
      %dma_wait3A = arith.constant 0 : i32
      %dma_wait3A_66 = tpu.memref_slice %arg14[%mul3A_5, %dma_wait3A] : memref<10112x128xf32, #tpu.memory_space<vmem_shared>> -> memref<128x128xf32, #tpu.memory_space<vmem_shared>>
      %dma_wait3A_67 = arith.constant 0 : i32
      %dma_wait3A_68 = tpu.memref_slice %arg14[%mul3A_5, %dma_wait3A_67] : memref<10112x128xf32, #tpu.memory_space<vmem_shared>> -> memref<128x128xf32, #tpu.memory_space<vmem_shared>>
      tpu.wait_dma2 semaphore(%run_scoped3A : memref<!tpu.dma_semaphore, #tpu.memory_space<semaphore_mem>>) src(%arg7 : memref<128x128xf32, #tpu.memory_space<vmem>>) dst(%dma_wait3A_68 : memref<128x128xf32, #tpu.memory_space<vmem_shared>>)
      tpu.yield
    }) : () -> ()
    %add3A_6 = arith.constant 32 : i32
    %add3A_7 = arith.addi %arg1, %add3A_6 : i32
    %mul3A_8 = arith.constant 128 : i32
    %mul3A_9 = arith.muli %add3A_7, %mul3A_8 : i32
    "tpu.region"() ({
      %run_scoped3A = tpu.sem_alloc : memref<!tpu.dma_semaphore, #tpu.memory_space<semaphore_mem>>
      %dma_start3A_62 = arith.constant 0 : i32
      %dma_start3A_63 = tpu.memref_slice %arg14[%mul3A_9, %dma_start3A_62] : memref<10112x128xf32, #tpu.memory_space<vmem_shared>> -> memref<128x128xf32, #tpu.memory_space<vmem_shared>>
      %dma_start3A_64 = arith.constant 0 : i32
      %dma_start3A_65 = tpu.memref_slice %arg14[%mul3A_9, %dma_start3A_64] : memref<10112x128xf32, #tpu.memory_space<vmem_shared>> -> memref<128x128xf32, #tpu.memory_space<vmem_shared>>
      tpu.enqueue_dma source(%arg7 : memref<128x128xf32, #tpu.memory_space<vmem>>) target(%dma_start3A_65 : memref<128x128xf32, #tpu.memory_space<vmem_shared>>) target_semaphore(%run_scoped3A : memref<!tpu.dma_semaphore, #tpu.memory_space<semaphore_mem>>)
      %dma_wait3A = arith.constant 0 : i32
      %dma_wait3A_66 = tpu.memref_slice %arg14[%mul3A_9, %dma_wait3A] : memref<10112x128xf32, #tpu.memory_space<vmem_shared>> -> memref<128x128xf32, #tpu.memory_space<vmem_shared>>
      %dma_wait3A_67 = arith.constant 0 : i32
      %dma_wait3A_68 = tpu.memref_slice %arg14[%mul3A_9, %dma_wait3A_67] : memref<10112x128xf32, #tpu.memory_space<vmem_shared>> -> memref<128x128xf32, #tpu.memory_space<vmem_shared>>
      tpu.wait_dma2 semaphore(%run_scoped3A : memref<!tpu.dma_semaphore, #tpu.memory_space<semaphore_mem>>) src(%arg7 : memref<128x128xf32, #tpu.memory_space<vmem>>) dst(%dma_wait3A_68 : memref<128x128xf32, #tpu.memory_space<vmem_shared>>)
      tpu.yield
    }) : () -> ()
    %add3A_10 = arith.constant 48 : i32
    %add3A_11 = arith.addi %arg1, %add3A_10 : i32
    %mul3A_12 = arith.constant 128 : i32
    %mul3A_13 = arith.muli %add3A_11, %mul3A_12 : i32
    "tpu.region"() ({
      %run_scoped3A = tpu.sem_alloc : memref<!tpu.dma_semaphore, #tpu.memory_space<semaphore_mem>>
      %dma_start3A_62 = arith.constant 0 : i32
      %dma_start3A_63 = tpu.memref_slice %arg14[%mul3A_13, %dma_start3A_62] : memref<10112x128xf32, #tpu.memory_space<vmem_shared>> -> memref<128x128xf32, #tpu.memory_space<vmem_shared>>
      %dma_start3A_64 = arith.constant 0 : i32
      %dma_start3A_65 = tpu.memref_slice %arg14[%mul3A_13, %dma_start3A_64] : memref<10112x128xf32, #tpu.memory_space<vmem_shared>> -> memref<128x128xf32, #tpu.memory_space<vmem_shared>>
      tpu.enqueue_dma source(%arg7 : memref<128x128xf32, #tpu.memory_space<vmem>>) target(%dma_start3A_65 : memref<128x128xf32, #tpu.memory_space<vmem_shared>>) target_semaphore(%run_scoped3A : memref<!tpu.dma_semaphore, #tpu.memory_space<semaphore_mem>>)
      %dma_wait3A = arith.constant 0 : i32
      %dma_wait3A_66 = tpu.memref_slice %arg14[%mul3A_13, %dma_wait3A] : memref<10112x128xf32, #tpu.memory_space<vmem_shared>> -> memref<128x128xf32, #tpu.memory_space<vmem_shared>>
      %dma_wait3A_67 = arith.constant 0 : i32
      %dma_wait3A_68 = tpu.memref_slice %arg14[%mul3A_13, %dma_wait3A_67] : memref<10112x128xf32, #tpu.memory_space<vmem_shared>> -> memref<128x128xf32, #tpu.memory_space<vmem_shared>>
      tpu.wait_dma2 semaphore(%run_scoped3A : memref<!tpu.dma_semaphore, #tpu.memory_space<semaphore_mem>>) src(%arg7 : memref<128x128xf32, #tpu.memory_space<vmem>>) dst(%dma_wait3A_68 : memref<128x128xf32, #tpu.memory_space<vmem_shared>>)
      tpu.yield
    }) : () -> ()
    %add3A_14 = arith.constant 64 : i32
    %add3A_15 = arith.addi %arg1, %add3A_14 : i32
    %lt3A = arith.constant 79 : i32
    %lt3A_16 = arith.cmpi slt, %add3A_15, %lt3A : i32
    %convert_element_type3A = arith.extui %lt3A_16 : i1 to i32
    %cond3A = arith.constant 0 : i32
    %cond3A_17 = arith.cmpi ne, %convert_element_type3A, %cond3A : i32
    scf.if %cond3A_17 {
      %mul3A_62 = arith.constant 128 : i32
      %mul3A_63 = arith.muli %add3A_15, %mul3A_62 : i32
      "tpu.region"() ({
        %run_scoped3A = tpu.sem_alloc : memref<!tpu.dma_semaphore, #tpu.memory_space<semaphore_mem>>
        %dma_start3A_64 = arith.constant 0 : i32
        %dma_start3A_65 = tpu.memref_slice %arg14[%mul3A_63, %dma_start3A_64] : memref<10112x128xf32, #tpu.memory_space<vmem_shared>> -> memref<128x128xf32, #tpu.memory_space<vmem_shared>>
        %dma_start3A_66 = arith.constant 0 : i32
        %dma_start3A_67 = tpu.memref_slice %arg14[%mul3A_63, %dma_start3A_66] : memref<10112x128xf32, #tpu.memory_space<vmem_shared>> -> memref<128x128xf32, #tpu.memory_space<vmem_shared>>
        tpu.enqueue_dma source(%arg7 : memref<128x128xf32, #tpu.memory_space<vmem>>) target(%dma_start3A_67 : memref<128x128xf32, #tpu.memory_space<vmem_shared>>) target_semaphore(%run_scoped3A : memref<!tpu.dma_semaphore, #tpu.memory_space<semaphore_mem>>)
        %dma_wait3A = arith.constant 0 : i32
        %dma_wait3A_68 = tpu.memref_slice %arg14[%mul3A_63, %dma_wait3A] : memref<10112x128xf32, #tpu.memory_space<vmem_shared>> -> memref<128x128xf32, #tpu.memory_space<vmem_shared>>
        %dma_wait3A_69 = arith.constant 0 : i32
        %dma_wait3A_70 = tpu.memref_slice %arg14[%mul3A_63, %dma_wait3A_69] : memref<10112x128xf32, #tpu.memory_space<vmem_shared>> -> memref<128x128xf32, #tpu.memory_space<vmem_shared>>
        tpu.wait_dma2 semaphore(%run_scoped3A : memref<!tpu.dma_semaphore, #tpu.memory_space<semaphore_mem>>) src(%arg7 : memref<128x128xf32, #tpu.memory_space<vmem>>) dst(%dma_wait3A_70 : memref<128x128xf32, #tpu.memory_space<vmem_shared>>)
        tpu.yield
      }) : () -> ()
    } else {
    }
    %barrier3A = arith.constant 0 : index
    tpu.barrier barrier_id(%barrier3A)
    %mul3A_18 = arith.constant 16 : i32
    %mul3A_19 = arith.muli %arg0, %mul3A_18 : i32
    %add3A_20 = arith.addi %mul3A_19, %arg1 : i32
    %mul3A_21 = arith.constant 20480 : i32
    %mul3A_22 = arith.muli %add3A_20, %mul3A_21 : i32
    "tpu.region"() ({
      %run_scoped3A = tpu.sem_alloc : memref<!tpu.dma_semaphore, #tpu.memory_space<semaphore_mem>>
      %dma_start3A_62 = tpu.memref_slice %arg3[%mul3A_22] : memref<655360xi32, #tpu.memory_space<hbm>> -> memref<128xi32, #tpu.memory_space<hbm>>
      %dma_start3A_63 = tpu.memref_slice %arg3[%mul3A_22] : memref<655360xi32, #tpu.memory_space<hbm>> -> memref<128xi32, #tpu.memory_space<hbm>>
      tpu.enqueue_dma source(%dma_start3A_63 : memref<128xi32, #tpu.memory_space<hbm>>) target(%arg10 : memref<128xi32, #tpu.memory_space<vmem>>) target_semaphore(%run_scoped3A : memref<!tpu.dma_semaphore, #tpu.memory_space<semaphore_mem>>)
      %dma_wait3A = tpu.memref_slice %arg3[%mul3A_22] : memref<655360xi32, #tpu.memory_space<hbm>> -> memref<128xi32, #tpu.memory_space<hbm>>
      %dma_wait3A_64 = tpu.memref_slice %arg3[%mul3A_22] : memref<655360xi32, #tpu.memory_space<hbm>> -> memref<128xi32, #tpu.memory_space<hbm>>
      tpu.wait_dma2 semaphore(%run_scoped3A : memref<!tpu.dma_semaphore, #tpu.memory_space<semaphore_mem>>) src(%dma_wait3A_64 : memref<128xi32, #tpu.memory_space<hbm>>) dst(%arg10 : memref<128xi32, #tpu.memory_space<vmem>>)
      tpu.yield
    }) : () -> ()
    "tpu.region"() ({
      %run_scoped3A = tpu.sem_alloc : memref<!tpu.dma_semaphore, #tpu.memory_space<semaphore_mem>>
      %dma_start3A_62 = tpu.memref_slice %arg4[%mul3A_22] : memref<655360xi32, #tpu.memory_space<hbm>> -> memref<128xi32, #tpu.memory_space<hbm>>
      %dma_start3A_63 = tpu.memref_slice %arg4[%mul3A_22] : memref<655360xi32, #tpu.memory_space<hbm>> -> memref<128xi32, #tpu.memory_space<hbm>>
      tpu.enqueue_dma source(%dma_start3A_63 : memref<128xi32, #tpu.memory_space<hbm>>) target(%arg11 : memref<128xi32, #tpu.memory_space<vmem>>) target_semaphore(%run_scoped3A : memref<!tpu.dma_semaphore, #tpu.memory_space<semaphore_mem>>)
      %dma_wait3A = tpu.memref_slice %arg4[%mul3A_22] : memref<655360xi32, #tpu.memory_space<hbm>> -> memref<128xi32, #tpu.memory_space<hbm>>
      %dma_wait3A_64 = tpu.memref_slice %arg4[%mul3A_22] : memref<655360xi32, #tpu.memory_space<hbm>> -> memref<128xi32, #tpu.memory_space<hbm>>
      tpu.wait_dma2 semaphore(%run_scoped3A : memref<!tpu.dma_semaphore, #tpu.memory_space<semaphore_mem>>) src(%dma_wait3A_64 : memref<128xi32, #tpu.memory_space<hbm>>) dst(%arg11 : memref<128xi32, #tpu.memory_space<vmem>>)
      tpu.yield
    }) : () -> ()
    %dma_start3A = arith.constant 0 : i32
    %dma_start3A_23 = arith.constant 0 : i32
    %dma_start3A_24 = tpu.memref_slice %arg2[%dma_start3A, %dma_start3A_23] : memref<20224x128xf32, #tpu.memory_space<hbm>> -> memref<20224x128xf32, #tpu.memory_space<hbm>>
    tpu.enqueue_indirect_dma source(%dma_start3A_24 : memref<20224x128xf32, #tpu.memory_space<hbm>>) target(%arg8 : memref<128x128xf32, #tpu.memory_space<vmem>>) offsets(%arg10 : memref<128xi32, #tpu.memory_space<vmem>>) semaphore(%arg15 : memref<!tpu.dma_semaphore, #tpu.memory_space<semaphore_mem>>)
    %scan3A = arith.constant 0 : i32
    %scan3A_25 = arith.constant 0 : i32
    %scan3A_26 = arith.constant 79 : i32
    %scan3A_27 = arith.addi %scan3A_25, %scan3A_26 : i32
    %scan3A_28 = arith.constant 1 : i32
    scf.for %scan3A_62 = %scan3A_25 to %scan3A_27 step %scan3A_28  : i32 {
      %mul3A_63 = arith.constant 2 : i32
      %mul3A_64 = arith.muli %mul3A_63, %scan3A_62 : i32
      %add3A_65 = arith.constant 1 : i32
      %add3A_66 = arith.addi %mul3A_64, %add3A_65 : i32
      %mul3A_67 = arith.constant 128 : i32
      %mul3A_68 = arith.muli %add3A_66, %mul3A_67 : i32
      %add3A_69 = arith.addi %mul3A_22, %mul3A_68 : i32
      "tpu.region"() ({
        %run_scoped3A = tpu.sem_alloc : memref<!tpu.dma_semaphore, #tpu.memory_space<semaphore_mem>>
        %dma_start3A_87 = tpu.memref_slice %arg3[%add3A_69] : memref<655360xi32, #tpu.memory_space<hbm>> -> memref<128xi32, #tpu.memory_space<hbm>>
        %dma_start3A_88 = tpu.memref_slice %arg3[%add3A_69] : memref<655360xi32, #tpu.memory_space<hbm>> -> memref<128xi32, #tpu.memory_space<hbm>>
        tpu.enqueue_dma source(%dma_start3A_88 : memref<128xi32, #tpu.memory_space<hbm>>) target(%arg12 : memref<128xi32, #tpu.memory_space<vmem>>) target_semaphore(%run_scoped3A : memref<!tpu.dma_semaphore, #tpu.memory_space<semaphore_mem>>)
        %dma_wait3A_89 = tpu.memref_slice %arg3[%add3A_69] : memref<655360xi32, #tpu.memory_space<hbm>> -> memref<128xi32, #tpu.memory_space<hbm>>
        %dma_wait3A_90 = tpu.memref_slice %arg3[%add3A_69] : memref<655360xi32, #tpu.memory_space<hbm>> -> memref<128xi32, #tpu.memory_space<hbm>>
        tpu.wait_dma2 semaphore(%run_scoped3A : memref<!tpu.dma_semaphore, #tpu.memory_space<semaphore_mem>>) src(%dma_wait3A_90 : memref<128xi32, #tpu.memory_space<hbm>>) dst(%arg12 : memref<128xi32, #tpu.memory_space<vmem>>)
        tpu.yield
      }) : () -> ()
      "tpu.region"() ({
        %run_scoped3A = tpu.sem_alloc : memref<!tpu.dma_semaphore, #tpu.memory_space<semaphore_mem>>
        %dma_start3A_87 = tpu.memref_slice %arg4[%add3A_69] : memref<655360xi32, #tpu.memory_space<hbm>> -> memref<128xi32, #tpu.memory_space<hbm>>
        %dma_start3A_88 = tpu.memref_slice %arg4[%add3A_69] : memref<655360xi32, #tpu.memory_space<hbm>> -> memref<128xi32, #tpu.memory_space<hbm>>
        tpu.enqueue_dma source(%dma_start3A_88 : memref<128xi32, #tpu.memory_space<hbm>>) target(%arg13 : memref<128xi32, #tpu.memory_space<vmem>>) target_semaphore(%run_scoped3A : memref<!tpu.dma_semaphore, #tpu.memory_space<semaphore_mem>>)
        %dma_wait3A_89 = tpu.memref_slice %arg4[%add3A_69] : memref<655360xi32, #tpu.memory_space<hbm>> -> memref<128xi32, #tpu.memory_space<hbm>>
        %dma_wait3A_90 = tpu.memref_slice %arg4[%add3A_69] : memref<655360xi32, #tpu.memory_space<hbm>> -> memref<128xi32, #tpu.memory_space<hbm>>
        tpu.wait_dma2 semaphore(%run_scoped3A : memref<!tpu.dma_semaphore, #tpu.memory_space<semaphore_mem>>) src(%dma_wait3A_90 : memref<128xi32, #tpu.memory_space<hbm>>) dst(%arg13 : memref<128xi32, #tpu.memory_space<vmem>>)
        tpu.yield
      }) : () -> ()
      %dma_start3A_70 = arith.constant 0 : i32
      %dma_start3A_71 = arith.constant 0 : i32
      %dma_start3A_72 = tpu.memref_slice %arg2[%dma_start3A_70, %dma_start3A_71] : memref<20224x128xf32, #tpu.memory_space<hbm>> -> memref<20224x128xf32, #tpu.memory_space<hbm>>
      tpu.enqueue_indirect_dma source(%dma_start3A_72 : memref<20224x128xf32, #tpu.memory_space<hbm>>) target(%arg9 : memref<128x128xf32, #tpu.memory_space<vmem>>) offsets(%arg12 : memref<128xi32, #tpu.memory_space<vmem>>) semaphore(%arg16 : memref<!tpu.dma_semaphore, #tpu.memory_space<semaphore_mem>>)
      %dma_wait3A = arith.constant 0 : i32
      %dma_wait3A_73 = arith.constant 0 : i32
      %dma_wait3A_74 = tpu.memref_slice %arg2[%dma_wait3A, %dma_wait3A_73] : memref<20224x128xf32, #tpu.memory_space<hbm>> -> memref<20224x128xf32, #tpu.memory_space<hbm>>
      tpu.wait_indirect_dma semaphore(%arg15 : memref<!tpu.dma_semaphore, #tpu.memory_space<semaphore_mem>>) src(%dma_wait3A_74 : memref<20224x128xf32, #tpu.memory_space<hbm>>) dst(%arg8 : memref<128x128xf32, #tpu.memory_space<vmem>>)
      "tpu.region"() ({
        %run_scoped3A = tpu.sem_alloc : memref<!tpu.dma_semaphore, #tpu.memory_space<semaphore_mem>>
        %dma_start3A_87 = arith.constant 0 : i32
        %dma_start3A_88 = arith.constant 0 : i32
        %dma_start3A_89 = tpu.memref_slice %arg14[%dma_start3A_87, %dma_start3A_88] : memref<10112x128xf32, #tpu.memory_space<vmem_shared>> -> memref<10112x128xf32, #tpu.memory_space<vmem_shared>>
        tpu.enqueue_indirect_dma source(%arg8 : memref<128x128xf32, #tpu.memory_space<vmem>>) target(%dma_start3A_89 : memref<10112x128xf32, #tpu.memory_space<vmem_shared>>) offsets(%arg11 : memref<128xi32, #tpu.memory_space<vmem>>) semaphore(%run_scoped3A : memref<!tpu.dma_semaphore, #tpu.memory_space<semaphore_mem>>) {add = true}
        %dma_wait3A_90 = arith.constant 0 : i32
        %dma_wait3A_91 = arith.constant 0 : i32
        %dma_wait3A_92 = tpu.memref_slice %arg14[%dma_wait3A_90, %dma_wait3A_91] : memref<10112x128xf32, #tpu.memory_space<vmem_shared>> -> memref<10112x128xf32, #tpu.memory_space<vmem_shared>>
        tpu.wait_indirect_dma semaphore(%run_scoped3A : memref<!tpu.dma_semaphore, #tpu.memory_space<semaphore_mem>>) src(%arg8 : memref<128x128xf32, #tpu.memory_space<vmem>>) dst(%dma_wait3A_92 : memref<10112x128xf32, #tpu.memory_space<vmem_shared>>)
        tpu.yield
      }) : () -> ()
      %mul3A_75 = arith.constant 2 : i32
      %mul3A_76 = arith.muli %mul3A_75, %scan3A_62 : i32
      %add3A_77 = arith.constant 2 : i32
      %add3A_78 = arith.addi %mul3A_76, %add3A_77 : i32
      %lt3A_79 = arith.constant 158 : i32
      %lt3A_80 = arith.cmpi slt, %add3A_78, %lt3A_79 : i32
      %convert_element_type3A_81 = arith.extui %lt3A_80 : i1 to i32
      %cond3A_82 = arith.constant 0 : i32
      %cond3A_83 = arith.cmpi ne, %convert_element_type3A_81, %cond3A_82 : i32
      scf.if %cond3A_83 {
        %mul3A_87 = arith.constant 2 : i32
        %mul3A_88 = arith.muli %mul3A_87, %scan3A_62 : i32
        %add3A_89 = arith.constant 2 : i32
        %add3A_90 = arith.addi %mul3A_88, %add3A_89 : i32
        %mul3A_91 = arith.constant 128 : i32
        %mul3A_92 = arith.muli %add3A_90, %mul3A_91 : i32
        %add3A_93 = arith.addi %mul3A_22, %mul3A_92 : i32
        "tpu.region"() ({
          %run_scoped3A = tpu.sem_alloc : memref<!tpu.dma_semaphore, #tpu.memory_space<semaphore_mem>>
          %dma_start3A_97 = tpu.memref_slice %arg3[%add3A_93] : memref<655360xi32, #tpu.memory_space<hbm>> -> memref<128xi32, #tpu.memory_space<hbm>>
          %dma_start3A_98 = tpu.memref_slice %arg3[%add3A_93] : memref<655360xi32, #tpu.memory_space<hbm>> -> memref<128xi32, #tpu.memory_space<hbm>>
          tpu.enqueue_dma source(%dma_start3A_98 : memref<128xi32, #tpu.memory_space<hbm>>) target(%arg10 : memref<128xi32, #tpu.memory_space<vmem>>) target_semaphore(%run_scoped3A : memref<!tpu.dma_semaphore, #tpu.memory_space<semaphore_mem>>)
          %dma_wait3A_99 = tpu.memref_slice %arg3[%add3A_93] : memref<655360xi32, #tpu.memory_space<hbm>> -> memref<128xi32, #tpu.memory_space<hbm>>
          %dma_wait3A_100 = tpu.memref_slice %arg3[%add3A_93] : memref<655360xi32, #tpu.memory_space<hbm>> -> memref<128xi32, #tpu.memory_space<hbm>>
          tpu.wait_dma2 semaphore(%run_scoped3A : memref<!tpu.dma_semaphore, #tpu.memory_space<semaphore_mem>>) src(%dma_wait3A_100 : memref<128xi32, #tpu.memory_space<hbm>>) dst(%arg10 : memref<128xi32, #tpu.memory_space<vmem>>)
          tpu.yield
        }) : () -> ()
        "tpu.region"() ({
          %run_scoped3A = tpu.sem_alloc : memref<!tpu.dma_semaphore, #tpu.memory_space<semaphore_mem>>
          %dma_start3A_97 = tpu.memref_slice %arg4[%add3A_93] : memref<655360xi32, #tpu.memory_space<hbm>> -> memref<128xi32, #tpu.memory_space<hbm>>
          %dma_start3A_98 = tpu.memref_slice %arg4[%add3A_93] : memref<655360xi32, #tpu.memory_space<hbm>> -> memref<128xi32, #tpu.memory_space<hbm>>
          tpu.enqueue_dma source(%dma_start3A_98 : memref<128xi32, #tpu.memory_space<hbm>>) target(%arg11 : memref<128xi32, #tpu.memory_space<vmem>>) target_semaphore(%run_scoped3A : memref<!tpu.dma_semaphore, #tpu.memory_space<semaphore_mem>>)
          %dma_wait3A_99 = tpu.memref_slice %arg4[%add3A_93] : memref<655360xi32, #tpu.memory_space<hbm>> -> memref<128xi32, #tpu.memory_space<hbm>>
          %dma_wait3A_100 = tpu.memref_slice %arg4[%add3A_93] : memref<655360xi32, #tpu.memory_space<hbm>> -> memref<128xi32, #tpu.memory_space<hbm>>
          tpu.wait_dma2 semaphore(%run_scoped3A : memref<!tpu.dma_semaphore, #tpu.memory_space<semaphore_mem>>) src(%dma_wait3A_100 : memref<128xi32, #tpu.memory_space<hbm>>) dst(%arg11 : memref<128xi32, #tpu.memory_space<vmem>>)
          tpu.yield
        }) : () -> ()
        %dma_start3A_94 = arith.constant 0 : i32
        %dma_start3A_95 = arith.constant 0 : i32
        %dma_start3A_96 = tpu.memref_slice %arg2[%dma_start3A_94, %dma_start3A_95] : memref<20224x128xf32, #tpu.memory_space<hbm>> -> memref<20224x128xf32, #tpu.memory_space<hbm>>
        tpu.enqueue_indirect_dma source(%dma_start3A_96 : memref<20224x128xf32, #tpu.memory_space<hbm>>) target(%arg8 : memref<128x128xf32, #tpu.memory_space<vmem>>) offsets(%arg10 : memref<128xi32, #tpu.memory_space<vmem>>) semaphore(%arg15 : memref<!tpu.dma_semaphore, #tpu.memory_space<semaphore_mem>>)
      } else {
      }
      %dma_wait3A_84 = arith.constant 0 : i32
      %dma_wait3A_85 = arith.constant 0 : i32
      %dma_wait3A_86 = tpu.memref_slice %arg2[%dma_wait3A_84, %dma_wait3A_85] : memref<20224x128xf32, #tpu.memory_space<hbm>> -> memref<20224x128xf32, #tpu.memory_space<hbm>>
      tpu.wait_indirect_dma semaphore(%arg16 : memref<!tpu.dma_semaphore, #tpu.memory_space<semaphore_mem>>) src(%dma_wait3A_86 : memref<20224x128xf32, #tpu.memory_space<hbm>>) dst(%arg9 : memref<128x128xf32, #tpu.memory_space<vmem>>)
      "tpu.region"() ({
        %run_scoped3A = tpu.sem_alloc : memref<!tpu.dma_semaphore, #tpu.memory_space<semaphore_mem>>
        %dma_start3A_87 = arith.constant 0 : i32
        %dma_start3A_88 = arith.constant 0 : i32
        %dma_start3A_89 = tpu.memref_slice %arg14[%dma_start3A_87, %dma_start3A_88] : memref<10112x128xf32, #tpu.memory_space<vmem_shared>> -> memref<10112x128xf32, #tpu.memory_space<vmem_shared>>
        tpu.enqueue_indirect_dma source(%arg9 : memref<128x128xf32, #tpu.memory_space<vmem>>) target(%dma_start3A_89 : memref<10112x128xf32, #tpu.memory_space<vmem_shared>>) offsets(%arg13 : memref<128xi32, #tpu.memory_space<vmem>>) semaphore(%run_scoped3A : memref<!tpu.dma_semaphore, #tpu.memory_space<semaphore_mem>>) {add = true}
        %dma_wait3A_90 = arith.constant 0 : i32
        %dma_wait3A_91 = arith.constant 0 : i32
        %dma_wait3A_92 = tpu.memref_slice %arg14[%dma_wait3A_90, %dma_wait3A_91] : memref<10112x128xf32, #tpu.memory_space<vmem_shared>> -> memref<10112x128xf32, #tpu.memory_space<vmem_shared>>
        tpu.wait_indirect_dma semaphore(%run_scoped3A : memref<!tpu.dma_semaphore, #tpu.memory_space<semaphore_mem>>) src(%arg9 : memref<128x128xf32, #tpu.memory_space<vmem>>) dst(%dma_wait3A_92 : memref<10112x128xf32, #tpu.memory_space<vmem_shared>>)
        tpu.yield
      }) : () -> ()
    }
    %scan3A_29 = arith.constant 79 : i32
    %barrier3A_30 = arith.constant 0 : index
    tpu.barrier barrier_id(%barrier3A_30)
    %add3A_31 = arith.constant 0 : i32
    %add3A_32 = arith.addi %arg1, %add3A_31 : i32
    %mul3A_33 = arith.constant 128 : i32
    %mul3A_34 = arith.muli %add3A_32, %mul3A_33 : i32
    "tpu.region"() ({
      %run_scoped3A = tpu.sem_alloc : memref<!tpu.dma_semaphore, #tpu.memory_space<semaphore_mem>>
      %dma_start3A_62 = arith.constant 0 : i32
      %dma_start3A_63 = tpu.memref_slice %arg14[%mul3A_34, %dma_start3A_62] : memref<10112x128xf32, #tpu.memory_space<vmem_shared>> -> memref<128x128xf32, #tpu.memory_space<vmem_shared>>
      %dma_start3A_64 = arith.constant 0 : i32
      %dma_start3A_65 = tpu.memref_slice %arg14[%mul3A_34, %dma_start3A_64] : memref<10112x128xf32, #tpu.memory_space<vmem_shared>> -> memref<128x128xf32, #tpu.memory_space<vmem_shared>>
      tpu.enqueue_dma source(%dma_start3A_65 : memref<128x128xf32, #tpu.memory_space<vmem_shared>>) target(%arg7 : memref<128x128xf32, #tpu.memory_space<vmem>>) target_semaphore(%run_scoped3A : memref<!tpu.dma_semaphore, #tpu.memory_space<semaphore_mem>>)
      %dma_wait3A = arith.constant 0 : i32
      %dma_wait3A_66 = tpu.memref_slice %arg14[%mul3A_34, %dma_wait3A] : memref<10112x128xf32, #tpu.memory_space<vmem_shared>> -> memref<128x128xf32, #tpu.memory_space<vmem_shared>>
      %dma_wait3A_67 = arith.constant 0 : i32
      %dma_wait3A_68 = tpu.memref_slice %arg14[%mul3A_34, %dma_wait3A_67] : memref<10112x128xf32, #tpu.memory_space<vmem_shared>> -> memref<128x128xf32, #tpu.memory_space<vmem_shared>>
      tpu.wait_dma2 semaphore(%run_scoped3A : memref<!tpu.dma_semaphore, #tpu.memory_space<semaphore_mem>>) src(%dma_wait3A_68 : memref<128x128xf32, #tpu.memory_space<vmem_shared>>) dst(%arg7 : memref<128x128xf32, #tpu.memory_space<vmem>>)
      tpu.yield
    }) : () -> ()
    %mul3A_35 = arith.constant 128 : i32
    %mul3A_36 = arith.muli %add3A_32, %mul3A_35 : i32
    "tpu.region"() ({
      %run_scoped3A = tpu.sem_alloc : memref<!tpu.dma_semaphore, #tpu.memory_space<semaphore_mem>>
      %dma_start3A_62 = arith.constant 0 : i32
      %dma_start3A_63 = tpu.memref_slice %arg6[%arg0, %mul3A_36, %dma_start3A_62] : memref<2x10112x128xf32, #tpu.memory_space<hbm>> -> memref<1x128x128xf32, #tpu.memory_space<hbm>>
      %dma_start3A_64 = tpu.memref_squeeze %dma_start3A_63 : memref<1x128x128xf32, #tpu.memory_space<hbm>> -> memref<128x128xf32, #tpu.memory_space<hbm>>
      %dma_start3A_65 = arith.constant 0 : i32
      %dma_start3A_66 = tpu.memref_slice %arg6[%arg0, %mul3A_36, %dma_start3A_65] : memref<2x10112x128xf32, #tpu.memory_space<hbm>> -> memref<1x128x128xf32, #tpu.memory_space<hbm>>
      %dma_start3A_67 = tpu.memref_squeeze %dma_start3A_66 : memref<1x128x128xf32, #tpu.memory_space<hbm>> -> memref<128x128xf32, #tpu.memory_space<hbm>>
      tpu.enqueue_dma source(%arg7 : memref<128x128xf32, #tpu.memory_space<vmem>>) target(%dma_start3A_67 : memref<128x128xf32, #tpu.memory_space<hbm>>) target_semaphore(%run_scoped3A : memref<!tpu.dma_semaphore, #tpu.memory_space<semaphore_mem>>)
      %dma_wait3A = arith.constant 0 : i32
      %dma_wait3A_68 = tpu.memref_slice %arg6[%arg0, %mul3A_36, %dma_wait3A] : memref<2x10112x128xf32, #tpu.memory_space<hbm>> -> memref<1x128x128xf32, #tpu.memory_space<hbm>>
      %dma_wait3A_69 = tpu.memref_squeeze %dma_wait3A_68 : memref<1x128x128xf32, #tpu.memory_space<hbm>> -> memref<128x128xf32, #tpu.memory_space<hbm>>
      %dma_wait3A_70 = arith.constant 0 : i32
      %dma_wait3A_71 = tpu.memref_slice %arg6[%arg0, %mul3A_36, %dma_wait3A_70] : memref<2x10112x128xf32, #tpu.memory_space<hbm>> -> memref<1x128x128xf32, #tpu.memory_space<hbm>>
      %dma_wait3A_72 = tpu.memref_squeeze %dma_wait3A_71 : memref<1x128x128xf32, #tpu.memory_space<hbm>> -> memref<128x128xf32, #tpu.memory_space<hbm>>
      tpu.wait_dma2 semaphore(%run_scoped3A : memref<!tpu.dma_semaphore, #tpu.memory_space<semaphore_mem>>) src(%arg7 : memref<128x128xf32, #tpu.memory_space<vmem>>) dst(%dma_wait3A_72 : memref<128x128xf32, #tpu.memory_space<hbm>>)
      tpu.yield
    }) : () -> ()
    %add3A_37 = arith.constant 16 : i32
    %add3A_38 = arith.addi %arg1, %add3A_37 : i32
    %mul3A_39 = arith.constant 128 : i32
    %mul3A_40 = arith.muli %add3A_38, %mul3A_39 : i32
    "tpu.region"() ({
      %run_scoped3A = tpu.sem_alloc : memref<!tpu.dma_semaphore, #tpu.memory_space<semaphore_mem>>
      %dma_start3A_62 = arith.constant 0 : i32
      %dma_start3A_63 = tpu.memref_slice %arg14[%mul3A_40, %dma_start3A_62] : memref<10112x128xf32, #tpu.memory_space<vmem_shared>> -> memref<128x128xf32, #tpu.memory_space<vmem_shared>>
      %dma_start3A_64 = arith.constant 0 : i32
      %dma_start3A_65 = tpu.memref_slice %arg14[%mul3A_40, %dma_start3A_64] : memref<10112x128xf32, #tpu.memory_space<vmem_shared>> -> memref<128x128xf32, #tpu.memory_space<vmem_shared>>
      tpu.enqueue_dma source(%dma_start3A_65 : memref<128x128xf32, #tpu.memory_space<vmem_shared>>) target(%arg7 : memref<128x128xf32, #tpu.memory_space<vmem>>) target_semaphore(%run_scoped3A : memref<!tpu.dma_semaphore, #tpu.memory_space<semaphore_mem>>)
      %dma_wait3A = arith.constant 0 : i32
      %dma_wait3A_66 = tpu.memref_slice %arg14[%mul3A_40, %dma_wait3A] : memref<10112x128xf32, #tpu.memory_space<vmem_shared>> -> memref<128x128xf32, #tpu.memory_space<vmem_shared>>
      %dma_wait3A_67 = arith.constant 0 : i32
      %dma_wait3A_68 = tpu.memref_slice %arg14[%mul3A_40, %dma_wait3A_67] : memref<10112x128xf32, #tpu.memory_space<vmem_shared>> -> memref<128x128xf32, #tpu.memory_space<vmem_shared>>
      tpu.wait_dma2 semaphore(%run_scoped3A : memref<!tpu.dma_semaphore, #tpu.memory_space<semaphore_mem>>) src(%dma_wait3A_68 : memref<128x128xf32, #tpu.memory_space<vmem_shared>>) dst(%arg7 : memref<128x128xf32, #tpu.memory_space<vmem>>)
      tpu.yield
    }) : () -> ()
    %mul3A_41 = arith.constant 128 : i32
    %mul3A_42 = arith.muli %add3A_38, %mul3A_41 : i32
    "tpu.region"() ({
      %run_scoped3A = tpu.sem_alloc : memref<!tpu.dma_semaphore, #tpu.memory_space<semaphore_mem>>
      %dma_start3A_62 = arith.constant 0 : i32
      %dma_start3A_63 = tpu.memref_slice %arg6[%arg0, %mul3A_42, %dma_start3A_62] : memref<2x10112x128xf32, #tpu.memory_space<hbm>> -> memref<1x128x128xf32, #tpu.memory_space<hbm>>
      %dma_start3A_64 = tpu.memref_squeeze %dma_start3A_63 : memref<1x128x128xf32, #tpu.memory_space<hbm>> -> memref<128x128xf32, #tpu.memory_space<hbm>>
      %dma_start3A_65 = arith.constant 0 : i32
      %dma_start3A_66 = tpu.memref_slice %arg6[%arg0, %mul3A_42, %dma_start3A_65] : memref<2x10112x128xf32, #tpu.memory_space<hbm>> -> memref<1x128x128xf32, #tpu.memory_space<hbm>>
      %dma_start3A_67 = tpu.memref_squeeze %dma_start3A_66 : memref<1x128x128xf32, #tpu.memory_space<hbm>> -> memref<128x128xf32, #tpu.memory_space<hbm>>
      tpu.enqueue_dma source(%arg7 : memref<128x128xf32, #tpu.memory_space<vmem>>) target(%dma_start3A_67 : memref<128x128xf32, #tpu.memory_space<hbm>>) target_semaphore(%run_scoped3A : memref<!tpu.dma_semaphore, #tpu.memory_space<semaphore_mem>>)
      %dma_wait3A = arith.constant 0 : i32
      %dma_wait3A_68 = tpu.memref_slice %arg6[%arg0, %mul3A_42, %dma_wait3A] : memref<2x10112x128xf32, #tpu.memory_space<hbm>> -> memref<1x128x128xf32, #tpu.memory_space<hbm>>
      %dma_wait3A_69 = tpu.memref_squeeze %dma_wait3A_68 : memref<1x128x128xf32, #tpu.memory_space<hbm>> -> memref<128x128xf32, #tpu.memory_space<hbm>>
      %dma_wait3A_70 = arith.constant 0 : i32
      %dma_wait3A_71 = tpu.memref_slice %arg6[%arg0, %mul3A_42, %dma_wait3A_70] : memref<2x10112x128xf32, #tpu.memory_space<hbm>> -> memref<1x128x128xf32, #tpu.memory_space<hbm>>
      %dma_wait3A_72 = tpu.memref_squeeze %dma_wait3A_71 : memref<1x128x128xf32, #tpu.memory_space<hbm>> -> memref<128x128xf32, #tpu.memory_space<hbm>>
      tpu.wait_dma2 semaphore(%run_scoped3A : memref<!tpu.dma_semaphore, #tpu.memory_space<semaphore_mem>>) src(%arg7 : memref<128x128xf32, #tpu.memory_space<vmem>>) dst(%dma_wait3A_72 : memref<128x128xf32, #tpu.memory_space<hbm>>)
      tpu.yield
    }) : () -> ()
    %add3A_43 = arith.constant 32 : i32
    %add3A_44 = arith.addi %arg1, %add3A_43 : i32
    %mul3A_45 = arith.constant 128 : i32
    %mul3A_46 = arith.muli %add3A_44, %mul3A_45 : i32
    "tpu.region"() ({
      %run_scoped3A = tpu.sem_alloc : memref<!tpu.dma_semaphore, #tpu.memory_space<semaphore_mem>>
      %dma_start3A_62 = arith.constant 0 : i32
      %dma_start3A_63 = tpu.memref_slice %arg14[%mul3A_46, %dma_start3A_62] : memref<10112x128xf32, #tpu.memory_space<vmem_shared>> -> memref<128x128xf32, #tpu.memory_space<vmem_shared>>
      %dma_start3A_64 = arith.constant 0 : i32
      %dma_start3A_65 = tpu.memref_slice %arg14[%mul3A_46, %dma_start3A_64] : memref<10112x128xf32, #tpu.memory_space<vmem_shared>> -> memref<128x128xf32, #tpu.memory_space<vmem_shared>>
      tpu.enqueue_dma source(%dma_start3A_65 : memref<128x128xf32, #tpu.memory_space<vmem_shared>>) target(%arg7 : memref<128x128xf32, #tpu.memory_space<vmem>>) target_semaphore(%run_scoped3A : memref<!tpu.dma_semaphore, #tpu.memory_space<semaphore_mem>>)
      %dma_wait3A = arith.constant 0 : i32
      %dma_wait3A_66 = tpu.memref_slice %arg14[%mul3A_46, %dma_wait3A] : memref<10112x128xf32, #tpu.memory_space<vmem_shared>> -> memref<128x128xf32, #tpu.memory_space<vmem_shared>>
      %dma_wait3A_67 = arith.constant 0 : i32
      %dma_wait3A_68 = tpu.memref_slice %arg14[%mul3A_46, %dma_wait3A_67] : memref<10112x128xf32, #tpu.memory_space<vmem_shared>> -> memref<128x128xf32, #tpu.memory_space<vmem_shared>>
      tpu.wait_dma2 semaphore(%run_scoped3A : memref<!tpu.dma_semaphore, #tpu.memory_space<semaphore_mem>>) src(%dma_wait3A_68 : memref<128x128xf32, #tpu.memory_space<vmem_shared>>) dst(%arg7 : memref<128x128xf32, #tpu.memory_space<vmem>>)
      tpu.yield
    }) : () -> ()
    %mul3A_47 = arith.constant 128 : i32
    %mul3A_48 = arith.muli %add3A_44, %mul3A_47 : i32
    "tpu.region"() ({
      %run_scoped3A = tpu.sem_alloc : memref<!tpu.dma_semaphore, #tpu.memory_space<semaphore_mem>>
      %dma_start3A_62 = arith.constant 0 : i32
      %dma_start3A_63 = tpu.memref_slice %arg6[%arg0, %mul3A_48, %dma_start3A_62] : memref<2x10112x128xf32, #tpu.memory_space<hbm>> -> memref<1x128x128xf32, #tpu.memory_space<hbm>>
      %dma_start3A_64 = tpu.memref_squeeze %dma_start3A_63 : memref<1x128x128xf32, #tpu.memory_space<hbm>> -> memref<128x128xf32, #tpu.memory_space<hbm>>
      %dma_start3A_65 = arith.constant 0 : i32
      %dma_start3A_66 = tpu.memref_slice %arg6[%arg0, %mul3A_48, %dma_start3A_65] : memref<2x10112x128xf32, #tpu.memory_space<hbm>> -> memref<1x128x128xf32, #tpu.memory_space<hbm>>
      %dma_start3A_67 = tpu.memref_squeeze %dma_start3A_66 : memref<1x128x128xf32, #tpu.memory_space<hbm>> -> memref<128x128xf32, #tpu.memory_space<hbm>>
      tpu.enqueue_dma source(%arg7 : memref<128x128xf32, #tpu.memory_space<vmem>>) target(%dma_start3A_67 : memref<128x128xf32, #tpu.memory_space<hbm>>) target_semaphore(%run_scoped3A : memref<!tpu.dma_semaphore, #tpu.memory_space<semaphore_mem>>)
      %dma_wait3A = arith.constant 0 : i32
      %dma_wait3A_68 = tpu.memref_slice %arg6[%arg0, %mul3A_48, %dma_wait3A] : memref<2x10112x128xf32, #tpu.memory_space<hbm>> -> memref<1x128x128xf32, #tpu.memory_space<hbm>>
      %dma_wait3A_69 = tpu.memref_squeeze %dma_wait3A_68 : memref<1x128x128xf32, #tpu.memory_space<hbm>> -> memref<128x128xf32, #tpu.memory_space<hbm>>
      %dma_wait3A_70 = arith.constant 0 : i32
      %dma_wait3A_71 = tpu.memref_slice %arg6[%arg0, %mul3A_48, %dma_wait3A_70] : memref<2x10112x128xf32, #tpu.memory_space<hbm>> -> memref<1x128x128xf32, #tpu.memory_space<hbm>>
      %dma_wait3A_72 = tpu.memref_squeeze %dma_wait3A_71 : memref<1x128x128xf32, #tpu.memory_space<hbm>> -> memref<128x128xf32, #tpu.memory_space<hbm>>
      tpu.wait_dma2 semaphore(%run_scoped3A : memref<!tpu.dma_semaphore, #tpu.memory_space<semaphore_mem>>) src(%arg7 : memref<128x128xf32, #tpu.memory_space<vmem>>) dst(%dma_wait3A_72 : memref<128x128xf32, #tpu.memory_space<hbm>>)
      tpu.yield
    }) : () -> ()
    %add3A_49 = arith.constant 48 : i32
    %add3A_50 = arith.addi %arg1, %add3A_49 : i32
    %mul3A_51 = arith.constant 128 : i32
    %mul3A_52 = arith.muli %add3A_50, %mul3A_51 : i32
    "tpu.region"() ({
      %run_scoped3A = tpu.sem_alloc : memref<!tpu.dma_semaphore, #tpu.memory_space<semaphore_mem>>
      %dma_start3A_62 = arith.constant 0 : i32
      %dma_start3A_63 = tpu.memref_slice %arg14[%mul3A_52, %dma_start3A_62] : memref<10112x128xf32, #tpu.memory_space<vmem_shared>> -> memref<128x128xf32, #tpu.memory_space<vmem_shared>>
      %dma_start3A_64 = arith.constant 0 : i32
      %dma_start3A_65 = tpu.memref_slice %arg14[%mul3A_52, %dma_start3A_64] : memref<10112x128xf32, #tpu.memory_space<vmem_shared>> -> memref<128x128xf32, #tpu.memory_space<vmem_shared>>
      tpu.enqueue_dma source(%dma_start3A_65 : memref<128x128xf32, #tpu.memory_space<vmem_shared>>) target(%arg7 : memref<128x128xf32, #tpu.memory_space<vmem>>) target_semaphore(%run_scoped3A : memref<!tpu.dma_semaphore, #tpu.memory_space<semaphore_mem>>)
      %dma_wait3A = arith.constant 0 : i32
      %dma_wait3A_66 = tpu.memref_slice %arg14[%mul3A_52, %dma_wait3A] : memref<10112x128xf32, #tpu.memory_space<vmem_shared>> -> memref<128x128xf32, #tpu.memory_space<vmem_shared>>
      %dma_wait3A_67 = arith.constant 0 : i32
      %dma_wait3A_68 = tpu.memref_slice %arg14[%mul3A_52, %dma_wait3A_67] : memref<10112x128xf32, #tpu.memory_space<vmem_shared>> -> memref<128x128xf32, #tpu.memory_space<vmem_shared>>
      tpu.wait_dma2 semaphore(%run_scoped3A : memref<!tpu.dma_semaphore, #tpu.memory_space<semaphore_mem>>) src(%dma_wait3A_68 : memref<128x128xf32, #tpu.memory_space<vmem_shared>>) dst(%arg7 : memref<128x128xf32, #tpu.memory_space<vmem>>)
      tpu.yield
    }) : () -> ()
    %mul3A_53 = arith.constant 128 : i32
    %mul3A_54 = arith.muli %add3A_50, %mul3A_53 : i32
    "tpu.region"() ({
      %run_scoped3A = tpu.sem_alloc : memref<!tpu.dma_semaphore, #tpu.memory_space<semaphore_mem>>
      %dma_start3A_62 = arith.constant 0 : i32
      %dma_start3A_63 = tpu.memref_slice %arg6[%arg0, %mul3A_54, %dma_start3A_62] : memref<2x10112x128xf32, #tpu.memory_space<hbm>> -> memref<1x128x128xf32, #tpu.memory_space<hbm>>
      %dma_start3A_64 = tpu.memref_squeeze %dma_start3A_63 : memref<1x128x128xf32, #tpu.memory_space<hbm>> -> memref<128x128xf32, #tpu.memory_space<hbm>>
      %dma_start3A_65 = arith.constant 0 : i32
      %dma_start3A_66 = tpu.memref_slice %arg6[%arg0, %mul3A_54, %dma_start3A_65] : memref<2x10112x128xf32, #tpu.memory_space<hbm>> -> memref<1x128x128xf32, #tpu.memory_space<hbm>>
      %dma_start3A_67 = tpu.memref_squeeze %dma_start3A_66 : memref<1x128x128xf32, #tpu.memory_space<hbm>> -> memref<128x128xf32, #tpu.memory_space<hbm>>
      tpu.enqueue_dma source(%arg7 : memref<128x128xf32, #tpu.memory_space<vmem>>) target(%dma_start3A_67 : memref<128x128xf32, #tpu.memory_space<hbm>>) target_semaphore(%run_scoped3A : memref<!tpu.dma_semaphore, #tpu.memory_space<semaphore_mem>>)
      %dma_wait3A = arith.constant 0 : i32
      %dma_wait3A_68 = tpu.memref_slice %arg6[%arg0, %mul3A_54, %dma_wait3A] : memref<2x10112x128xf32, #tpu.memory_space<hbm>> -> memref<1x128x128xf32, #tpu.memory_space<hbm>>
      %dma_wait3A_69 = tpu.memref_squeeze %dma_wait3A_68 : memref<1x128x128xf32, #tpu.memory_space<hbm>> -> memref<128x128xf32, #tpu.memory_space<hbm>>
      %dma_wait3A_70 = arith.constant 0 : i32
      %dma_wait3A_71 = tpu.memref_slice %arg6[%arg0, %mul3A_54, %dma_wait3A_70] : memref<2x10112x128xf32, #tpu.memory_space<hbm>> -> memref<1x128x128xf32, #tpu.memory_space<hbm>>
      %dma_wait3A_72 = tpu.memref_squeeze %dma_wait3A_71 : memref<1x128x128xf32, #tpu.memory_space<hbm>> -> memref<128x128xf32, #tpu.memory_space<hbm>>
      tpu.wait_dma2 semaphore(%run_scoped3A : memref<!tpu.dma_semaphore, #tpu.memory_space<semaphore_mem>>) src(%arg7 : memref<128x128xf32, #tpu.memory_space<vmem>>) dst(%dma_wait3A_72 : memref<128x128xf32, #tpu.memory_space<hbm>>)
      tpu.yield
    }) : () -> ()
    %add3A_55 = arith.constant 64 : i32
    %add3A_56 = arith.addi %arg1, %add3A_55 : i32
    %lt3A_57 = arith.constant 79 : i32
    %lt3A_58 = arith.cmpi slt, %add3A_56, %lt3A_57 : i32
    %convert_element_type3A_59 = arith.extui %lt3A_58 : i1 to i32
    %cond3A_60 = arith.constant 0 : i32
    %cond3A_61 = arith.cmpi ne, %convert_element_type3A_59, %cond3A_60 : i32
    scf.if %cond3A_61 {
      %mul3A_62 = arith.constant 128 : i32
      %mul3A_63 = arith.muli %add3A_56, %mul3A_62 : i32
      "tpu.region"() ({
        %run_scoped3A = tpu.sem_alloc : memref<!tpu.dma_semaphore, #tpu.memory_space<semaphore_mem>>
        %dma_start3A_66 = arith.constant 0 : i32
        %dma_start3A_67 = tpu.memref_slice %arg14[%mul3A_63, %dma_start3A_66] : memref<10112x128xf32, #tpu.memory_space<vmem_shared>> -> memref<128x128xf32, #tpu.memory_space<vmem_shared>>
        %dma_start3A_68 = arith.constant 0 : i32
        %dma_start3A_69 = tpu.memref_slice %arg14[%mul3A_63, %dma_start3A_68] : memref<10112x128xf32, #tpu.memory_space<vmem_shared>> -> memref<128x128xf32, #tpu.memory_space<vmem_shared>>
        tpu.enqueue_dma source(%dma_start3A_69 : memref<128x128xf32, #tpu.memory_space<vmem_shared>>) target(%arg7 : memref<128x128xf32, #tpu.memory_space<vmem>>) target_semaphore(%run_scoped3A : memref<!tpu.dma_semaphore, #tpu.memory_space<semaphore_mem>>)
        %dma_wait3A = arith.constant 0 : i32
        %dma_wait3A_70 = tpu.memref_slice %arg14[%mul3A_63, %dma_wait3A] : memref<10112x128xf32, #tpu.memory_space<vmem_shared>> -> memref<128x128xf32, #tpu.memory_space<vmem_shared>>
        %dma_wait3A_71 = arith.constant 0 : i32
        %dma_wait3A_72 = tpu.memref_slice %arg14[%mul3A_63, %dma_wait3A_71] : memref<10112x128xf32, #tpu.memory_space<vmem_shared>> -> memref<128x128xf32, #tpu.memory_space<vmem_shared>>
        tpu.wait_dma2 semaphore(%run_scoped3A : memref<!tpu.dma_semaphore, #tpu.memory_space<semaphore_mem>>) src(%dma_wait3A_72 : memref<128x128xf32, #tpu.memory_space<vmem_shared>>) dst(%arg7 : memref<128x128xf32, #tpu.memory_space<vmem>>)
        tpu.yield
      }) : () -> ()
      %mul3A_64 = arith.constant 128 : i32
      %mul3A_65 = arith.muli %add3A_56, %mul3A_64 : i32
      "tpu.region"() ({
        %run_scoped3A = tpu.sem_alloc : memref<!tpu.dma_semaphore, #tpu.memory_space<semaphore_mem>>
        %dma_start3A_66 = arith.constant 0 : i32
        %dma_start3A_67 = tpu.memref_slice %arg6[%arg0, %mul3A_65, %dma_start3A_66] : memref<2x10112x128xf32, #tpu.memory_space<hbm>> -> memref<1x128x128xf32, #tpu.memory_space<hbm>>
        %dma_start3A_68 = tpu.memref_squeeze %dma_start3A_67 : memref<1x128x128xf32, #tpu.memory_space<hbm>> -> memref<128x128xf32, #tpu.memory_space<hbm>>
        %dma_start3A_69 = arith.constant 0 : i32
        %dma_start3A_70 = tpu.memref_slice %arg6[%arg0, %mul3A_65, %dma_start3A_69] : memref<2x10112x128xf32, #tpu.memory_space<hbm>> -> memref<1x128x128xf32, #tpu.memory_space<hbm>>
        %dma_start3A_71 = tpu.memref_squeeze %dma_start3A_70 : memref<1x128x128xf32, #tpu.memory_space<hbm>> -> memref<128x128xf32, #tpu.memory_space<hbm>>
        tpu.enqueue_dma source(%arg7 : memref<128x128xf32, #tpu.memory_space<vmem>>) target(%dma_start3A_71 : memref<128x128xf32, #tpu.memory_space<hbm>>) target_semaphore(%run_scoped3A : memref<!tpu.dma_semaphore, #tpu.memory_space<semaphore_mem>>)
        %dma_wait3A = arith.constant 0 : i32
        %dma_wait3A_72 = tpu.memref_slice %arg6[%arg0, %mul3A_65, %dma_wait3A] : memref<2x10112x128xf32, #tpu.memory_space<hbm>> -> memref<1x128x128xf32, #tpu.memory_space<hbm>>
        %dma_wait3A_73 = tpu.memref_squeeze %dma_wait3A_72 : memref<1x128x128xf32, #tpu.memory_space<hbm>> -> memref<128x128xf32, #tpu.memory_space<hbm>>
        %dma_wait3A_74 = arith.constant 0 : i32
        %dma_wait3A_75 = tpu.memref_slice %arg6[%arg0, %mul3A_65, %dma_wait3A_74] : memref<2x10112x128xf32, #tpu.memory_space<hbm>> -> memref<1x128x128xf32, #tpu.memory_space<hbm>>
        %dma_wait3A_76 = tpu.memref_squeeze %dma_wait3A_75 : memref<1x128x128xf32, #tpu.memory_space<hbm>> -> memref<128x128xf32, #tpu.memory_space<hbm>>
        tpu.wait_dma2 semaphore(%run_scoped3A : memref<!tpu.dma_semaphore, #tpu.memory_space<semaphore_mem>>) src(%arg7 : memref<128x128xf32, #tpu.memory_space<vmem>>) dst(%dma_wait3A_76 : memref<128x128xf32, #tpu.memory_space<hbm>>)
        tpu.yield
      }) : () -> ()
    } else {
    }
    return
  }
}

#map = affine_map<(d0, d1) -> (0, 0)>
#map1 = affine_map<(d0, d1) -> (0)>
#map2 = affine_map<(d0, d1) -> (0, 0, 0)>
module attributes {stable_mosaic.version = 14 : i64} {
  func.func @_agg_kernel(%arg0: i32, %arg1: i32, %arg2: memref<20224x128xf32, #tpu.memory_space<hbm>>, %arg3: memref<655360xi32, #tpu.memory_space<hbm>>, %arg4: memref<655360xi32, #tpu.memory_space<hbm>>, %arg5: memref<128x128xf32, #tpu.memory_space<hbm>>, %arg6: memref<2x10112x128xf32, #tpu.memory_space<hbm>>, %arg7: memref<128x128xf32, #tpu.memory_space<vmem>>, %arg8: memref<128x128xf32, #tpu.memory_space<vmem>>, %arg9: memref<128x128xf32, #tpu.memory_space<vmem>>, %arg10: memref<128xi32, #tpu.memory_space<vmem>>, %arg11: memref<128xi32, #tpu.memory_space<vmem>>, %arg12: memref<128xi32, #tpu.memory_space<vmem>>, %arg13: memref<128xi32, #tpu.memory_space<vmem>>, %arg14: memref<10112x128xf32, #tpu.memory_space<vmem_shared>>, %arg15: memref<!tpu.dma_semaphore, #tpu.memory_space<semaphore_mem>>, %arg16: memref<!tpu.dma_semaphore, #tpu.memory_space<semaphore_mem>>) attributes {dimension_semantics = [#tpu.dimension_semantics<core_parallel>, #tpu.dimension_semantics<subcore_parallel>], iteration_bounds = array<i64: 2, 16>, scalar_prefetch = 0 : i64, scratch_operands = 10 : i64, tpu.core_type = #tpu.core_type<sc_vector_subcore>, window_params = [{transform_indices = #map}, {transform_indices = #map1}, {transform_indices = #map1}, {transform_indices = #map}, {transform_indices = #map2}]} {
    "tpu.region"() ({
      %run_scoped3A = tpu.sem_alloc : memref<!tpu.dma_semaphore, #tpu.memory_space<semaphore_mem>>
      tpu.enqueue_dma source(%arg5 : memref<128x128xf32, #tpu.memory_space<hbm>>) target(%arg7 : memref<128x128xf32, #tpu.memory_space<vmem>>) target_semaphore(%run_scoped3A : memref<!tpu.dma_semaphore, #tpu.memory_space<semaphore_mem>>)
      tpu.wait_dma2 semaphore(%run_scoped3A : memref<!tpu.dma_semaphore, #tpu.memory_space<semaphore_mem>>) src(%arg5 : memref<128x128xf32, #tpu.memory_space<hbm>>) dst(%arg7 : memref<128x128xf32, #tpu.memory_space<vmem>>)
      tpu.yield
    }) : () -> ()
    %add3A = arith.constant 0 : i32
    %add3A_0 = arith.addi %arg1, %add3A : i32
    %mul3A = arith.constant 128 : i32
    %mul3A_1 = arith.muli %add3A_0, %mul3A : i32
    "tpu.region"() ({
      %run_scoped3A = tpu.sem_alloc : memref<!tpu.dma_semaphore, #tpu.memory_space<semaphore_mem>>
      %dma_start3A_62 = arith.constant 0 : i32
      %dma_start3A_63 = tpu.memref_slice %arg14[%mul3A_1, %dma_start3A_62] : memref<10112x128xf32, #tpu.memory_space<vmem_shared>> -> memref<128x128xf32, #tpu.memory_space<vmem_shared>>
      %dma_start3A_64 = arith.constant 0 : i32
      %dma_start3A_65 = tpu.memref_slice %arg14[%mul3A_1, %dma_start3A_64] : memref<10112x128xf32, #tpu.memory_space<vmem_shared>> -> memref<128x128xf32, #tpu.memory_space<vmem_shared>>
      tpu.enqueue_dma source(%arg7 : memref<128x128xf32, #tpu.memory_space<vmem>>) target(%dma_start3A_65 : memref<128x128xf32, #tpu.memory_space<vmem_shared>>) target_semaphore(%run_scoped3A : memref<!tpu.dma_semaphore, #tpu.memory_space<semaphore_mem>>)
      %dma_wait3A = arith.constant 0 : i32
      %dma_wait3A_66 = tpu.memref_slice %arg14[%mul3A_1, %dma_wait3A] : memref<10112x128xf32, #tpu.memory_space<vmem_shared>> -> memref<128x128xf32, #tpu.memory_space<vmem_shared>>
      %dma_wait3A_67 = arith.constant 0 : i32
      %dma_wait3A_68 = tpu.memref_slice %arg14[%mul3A_1, %dma_wait3A_67] : memref<10112x128xf32, #tpu.memory_space<vmem_shared>> -> memref<128x128xf32, #tpu.memory_space<vmem_shared>>
      tpu.wait_dma2 semaphore(%run_scoped3A : memref<!tpu.dma_semaphore, #tpu.memory_space<semaphore_mem>>) src(%arg7 : memref<128x128xf32, #tpu.memory_space<vmem>>) dst(%dma_wait3A_68 : memref<128x128xf32, #tpu.memory_space<vmem_shared>>)
      tpu.yield
    }) : () -> ()
    %add3A_2 = arith.constant 16 : i32
    %add3A_3 = arith.addi %arg1, %add3A_2 : i32
    %mul3A_4 = arith.constant 128 : i32
    %mul3A_5 = arith.muli %add3A_3, %mul3A_4 : i32
    "tpu.region"() ({
      %run_scoped3A = tpu.sem_alloc : memref<!tpu.dma_semaphore, #tpu.memory_space<semaphore_mem>>
      %dma_start3A_62 = arith.constant 0 : i32
      %dma_start3A_63 = tpu.memref_slice %arg14[%mul3A_5, %dma_start3A_62] : memref<10112x128xf32, #tpu.memory_space<vmem_shared>> -> memref<128x128xf32, #tpu.memory_space<vmem_shared>>
      %dma_start3A_64 = arith.constant 0 : i32
      %dma_start3A_65 = tpu.memref_slice %arg14[%mul3A_5, %dma_start3A_64] : memref<10112x128xf32, #tpu.memory_space<vmem_shared>> -> memref<128x128xf32, #tpu.memory_space<vmem_shared>>
      tpu.enqueue_dma source(%arg7 : memref<128x128xf32, #tpu.memory_space<vmem>>) target(%dma_start3A_65 : memref<128x128xf32, #tpu.memory_space<vmem_shared>>) target_semaphore(%run_scoped3A : memref<!tpu.dma_semaphore, #tpu.memory_space<semaphore_mem>>)
      %dma_wait3A = arith.constant 0 : i32
      %dma_wait3A_66 = tpu.memref_slice %arg14[%mul3A_5, %dma_wait3A] : memref<10112x128xf32, #tpu.memory_space<vmem_shared>> -> memref<128x128xf32, #tpu.memory_space<vmem_shared>>
      %dma_wait3A_67 = arith.constant 0 : i32
      %dma_wait3A_68 = tpu.memref_slice %arg14[%mul3A_5, %dma_wait3A_67] : memref<10112x128xf32, #tpu.memory_space<vmem_shared>> -> memref<128x128xf32, #tpu.memory_space<vmem_shared>>
      tpu.wait_dma2 semaphore(%run_scoped3A : memref<!tpu.dma_semaphore, #tpu.memory_space<semaphore_mem>>) src(%arg7 : memref<128x128xf32, #tpu.memory_space<vmem>>) dst(%dma_wait3A_68 : memref<128x128xf32, #tpu.memory_space<vmem_shared>>)
      tpu.yield
    }) : () -> ()
    %add3A_6 = arith.constant 32 : i32
    %add3A_7 = arith.addi %arg1, %add3A_6 : i32
    %mul3A_8 = arith.constant 128 : i32
    %mul3A_9 = arith.muli %add3A_7, %mul3A_8 : i32
    "tpu.region"() ({
      %run_scoped3A = tpu.sem_alloc : memref<!tpu.dma_semaphore, #tpu.memory_space<semaphore_mem>>
      %dma_start3A_62 = arith.constant 0 : i32
      %dma_start3A_63 = tpu.memref_slice %arg14[%mul3A_9, %dma_start3A_62] : memref<10112x128xf32, #tpu.memory_space<vmem_shared>> -> memref<128x128xf32, #tpu.memory_space<vmem_shared>>
      %dma_start3A_64 = arith.constant 0 : i32
      %dma_start3A_65 = tpu.memref_slice %arg14[%mul3A_9, %dma_start3A_64] : memref<10112x128xf32, #tpu.memory_space<vmem_shared>> -> memref<128x128xf32, #tpu.memory_space<vmem_shared>>
      tpu.enqueue_dma source(%arg7 : memref<128x128xf32, #tpu.memory_space<vmem>>) target(%dma_start3A_65 : memref<128x128xf32, #tpu.memory_space<vmem_shared>>) target_semaphore(%run_scoped3A : memref<!tpu.dma_semaphore, #tpu.memory_space<semaphore_mem>>)
      %dma_wait3A = arith.constant 0 : i32
      %dma_wait3A_66 = tpu.memref_slice %arg14[%mul3A_9, %dma_wait3A] : memref<10112x128xf32, #tpu.memory_space<vmem_shared>> -> memref<128x128xf32, #tpu.memory_space<vmem_shared>>
      %dma_wait3A_67 = arith.constant 0 : i32
      %dma_wait3A_68 = tpu.memref_slice %arg14[%mul3A_9, %dma_wait3A_67] : memref<10112x128xf32, #tpu.memory_space<vmem_shared>> -> memref<128x128xf32, #tpu.memory_space<vmem_shared>>
      tpu.wait_dma2 semaphore(%run_scoped3A : memref<!tpu.dma_semaphore, #tpu.memory_space<semaphore_mem>>) src(%arg7 : memref<128x128xf32, #tpu.memory_space<vmem>>) dst(%dma_wait3A_68 : memref<128x128xf32, #tpu.memory_space<vmem_shared>>)
      tpu.yield
    }) : () -> ()
    %add3A_10 = arith.constant 48 : i32
    %add3A_11 = arith.addi %arg1, %add3A_10 : i32
    %mul3A_12 = arith.constant 128 : i32
    %mul3A_13 = arith.muli %add3A_11, %mul3A_12 : i32
    "tpu.region"() ({
      %run_scoped3A = tpu.sem_alloc : memref<!tpu.dma_semaphore, #tpu.memory_space<semaphore_mem>>
      %dma_start3A_62 = arith.constant 0 : i32
      %dma_start3A_63 = tpu.memref_slice %arg14[%mul3A_13, %dma_start3A_62] : memref<10112x128xf32, #tpu.memory_space<vmem_shared>> -> memref<128x128xf32, #tpu.memory_space<vmem_shared>>
      %dma_start3A_64 = arith.constant 0 : i32
      %dma_start3A_65 = tpu.memref_slice %arg14[%mul3A_13, %dma_start3A_64] : memref<10112x128xf32, #tpu.memory_space<vmem_shared>> -> memref<128x128xf32, #tpu.memory_space<vmem_shared>>
      tpu.enqueue_dma source(%arg7 : memref<128x128xf32, #tpu.memory_space<vmem>>) target(%dma_start3A_65 : memref<128x128xf32, #tpu.memory_space<vmem_shared>>) target_semaphore(%run_scoped3A : memref<!tpu.dma_semaphore, #tpu.memory_space<semaphore_mem>>)
      %dma_wait3A = arith.constant 0 : i32
      %dma_wait3A_66 = tpu.memref_slice %arg14[%mul3A_13, %dma_wait3A] : memref<10112x128xf32, #tpu.memory_space<vmem_shared>> -> memref<128x128xf32, #tpu.memory_space<vmem_shared>>
      %dma_wait3A_67 = arith.constant 0 : i32
      %dma_wait3A_68 = tpu.memref_slice %arg14[%mul3A_13, %dma_wait3A_67] : memref<10112x128xf32, #tpu.memory_space<vmem_shared>> -> memref<128x128xf32, #tpu.memory_space<vmem_shared>>
      tpu.wait_dma2 semaphore(%run_scoped3A : memref<!tpu.dma_semaphore, #tpu.memory_space<semaphore_mem>>) src(%arg7 : memref<128x128xf32, #tpu.memory_space<vmem>>) dst(%dma_wait3A_68 : memref<128x128xf32, #tpu.memory_space<vmem_shared>>)
      tpu.yield
    }) : () -> ()
    %add3A_14 = arith.constant 64 : i32
    %add3A_15 = arith.addi %arg1, %add3A_14 : i32
    %lt3A = arith.constant 79 : i32
    %lt3A_16 = arith.cmpi slt, %add3A_15, %lt3A : i32
    %convert_element_type3A = arith.extui %lt3A_16 : i1 to i32
    %cond3A = arith.constant 0 : i32
    %cond3A_17 = arith.cmpi ne, %convert_element_type3A, %cond3A : i32
    scf.if %cond3A_17 {
      %mul3A_62 = arith.constant 128 : i32
      %mul3A_63 = arith.muli %add3A_15, %mul3A_62 : i32
      "tpu.region"() ({
        %run_scoped3A = tpu.sem_alloc : memref<!tpu.dma_semaphore, #tpu.memory_space<semaphore_mem>>
        %dma_start3A_64 = arith.constant 0 : i32
        %dma_start3A_65 = tpu.memref_slice %arg14[%mul3A_63, %dma_start3A_64] : memref<10112x128xf32, #tpu.memory_space<vmem_shared>> -> memref<128x128xf32, #tpu.memory_space<vmem_shared>>
        %dma_start3A_66 = arith.constant 0 : i32
        %dma_start3A_67 = tpu.memref_slice %arg14[%mul3A_63, %dma_start3A_66] : memref<10112x128xf32, #tpu.memory_space<vmem_shared>> -> memref<128x128xf32, #tpu.memory_space<vmem_shared>>
        tpu.enqueue_dma source(%arg7 : memref<128x128xf32, #tpu.memory_space<vmem>>) target(%dma_start3A_67 : memref<128x128xf32, #tpu.memory_space<vmem_shared>>) target_semaphore(%run_scoped3A : memref<!tpu.dma_semaphore, #tpu.memory_space<semaphore_mem>>)
        %dma_wait3A = arith.constant 0 : i32
        %dma_wait3A_68 = tpu.memref_slice %arg14[%mul3A_63, %dma_wait3A] : memref<10112x128xf32, #tpu.memory_space<vmem_shared>> -> memref<128x128xf32, #tpu.memory_space<vmem_shared>>
        %dma_wait3A_69 = arith.constant 0 : i32
        %dma_wait3A_70 = tpu.memref_slice %arg14[%mul3A_63, %dma_wait3A_69] : memref<10112x128xf32, #tpu.memory_space<vmem_shared>> -> memref<128x128xf32, #tpu.memory_space<vmem_shared>>
        tpu.wait_dma2 semaphore(%run_scoped3A : memref<!tpu.dma_semaphore, #tpu.memory_space<semaphore_mem>>) src(%arg7 : memref<128x128xf32, #tpu.memory_space<vmem>>) dst(%dma_wait3A_70 : memref<128x128xf32, #tpu.memory_space<vmem_shared>>)
        tpu.yield
      }) : () -> ()
    } else {
    }
    %barrier3A = arith.constant 0 : index
    tpu.barrier barrier_id(%barrier3A)
    %mul3A_18 = arith.constant 16 : i32
    %mul3A_19 = arith.muli %arg0, %mul3A_18 : i32
    %add3A_20 = arith.addi %mul3A_19, %arg1 : i32
    %mul3A_21 = arith.constant 20480 : i32
    %mul3A_22 = arith.muli %add3A_20, %mul3A_21 : i32
    "tpu.region"() ({
      %run_scoped3A = tpu.sem_alloc : memref<!tpu.dma_semaphore, #tpu.memory_space<semaphore_mem>>
      %dma_start3A_62 = tpu.memref_slice %arg3[%mul3A_22] : memref<655360xi32, #tpu.memory_space<hbm>> -> memref<128xi32, #tpu.memory_space<hbm>>
      %dma_start3A_63 = tpu.memref_slice %arg3[%mul3A_22] : memref<655360xi32, #tpu.memory_space<hbm>> -> memref<128xi32, #tpu.memory_space<hbm>>
      tpu.enqueue_dma source(%dma_start3A_63 : memref<128xi32, #tpu.memory_space<hbm>>) target(%arg10 : memref<128xi32, #tpu.memory_space<vmem>>) target_semaphore(%run_scoped3A : memref<!tpu.dma_semaphore, #tpu.memory_space<semaphore_mem>>)
      %dma_wait3A = tpu.memref_slice %arg3[%mul3A_22] : memref<655360xi32, #tpu.memory_space<hbm>> -> memref<128xi32, #tpu.memory_space<hbm>>
      %dma_wait3A_64 = tpu.memref_slice %arg3[%mul3A_22] : memref<655360xi32, #tpu.memory_space<hbm>> -> memref<128xi32, #tpu.memory_space<hbm>>
      tpu.wait_dma2 semaphore(%run_scoped3A : memref<!tpu.dma_semaphore, #tpu.memory_space<semaphore_mem>>) src(%dma_wait3A_64 : memref<128xi32, #tpu.memory_space<hbm>>) dst(%arg10 : memref<128xi32, #tpu.memory_space<vmem>>)
      tpu.yield
    }) : () -> ()
    "tpu.region"() ({
      %run_scoped3A = tpu.sem_alloc : memref<!tpu.dma_semaphore, #tpu.memory_space<semaphore_mem>>
      %dma_start3A_62 = tpu.memref_slice %arg4[%mul3A_22] : memref<655360xi32, #tpu.memory_space<hbm>> -> memref<128xi32, #tpu.memory_space<hbm>>
      %dma_start3A_63 = tpu.memref_slice %arg4[%mul3A_22] : memref<655360xi32, #tpu.memory_space<hbm>> -> memref<128xi32, #tpu.memory_space<hbm>>
      tpu.enqueue_dma source(%dma_start3A_63 : memref<128xi32, #tpu.memory_space<hbm>>) target(%arg11 : memref<128xi32, #tpu.memory_space<vmem>>) target_semaphore(%run_scoped3A : memref<!tpu.dma_semaphore, #tpu.memory_space<semaphore_mem>>)
      %dma_wait3A = tpu.memref_slice %arg4[%mul3A_22] : memref<655360xi32, #tpu.memory_space<hbm>> -> memref<128xi32, #tpu.memory_space<hbm>>
      %dma_wait3A_64 = tpu.memref_slice %arg4[%mul3A_22] : memref<655360xi32, #tpu.memory_space<hbm>> -> memref<128xi32, #tpu.memory_space<hbm>>
      tpu.wait_dma2 semaphore(%run_scoped3A : memref<!tpu.dma_semaphore, #tpu.memory_space<semaphore_mem>>) src(%dma_wait3A_64 : memref<128xi32, #tpu.memory_space<hbm>>) dst(%arg11 : memref<128xi32, #tpu.memory_space<vmem>>)
      tpu.yield
    }) : () -> ()
    %dma_start3A = arith.constant 0 : i32
    %dma_start3A_23 = arith.constant 0 : i32
    %dma_start3A_24 = tpu.memref_slice %arg2[%dma_start3A, %dma_start3A_23] : memref<20224x128xf32, #tpu.memory_space<hbm>> -> memref<20224x128xf32, #tpu.memory_space<hbm>>
    tpu.enqueue_indirect_dma source(%dma_start3A_24 : memref<20224x128xf32, #tpu.memory_space<hbm>>) target(%arg8 : memref<128x128xf32, #tpu.memory_space<vmem>>) offsets(%arg10 : memref<128xi32, #tpu.memory_space<vmem>>) semaphore(%arg15 : memref<!tpu.dma_semaphore, #tpu.memory_space<semaphore_mem>>)
    %scan3A = arith.constant 0 : i32
    %scan3A_25 = arith.constant 0 : i32
    %scan3A_26 = arith.constant 79 : i32
    %scan3A_27 = arith.addi %scan3A_25, %scan3A_26 : i32
    %scan3A_28 = arith.constant 1 : i32
    scf.for %scan3A_62 = %scan3A_25 to %scan3A_27 step %scan3A_28  : i32 {
      %mul3A_63 = arith.constant 2 : i32
      %mul3A_64 = arith.muli %mul3A_63, %scan3A_62 : i32
      %add3A_65 = arith.constant 1 : i32
      %add3A_66 = arith.addi %mul3A_64, %add3A_65 : i32
      %mul3A_67 = arith.constant 128 : i32
      %mul3A_68 = arith.muli %add3A_66, %mul3A_67 : i32
      %add3A_69 = arith.addi %mul3A_22, %mul3A_68 : i32
      "tpu.region"() ({
        %run_scoped3A = tpu.sem_alloc : memref<!tpu.dma_semaphore, #tpu.memory_space<semaphore_mem>>
        %dma_start3A_87 = tpu.memref_slice %arg3[%add3A_69] : memref<655360xi32, #tpu.memory_space<hbm>> -> memref<128xi32, #tpu.memory_space<hbm>>
        %dma_start3A_88 = tpu.memref_slice %arg3[%add3A_69] : memref<655360xi32, #tpu.memory_space<hbm>> -> memref<128xi32, #tpu.memory_space<hbm>>
        tpu.enqueue_dma source(%dma_start3A_88 : memref<128xi32, #tpu.memory_space<hbm>>) target(%arg12 : memref<128xi32, #tpu.memory_space<vmem>>) target_semaphore(%run_scoped3A : memref<!tpu.dma_semaphore, #tpu.memory_space<semaphore_mem>>)
        %dma_wait3A_89 = tpu.memref_slice %arg3[%add3A_69] : memref<655360xi32, #tpu.memory_space<hbm>> -> memref<128xi32, #tpu.memory_space<hbm>>
        %dma_wait3A_90 = tpu.memref_slice %arg3[%add3A_69] : memref<655360xi32, #tpu.memory_space<hbm>> -> memref<128xi32, #tpu.memory_space<hbm>>
        tpu.wait_dma2 semaphore(%run_scoped3A : memref<!tpu.dma_semaphore, #tpu.memory_space<semaphore_mem>>) src(%dma_wait3A_90 : memref<128xi32, #tpu.memory_space<hbm>>) dst(%arg12 : memref<128xi32, #tpu.memory_space<vmem>>)
        tpu.yield
      }) : () -> ()
      "tpu.region"() ({
        %run_scoped3A = tpu.sem_alloc : memref<!tpu.dma_semaphore, #tpu.memory_space<semaphore_mem>>
        %dma_start3A_87 = tpu.memref_slice %arg4[%add3A_69] : memref<655360xi32, #tpu.memory_space<hbm>> -> memref<128xi32, #tpu.memory_space<hbm>>
        %dma_start3A_88 = tpu.memref_slice %arg4[%add3A_69] : memref<655360xi32, #tpu.memory_space<hbm>> -> memref<128xi32, #tpu.memory_space<hbm>>
        tpu.enqueue_dma source(%dma_start3A_88 : memref<128xi32, #tpu.memory_space<hbm>>) target(%arg13 : memref<128xi32, #tpu.memory_space<vmem>>) target_semaphore(%run_scoped3A : memref<!tpu.dma_semaphore, #tpu.memory_space<semaphore_mem>>)
        %dma_wait3A_89 = tpu.memref_slice %arg4[%add3A_69] : memref<655360xi32, #tpu.memory_space<hbm>> -> memref<128xi32, #tpu.memory_space<hbm>>
        %dma_wait3A_90 = tpu.memref_slice %arg4[%add3A_69] : memref<655360xi32, #tpu.memory_space<hbm>> -> memref<128xi32, #tpu.memory_space<hbm>>
        tpu.wait_dma2 semaphore(%run_scoped3A : memref<!tpu.dma_semaphore, #tpu.memory_space<semaphore_mem>>) src(%dma_wait3A_90 : memref<128xi32, #tpu.memory_space<hbm>>) dst(%arg13 : memref<128xi32, #tpu.memory_space<vmem>>)
        tpu.yield
      }) : () -> ()
      %dma_start3A_70 = arith.constant 0 : i32
      %dma_start3A_71 = arith.constant 0 : i32
      %dma_start3A_72 = tpu.memref_slice %arg2[%dma_start3A_70, %dma_start3A_71] : memref<20224x128xf32, #tpu.memory_space<hbm>> -> memref<20224x128xf32, #tpu.memory_space<hbm>>
      tpu.enqueue_indirect_dma source(%dma_start3A_72 : memref<20224x128xf32, #tpu.memory_space<hbm>>) target(%arg9 : memref<128x128xf32, #tpu.memory_space<vmem>>) offsets(%arg12 : memref<128xi32, #tpu.memory_space<vmem>>) semaphore(%arg16 : memref<!tpu.dma_semaphore, #tpu.memory_space<semaphore_mem>>)
      %dma_wait3A = arith.constant 0 : i32
      %dma_wait3A_73 = arith.constant 0 : i32
      %dma_wait3A_74 = tpu.memref_slice %arg2[%dma_wait3A, %dma_wait3A_73] : memref<20224x128xf32, #tpu.memory_space<hbm>> -> memref<20224x128xf32, #tpu.memory_space<hbm>>
      tpu.wait_indirect_dma semaphore(%arg15 : memref<!tpu.dma_semaphore, #tpu.memory_space<semaphore_mem>>) src(%dma_wait3A_74 : memref<20224x128xf32, #tpu.memory_space<hbm>>) dst(%arg8 : memref<128x128xf32, #tpu.memory_space<vmem>>)
      "tpu.region"() ({
        %run_scoped3A = tpu.sem_alloc : memref<!tpu.dma_semaphore, #tpu.memory_space<semaphore_mem>>
        %dma_start3A_87 = arith.constant 0 : i32
        %dma_start3A_88 = arith.constant 0 : i32
        %dma_start3A_89 = tpu.memref_slice %arg14[%dma_start3A_87, %dma_start3A_88] : memref<10112x128xf32, #tpu.memory_space<vmem_shared>> -> memref<10112x128xf32, #tpu.memory_space<vmem_shared>>
        tpu.enqueue_indirect_dma source(%arg8 : memref<128x128xf32, #tpu.memory_space<vmem>>) target(%dma_start3A_89 : memref<10112x128xf32, #tpu.memory_space<vmem_shared>>) offsets(%arg11 : memref<128xi32, #tpu.memory_space<vmem>>) semaphore(%run_scoped3A : memref<!tpu.dma_semaphore, #tpu.memory_space<semaphore_mem>>) {add = true}
        %dma_wait3A_90 = arith.constant 0 : i32
        %dma_wait3A_91 = arith.constant 0 : i32
        %dma_wait3A_92 = tpu.memref_slice %arg14[%dma_wait3A_90, %dma_wait3A_91] : memref<10112x128xf32, #tpu.memory_space<vmem_shared>> -> memref<10112x128xf32, #tpu.memory_space<vmem_shared>>
        tpu.wait_indirect_dma semaphore(%run_scoped3A : memref<!tpu.dma_semaphore, #tpu.memory_space<semaphore_mem>>) src(%arg8 : memref<128x128xf32, #tpu.memory_space<vmem>>) dst(%dma_wait3A_92 : memref<10112x128xf32, #tpu.memory_space<vmem_shared>>)
        tpu.yield
      }) : () -> ()
      %mul3A_75 = arith.constant 2 : i32
      %mul3A_76 = arith.muli %mul3A_75, %scan3A_62 : i32
      %add3A_77 = arith.constant 2 : i32
      %add3A_78 = arith.addi %mul3A_76, %add3A_77 : i32
      %lt3A_79 = arith.constant 158 : i32
      %lt3A_80 = arith.cmpi slt, %add3A_78, %lt3A_79 : i32
      %convert_element_type3A_81 = arith.extui %lt3A_80 : i1 to i32
      %cond3A_82 = arith.constant 0 : i32
      %cond3A_83 = arith.cmpi ne, %convert_element_type3A_81, %cond3A_82 : i32
      scf.if %cond3A_83 {
        %mul3A_87 = arith.constant 2 : i32
        %mul3A_88 = arith.muli %mul3A_87, %scan3A_62 : i32
        %add3A_89 = arith.constant 2 : i32
        %add3A_90 = arith.addi %mul3A_88, %add3A_89 : i32
        %mul3A_91 = arith.constant 128 : i32
        %mul3A_92 = arith.muli %add3A_90, %mul3A_91 : i32
        %add3A_93 = arith.addi %mul3A_22, %mul3A_92 : i32
        "tpu.region"() ({
          %run_scoped3A = tpu.sem_alloc : memref<!tpu.dma_semaphore, #tpu.memory_space<semaphore_mem>>
          %dma_start3A_97 = tpu.memref_slice %arg3[%add3A_93] : memref<655360xi32, #tpu.memory_space<hbm>> -> memref<128xi32, #tpu.memory_space<hbm>>
          %dma_start3A_98 = tpu.memref_slice %arg3[%add3A_93] : memref<655360xi32, #tpu.memory_space<hbm>> -> memref<128xi32, #tpu.memory_space<hbm>>
          tpu.enqueue_dma source(%dma_start3A_98 : memref<128xi32, #tpu.memory_space<hbm>>) target(%arg10 : memref<128xi32, #tpu.memory_space<vmem>>) target_semaphore(%run_scoped3A : memref<!tpu.dma_semaphore, #tpu.memory_space<semaphore_mem>>)
          %dma_wait3A_99 = tpu.memref_slice %arg3[%add3A_93] : memref<655360xi32, #tpu.memory_space<hbm>> -> memref<128xi32, #tpu.memory_space<hbm>>
          %dma_wait3A_100 = tpu.memref_slice %arg3[%add3A_93] : memref<655360xi32, #tpu.memory_space<hbm>> -> memref<128xi32, #tpu.memory_space<hbm>>
          tpu.wait_dma2 semaphore(%run_scoped3A : memref<!tpu.dma_semaphore, #tpu.memory_space<semaphore_mem>>) src(%dma_wait3A_100 : memref<128xi32, #tpu.memory_space<hbm>>) dst(%arg10 : memref<128xi32, #tpu.memory_space<vmem>>)
          tpu.yield
        }) : () -> ()
        "tpu.region"() ({
          %run_scoped3A = tpu.sem_alloc : memref<!tpu.dma_semaphore, #tpu.memory_space<semaphore_mem>>
          %dma_start3A_97 = tpu.memref_slice %arg4[%add3A_93] : memref<655360xi32, #tpu.memory_space<hbm>> -> memref<128xi32, #tpu.memory_space<hbm>>
          %dma_start3A_98 = tpu.memref_slice %arg4[%add3A_93] : memref<655360xi32, #tpu.memory_space<hbm>> -> memref<128xi32, #tpu.memory_space<hbm>>
          tpu.enqueue_dma source(%dma_start3A_98 : memref<128xi32, #tpu.memory_space<hbm>>) target(%arg11 : memref<128xi32, #tpu.memory_space<vmem>>) target_semaphore(%run_scoped3A : memref<!tpu.dma_semaphore, #tpu.memory_space<semaphore_mem>>)
          %dma_wait3A_99 = tpu.memref_slice %arg4[%add3A_93] : memref<655360xi32, #tpu.memory_space<hbm>> -> memref<128xi32, #tpu.memory_space<hbm>>
          %dma_wait3A_100 = tpu.memref_slice %arg4[%add3A_93] : memref<655360xi32, #tpu.memory_space<hbm>> -> memref<128xi32, #tpu.memory_space<hbm>>
          tpu.wait_dma2 semaphore(%run_scoped3A : memref<!tpu.dma_semaphore, #tpu.memory_space<semaphore_mem>>) src(%dma_wait3A_100 : memref<128xi32, #tpu.memory_space<hbm>>) dst(%arg11 : memref<128xi32, #tpu.memory_space<vmem>>)
          tpu.yield
        }) : () -> ()
        %dma_start3A_94 = arith.constant 0 : i32
        %dma_start3A_95 = arith.constant 0 : i32
        %dma_start3A_96 = tpu.memref_slice %arg2[%dma_start3A_94, %dma_start3A_95] : memref<20224x128xf32, #tpu.memory_space<hbm>> -> memref<20224x128xf32, #tpu.memory_space<hbm>>
        tpu.enqueue_indirect_dma source(%dma_start3A_96 : memref<20224x128xf32, #tpu.memory_space<hbm>>) target(%arg8 : memref<128x128xf32, #tpu.memory_space<vmem>>) offsets(%arg10 : memref<128xi32, #tpu.memory_space<vmem>>) semaphore(%arg15 : memref<!tpu.dma_semaphore, #tpu.memory_space<semaphore_mem>>)
      } else {
      }
      %dma_wait3A_84 = arith.constant 0 : i32
      %dma_wait3A_85 = arith.constant 0 : i32
      %dma_wait3A_86 = tpu.memref_slice %arg2[%dma_wait3A_84, %dma_wait3A_85] : memref<20224x128xf32, #tpu.memory_space<hbm>> -> memref<20224x128xf32, #tpu.memory_space<hbm>>
      tpu.wait_indirect_dma semaphore(%arg16 : memref<!tpu.dma_semaphore, #tpu.memory_space<semaphore_mem>>) src(%dma_wait3A_86 : memref<20224x128xf32, #tpu.memory_space<hbm>>) dst(%arg9 : memref<128x128xf32, #tpu.memory_space<vmem>>)
      "tpu.region"() ({
        %run_scoped3A = tpu.sem_alloc : memref<!tpu.dma_semaphore, #tpu.memory_space<semaphore_mem>>
        %dma_start3A_87 = arith.constant 0 : i32
        %dma_start3A_88 = arith.constant 0 : i32
        %dma_start3A_89 = tpu.memref_slice %arg14[%dma_start3A_87, %dma_start3A_88] : memref<10112x128xf32, #tpu.memory_space<vmem_shared>> -> memref<10112x128xf32, #tpu.memory_space<vmem_shared>>
        tpu.enqueue_indirect_dma source(%arg9 : memref<128x128xf32, #tpu.memory_space<vmem>>) target(%dma_start3A_89 : memref<10112x128xf32, #tpu.memory_space<vmem_shared>>) offsets(%arg13 : memref<128xi32, #tpu.memory_space<vmem>>) semaphore(%run_scoped3A : memref<!tpu.dma_semaphore, #tpu.memory_space<semaphore_mem>>) {add = true}
        %dma_wait3A_90 = arith.constant 0 : i32
        %dma_wait3A_91 = arith.constant 0 : i32
        %dma_wait3A_92 = tpu.memref_slice %arg14[%dma_wait3A_90, %dma_wait3A_91] : memref<10112x128xf32, #tpu.memory_space<vmem_shared>> -> memref<10112x128xf32, #tpu.memory_space<vmem_shared>>
        tpu.wait_indirect_dma semaphore(%run_scoped3A : memref<!tpu.dma_semaphore, #tpu.memory_space<semaphore_mem>>) src(%arg9 : memref<128x128xf32, #tpu.memory_space<vmem>>) dst(%dma_wait3A_92 : memref<10112x128xf32, #tpu.memory_space<vmem_shared>>)
        tpu.yield
      }) : () -> ()
    }
    %scan3A_29 = arith.constant 79 : i32
    %barrier3A_30 = arith.constant 0 : index
    tpu.barrier barrier_id(%barrier3A_30)
    %add3A_31 = arith.constant 0 : i32
    %add3A_32 = arith.addi %arg1, %add3A_31 : i32
    %mul3A_33 = arith.constant 128 : i32
    %mul3A_34 = arith.muli %add3A_32, %mul3A_33 : i32
    "tpu.region"() ({
      %run_scoped3A = tpu.sem_alloc : memref<!tpu.dma_semaphore, #tpu.memory_space<semaphore_mem>>
      %dma_start3A_62 = arith.constant 0 : i32
      %dma_start3A_63 = tpu.memref_slice %arg14[%mul3A_34, %dma_start3A_62] : memref<10112x128xf32, #tpu.memory_space<vmem_shared>> -> memref<128x128xf32, #tpu.memory_space<vmem_shared>>
      %dma_start3A_64 = arith.constant 0 : i32
      %dma_start3A_65 = tpu.memref_slice %arg14[%mul3A_34, %dma_start3A_64] : memref<10112x128xf32, #tpu.memory_space<vmem_shared>> -> memref<128x128xf32, #tpu.memory_space<vmem_shared>>
      tpu.enqueue_dma source(%dma_start3A_65 : memref<128x128xf32, #tpu.memory_space<vmem_shared>>) target(%arg7 : memref<128x128xf32, #tpu.memory_space<vmem>>) target_semaphore(%run_scoped3A : memref<!tpu.dma_semaphore, #tpu.memory_space<semaphore_mem>>)
      %dma_wait3A = arith.constant 0 : i32
      %dma_wait3A_66 = tpu.memref_slice %arg14[%mul3A_34, %dma_wait3A] : memref<10112x128xf32, #tpu.memory_space<vmem_shared>> -> memref<128x128xf32, #tpu.memory_space<vmem_shared>>
      %dma_wait3A_67 = arith.constant 0 : i32
      %dma_wait3A_68 = tpu.memref_slice %arg14[%mul3A_34, %dma_wait3A_67] : memref<10112x128xf32, #tpu.memory_space<vmem_shared>> -> memref<128x128xf32, #tpu.memory_space<vmem_shared>>
      tpu.wait_dma2 semaphore(%run_scoped3A : memref<!tpu.dma_semaphore, #tpu.memory_space<semaphore_mem>>) src(%dma_wait3A_68 : memref<128x128xf32, #tpu.memory_space<vmem_shared>>) dst(%arg7 : memref<128x128xf32, #tpu.memory_space<vmem>>)
      tpu.yield
    }) : () -> ()
    %mul3A_35 = arith.constant 128 : i32
    %mul3A_36 = arith.muli %add3A_32, %mul3A_35 : i32
    "tpu.region"() ({
      %run_scoped3A = tpu.sem_alloc : memref<!tpu.dma_semaphore, #tpu.memory_space<semaphore_mem>>
      %dma_start3A_62 = arith.constant 0 : i32
      %dma_start3A_63 = tpu.memref_slice %arg6[%arg0, %mul3A_36, %dma_start3A_62] : memref<2x10112x128xf32, #tpu.memory_space<hbm>> -> memref<1x128x128xf32, #tpu.memory_space<hbm>>
      %dma_start3A_64 = tpu.memref_squeeze %dma_start3A_63 : memref<1x128x128xf32, #tpu.memory_space<hbm>> -> memref<128x128xf32, #tpu.memory_space<hbm>>
      %dma_start3A_65 = arith.constant 0 : i32
      %dma_start3A_66 = tpu.memref_slice %arg6[%arg0, %mul3A_36, %dma_start3A_65] : memref<2x10112x128xf32, #tpu.memory_space<hbm>> -> memref<1x128x128xf32, #tpu.memory_space<hbm>>
      %dma_start3A_67 = tpu.memref_squeeze %dma_start3A_66 : memref<1x128x128xf32, #tpu.memory_space<hbm>> -> memref<128x128xf32, #tpu.memory_space<hbm>>
      tpu.enqueue_dma source(%arg7 : memref<128x128xf32, #tpu.memory_space<vmem>>) target(%dma_start3A_67 : memref<128x128xf32, #tpu.memory_space<hbm>>) target_semaphore(%run_scoped3A : memref<!tpu.dma_semaphore, #tpu.memory_space<semaphore_mem>>)
      %dma_wait3A = arith.constant 0 : i32
      %dma_wait3A_68 = tpu.memref_slice %arg6[%arg0, %mul3A_36, %dma_wait3A] : memref<2x10112x128xf32, #tpu.memory_space<hbm>> -> memref<1x128x128xf32, #tpu.memory_space<hbm>>
      %dma_wait3A_69 = tpu.memref_squeeze %dma_wait3A_68 : memref<1x128x128xf32, #tpu.memory_space<hbm>> -> memref<128x128xf32, #tpu.memory_space<hbm>>
      %dma_wait3A_70 = arith.constant 0 : i32
      %dma_wait3A_71 = tpu.memref_slice %arg6[%arg0, %mul3A_36, %dma_wait3A_70] : memref<2x10112x128xf32, #tpu.memory_space<hbm>> -> memref<1x128x128xf32, #tpu.memory_space<hbm>>
      %dma_wait3A_72 = tpu.memref_squeeze %dma_wait3A_71 : memref<1x128x128xf32, #tpu.memory_space<hbm>> -> memref<128x128xf32, #tpu.memory_space<hbm>>
      tpu.wait_dma2 semaphore(%run_scoped3A : memref<!tpu.dma_semaphore, #tpu.memory_space<semaphore_mem>>) src(%arg7 : memref<128x128xf32, #tpu.memory_space<vmem>>) dst(%dma_wait3A_72 : memref<128x128xf32, #tpu.memory_space<hbm>>)
      tpu.yield
    }) : () -> ()
    %add3A_37 = arith.constant 16 : i32
    %add3A_38 = arith.addi %arg1, %add3A_37 : i32
    %mul3A_39 = arith.constant 128 : i32
    %mul3A_40 = arith.muli %add3A_38, %mul3A_39 : i32
    "tpu.region"() ({
      %run_scoped3A = tpu.sem_alloc : memref<!tpu.dma_semaphore, #tpu.memory_space<semaphore_mem>>
      %dma_start3A_62 = arith.constant 0 : i32
      %dma_start3A_63 = tpu.memref_slice %arg14[%mul3A_40, %dma_start3A_62] : memref<10112x128xf32, #tpu.memory_space<vmem_shared>> -> memref<128x128xf32, #tpu.memory_space<vmem_shared>>
      %dma_start3A_64 = arith.constant 0 : i32
      %dma_start3A_65 = tpu.memref_slice %arg14[%mul3A_40, %dma_start3A_64] : memref<10112x128xf32, #tpu.memory_space<vmem_shared>> -> memref<128x128xf32, #tpu.memory_space<vmem_shared>>
      tpu.enqueue_dma source(%dma_start3A_65 : memref<128x128xf32, #tpu.memory_space<vmem_shared>>) target(%arg7 : memref<128x128xf32, #tpu.memory_space<vmem>>) target_semaphore(%run_scoped3A : memref<!tpu.dma_semaphore, #tpu.memory_space<semaphore_mem>>)
      %dma_wait3A = arith.constant 0 : i32
      %dma_wait3A_66 = tpu.memref_slice %arg14[%mul3A_40, %dma_wait3A] : memref<10112x128xf32, #tpu.memory_space<vmem_shared>> -> memref<128x128xf32, #tpu.memory_space<vmem_shared>>
      %dma_wait3A_67 = arith.constant 0 : i32
      %dma_wait3A_68 = tpu.memref_slice %arg14[%mul3A_40, %dma_wait3A_67] : memref<10112x128xf32, #tpu.memory_space<vmem_shared>> -> memref<128x128xf32, #tpu.memory_space<vmem_shared>>
      tpu.wait_dma2 semaphore(%run_scoped3A : memref<!tpu.dma_semaphore, #tpu.memory_space<semaphore_mem>>) src(%dma_wait3A_68 : memref<128x128xf32, #tpu.memory_space<vmem_shared>>) dst(%arg7 : memref<128x128xf32, #tpu.memory_space<vmem>>)
      tpu.yield
    }) : () -> ()
    %mul3A_41 = arith.constant 128 : i32
    %mul3A_42 = arith.muli %add3A_38, %mul3A_41 : i32
    "tpu.region"() ({
      %run_scoped3A = tpu.sem_alloc : memref<!tpu.dma_semaphore, #tpu.memory_space<semaphore_mem>>
      %dma_start3A_62 = arith.constant 0 : i32
      %dma_start3A_63 = tpu.memref_slice %arg6[%arg0, %mul3A_42, %dma_start3A_62] : memref<2x10112x128xf32, #tpu.memory_space<hbm>> -> memref<1x128x128xf32, #tpu.memory_space<hbm>>
      %dma_start3A_64 = tpu.memref_squeeze %dma_start3A_63 : memref<1x128x128xf32, #tpu.memory_space<hbm>> -> memref<128x128xf32, #tpu.memory_space<hbm>>
      %dma_start3A_65 = arith.constant 0 : i32
      %dma_start3A_66 = tpu.memref_slice %arg6[%arg0, %mul3A_42, %dma_start3A_65] : memref<2x10112x128xf32, #tpu.memory_space<hbm>> -> memref<1x128x128xf32, #tpu.memory_space<hbm>>
      %dma_start3A_67 = tpu.memref_squeeze %dma_start3A_66 : memref<1x128x128xf32, #tpu.memory_space<hbm>> -> memref<128x128xf32, #tpu.memory_space<hbm>>
      tpu.enqueue_dma source(%arg7 : memref<128x128xf32, #tpu.memory_space<vmem>>) target(%dma_start3A_67 : memref<128x128xf32, #tpu.memory_space<hbm>>) target_semaphore(%run_scoped3A : memref<!tpu.dma_semaphore, #tpu.memory_space<semaphore_mem>>)
      %dma_wait3A = arith.constant 0 : i32
      %dma_wait3A_68 = tpu.memref_slice %arg6[%arg0, %mul3A_42, %dma_wait3A] : memref<2x10112x128xf32, #tpu.memory_space<hbm>> -> memref<1x128x128xf32, #tpu.memory_space<hbm>>
      %dma_wait3A_69 = tpu.memref_squeeze %dma_wait3A_68 : memref<1x128x128xf32, #tpu.memory_space<hbm>> -> memref<128x128xf32, #tpu.memory_space<hbm>>
      %dma_wait3A_70 = arith.constant 0 : i32
      %dma_wait3A_71 = tpu.memref_slice %arg6[%arg0, %mul3A_42, %dma_wait3A_70] : memref<2x10112x128xf32, #tpu.memory_space<hbm>> -> memref<1x128x128xf32, #tpu.memory_space<hbm>>
      %dma_wait3A_72 = tpu.memref_squeeze %dma_wait3A_71 : memref<1x128x128xf32, #tpu.memory_space<hbm>> -> memref<128x128xf32, #tpu.memory_space<hbm>>
      tpu.wait_dma2 semaphore(%run_scoped3A : memref<!tpu.dma_semaphore, #tpu.memory_space<semaphore_mem>>) src(%arg7 : memref<128x128xf32, #tpu.memory_space<vmem>>) dst(%dma_wait3A_72 : memref<128x128xf32, #tpu.memory_space<hbm>>)
      tpu.yield
    }) : () -> ()
    %add3A_43 = arith.constant 32 : i32
    %add3A_44 = arith.addi %arg1, %add3A_43 : i32
    %mul3A_45 = arith.constant 128 : i32
    %mul3A_46 = arith.muli %add3A_44, %mul3A_45 : i32
    "tpu.region"() ({
      %run_scoped3A = tpu.sem_alloc : memref<!tpu.dma_semaphore, #tpu.memory_space<semaphore_mem>>
      %dma_start3A_62 = arith.constant 0 : i32
      %dma_start3A_63 = tpu.memref_slice %arg14[%mul3A_46, %dma_start3A_62] : memref<10112x128xf32, #tpu.memory_space<vmem_shared>> -> memref<128x128xf32, #tpu.memory_space<vmem_shared>>
      %dma_start3A_64 = arith.constant 0 : i32
      %dma_start3A_65 = tpu.memref_slice %arg14[%mul3A_46, %dma_start3A_64] : memref<10112x128xf32, #tpu.memory_space<vmem_shared>> -> memref<128x128xf32, #tpu.memory_space<vmem_shared>>
      tpu.enqueue_dma source(%dma_start3A_65 : memref<128x128xf32, #tpu.memory_space<vmem_shared>>) target(%arg7 : memref<128x128xf32, #tpu.memory_space<vmem>>) target_semaphore(%run_scoped3A : memref<!tpu.dma_semaphore, #tpu.memory_space<semaphore_mem>>)
      %dma_wait3A = arith.constant 0 : i32
      %dma_wait3A_66 = tpu.memref_slice %arg14[%mul3A_46, %dma_wait3A] : memref<10112x128xf32, #tpu.memory_space<vmem_shared>> -> memref<128x128xf32, #tpu.memory_space<vmem_shared>>
      %dma_wait3A_67 = arith.constant 0 : i32
      %dma_wait3A_68 = tpu.memref_slice %arg14[%mul3A_46, %dma_wait3A_67] : memref<10112x128xf32, #tpu.memory_space<vmem_shared>> -> memref<128x128xf32, #tpu.memory_space<vmem_shared>>
      tpu.wait_dma2 semaphore(%run_scoped3A : memref<!tpu.dma_semaphore, #tpu.memory_space<semaphore_mem>>) src(%dma_wait3A_68 : memref<128x128xf32, #tpu.memory_space<vmem_shared>>) dst(%arg7 : memref<128x128xf32, #tpu.memory_space<vmem>>)
      tpu.yield
    }) : () -> ()
    %mul3A_47 = arith.constant 128 : i32
    %mul3A_48 = arith.muli %add3A_44, %mul3A_47 : i32
    "tpu.region"() ({
      %run_scoped3A = tpu.sem_alloc : memref<!tpu.dma_semaphore, #tpu.memory_space<semaphore_mem>>
      %dma_start3A_62 = arith.constant 0 : i32
      %dma_start3A_63 = tpu.memref_slice %arg6[%arg0, %mul3A_48, %dma_start3A_62] : memref<2x10112x128xf32, #tpu.memory_space<hbm>> -> memref<1x128x128xf32, #tpu.memory_space<hbm>>
      %dma_start3A_64 = tpu.memref_squeeze %dma_start3A_63 : memref<1x128x128xf32, #tpu.memory_space<hbm>> -> memref<128x128xf32, #tpu.memory_space<hbm>>
      %dma_start3A_65 = arith.constant 0 : i32
      %dma_start3A_66 = tpu.memref_slice %arg6[%arg0, %mul3A_48, %dma_start3A_65] : memref<2x10112x128xf32, #tpu.memory_space<hbm>> -> memref<1x128x128xf32, #tpu.memory_space<hbm>>
      %dma_start3A_67 = tpu.memref_squeeze %dma_start3A_66 : memref<1x128x128xf32, #tpu.memory_space<hbm>> -> memref<128x128xf32, #tpu.memory_space<hbm>>
      tpu.enqueue_dma source(%arg7 : memref<128x128xf32, #tpu.memory_space<vmem>>) target(%dma_start3A_67 : memref<128x128xf32, #tpu.memory_space<hbm>>) target_semaphore(%run_scoped3A : memref<!tpu.dma_semaphore, #tpu.memory_space<semaphore_mem>>)
      %dma_wait3A = arith.constant 0 : i32
      %dma_wait3A_68 = tpu.memref_slice %arg6[%arg0, %mul3A_48, %dma_wait3A] : memref<2x10112x128xf32, #tpu.memory_space<hbm>> -> memref<1x128x128xf32, #tpu.memory_space<hbm>>
      %dma_wait3A_69 = tpu.memref_squeeze %dma_wait3A_68 : memref<1x128x128xf32, #tpu.memory_space<hbm>> -> memref<128x128xf32, #tpu.memory_space<hbm>>
      %dma_wait3A_70 = arith.constant 0 : i32
      %dma_wait3A_71 = tpu.memref_slice %arg6[%arg0, %mul3A_48, %dma_wait3A_70] : memref<2x10112x128xf32, #tpu.memory_space<hbm>> -> memref<1x128x128xf32, #tpu.memory_space<hbm>>
      %dma_wait3A_72 = tpu.memref_squeeze %dma_wait3A_71 : memref<1x128x128xf32, #tpu.memory_space<hbm>> -> memref<128x128xf32, #tpu.memory_space<hbm>>
      tpu.wait_dma2 semaphore(%run_scoped3A : memref<!tpu.dma_semaphore, #tpu.memory_space<semaphore_mem>>) src(%arg7 : memref<128x128xf32, #tpu.memory_space<vmem>>) dst(%dma_wait3A_72 : memref<128x128xf32, #tpu.memory_space<hbm>>)
      tpu.yield
    }) : () -> ()
    %add3A_49 = arith.constant 48 : i32
    %add3A_50 = arith.addi %arg1, %add3A_49 : i32
    %mul3A_51 = arith.constant 128 : i32
    %mul3A_52 = arith.muli %add3A_50, %mul3A_51 : i32
    "tpu.region"() ({
      %run_scoped3A = tpu.sem_alloc : memref<!tpu.dma_semaphore, #tpu.memory_space<semaphore_mem>>
      %dma_start3A_62 = arith.constant 0 : i32
      %dma_start3A_63 = tpu.memref_slice %arg14[%mul3A_52, %dma_start3A_62] : memref<10112x128xf32, #tpu.memory_space<vmem_shared>> -> memref<128x128xf32, #tpu.memory_space<vmem_shared>>
      %dma_start3A_64 = arith.constant 0 : i32
      %dma_start3A_65 = tpu.memref_slice %arg14[%mul3A_52, %dma_start3A_64] : memref<10112x128xf32, #tpu.memory_space<vmem_shared>> -> memref<128x128xf32, #tpu.memory_space<vmem_shared>>
      tpu.enqueue_dma source(%dma_start3A_65 : memref<128x128xf32, #tpu.memory_space<vmem_shared>>) target(%arg7 : memref<128x128xf32, #tpu.memory_space<vmem>>) target_semaphore(%run_scoped3A : memref<!tpu.dma_semaphore, #tpu.memory_space<semaphore_mem>>)
      %dma_wait3A = arith.constant 0 : i32
      %dma_wait3A_66 = tpu.memref_slice %arg14[%mul3A_52, %dma_wait3A] : memref<10112x128xf32, #tpu.memory_space<vmem_shared>> -> memref<128x128xf32, #tpu.memory_space<vmem_shared>>
      %dma_wait3A_67 = arith.constant 0 : i32
      %dma_wait3A_68 = tpu.memref_slice %arg14[%mul3A_52, %dma_wait3A_67] : memref<10112x128xf32, #tpu.memory_space<vmem_shared>> -> memref<128x128xf32, #tpu.memory_space<vmem_shared>>
      tpu.wait_dma2 semaphore(%run_scoped3A : memref<!tpu.dma_semaphore, #tpu.memory_space<semaphore_mem>>) src(%dma_wait3A_68 : memref<128x128xf32, #tpu.memory_space<vmem_shared>>) dst(%arg7 : memref<128x128xf32, #tpu.memory_space<vmem>>)
      tpu.yield
    }) : () -> ()
    %mul3A_53 = arith.constant 128 : i32
    %mul3A_54 = arith.muli %add3A_50, %mul3A_53 : i32
    "tpu.region"() ({
      %run_scoped3A = tpu.sem_alloc : memref<!tpu.dma_semaphore, #tpu.memory_space<semaphore_mem>>
      %dma_start3A_62 = arith.constant 0 : i32
      %dma_start3A_63 = tpu.memref_slice %arg6[%arg0, %mul3A_54, %dma_start3A_62] : memref<2x10112x128xf32, #tpu.memory_space<hbm>> -> memref<1x128x128xf32, #tpu.memory_space<hbm>>
      %dma_start3A_64 = tpu.memref_squeeze %dma_start3A_63 : memref<1x128x128xf32, #tpu.memory_space<hbm>> -> memref<128x128xf32, #tpu.memory_space<hbm>>
      %dma_start3A_65 = arith.constant 0 : i32
      %dma_start3A_66 = tpu.memref_slice %arg6[%arg0, %mul3A_54, %dma_start3A_65] : memref<2x10112x128xf32, #tpu.memory_space<hbm>> -> memref<1x128x128xf32, #tpu.memory_space<hbm>>
      %dma_start3A_67 = tpu.memref_squeeze %dma_start3A_66 : memref<1x128x128xf32, #tpu.memory_space<hbm>> -> memref<128x128xf32, #tpu.memory_space<hbm>>
      tpu.enqueue_dma source(%arg7 : memref<128x128xf32, #tpu.memory_space<vmem>>) target(%dma_start3A_67 : memref<128x128xf32, #tpu.memory_space<hbm>>) target_semaphore(%run_scoped3A : memref<!tpu.dma_semaphore, #tpu.memory_space<semaphore_mem>>)
      %dma_wait3A = arith.constant 0 : i32
      %dma_wait3A_68 = tpu.memref_slice %arg6[%arg0, %mul3A_54, %dma_wait3A] : memref<2x10112x128xf32, #tpu.memory_space<hbm>> -> memref<1x128x128xf32, #tpu.memory_space<hbm>>
      %dma_wait3A_69 = tpu.memref_squeeze %dma_wait3A_68 : memref<1x128x128xf32, #tpu.memory_space<hbm>> -> memref<128x128xf32, #tpu.memory_space<hbm>>
      %dma_wait3A_70 = arith.constant 0 : i32
      %dma_wait3A_71 = tpu.memref_slice %arg6[%arg0, %mul3A_54, %dma_wait3A_70] : memref<2x10112x128xf32, #tpu.memory_space<hbm>> -> memref<1x128x128xf32, #tpu.memory_space<hbm>>
      %dma_wait3A_72 = tpu.memref_squeeze %dma_wait3A_71 : memref<1x128x128xf32, #tpu.memory_space<hbm>> -> memref<128x128xf32, #tpu.memory_space<hbm>>
      tpu.wait_dma2 semaphore(%run_scoped3A : memref<!tpu.dma_semaphore, #tpu.memory_space<semaphore_mem>>) src(%arg7 : memref<128x128xf32, #tpu.memory_space<vmem>>) dst(%dma_wait3A_72 : memref<128x128xf32, #tpu.memory_space<hbm>>)
      tpu.yield
    }) : () -> ()
    %add3A_55 = arith.constant 64 : i32
    %add3A_56 = arith.addi %arg1, %add3A_55 : i32
    %lt3A_57 = arith.constant 79 : i32
    %lt3A_58 = arith.cmpi slt, %add3A_56, %lt3A_57 : i32
    %convert_element_type3A_59 = arith.extui %lt3A_58 : i1 to i32
    %cond3A_60 = arith.constant 0 : i32
    %cond3A_61 = arith.cmpi ne, %convert_element_type3A_59, %cond3A_60 : i32
    scf.if %cond3A_61 {
      %mul3A_62 = arith.constant 128 : i32
      %mul3A_63 = arith.muli %add3A_56, %mul3A_62 : i32
      "tpu.region"() ({
        %run_scoped3A = tpu.sem_alloc : memref<!tpu.dma_semaphore, #tpu.memory_space<semaphore_mem>>
        %dma_start3A_66 = arith.constant 0 : i32
        %dma_start3A_67 = tpu.memref_slice %arg14[%mul3A_63, %dma_start3A_66] : memref<10112x128xf32, #tpu.memory_space<vmem_shared>> -> memref<128x128xf32, #tpu.memory_space<vmem_shared>>
        %dma_start3A_68 = arith.constant 0 : i32
        %dma_start3A_69 = tpu.memref_slice %arg14[%mul3A_63, %dma_start3A_68] : memref<10112x128xf32, #tpu.memory_space<vmem_shared>> -> memref<128x128xf32, #tpu.memory_space<vmem_shared>>
        tpu.enqueue_dma source(%dma_start3A_69 : memref<128x128xf32, #tpu.memory_space<vmem_shared>>) target(%arg7 : memref<128x128xf32, #tpu.memory_space<vmem>>) target_semaphore(%run_scoped3A : memref<!tpu.dma_semaphore, #tpu.memory_space<semaphore_mem>>)
        %dma_wait3A = arith.constant 0 : i32
        %dma_wait3A_70 = tpu.memref_slice %arg14[%mul3A_63, %dma_wait3A] : memref<10112x128xf32, #tpu.memory_space<vmem_shared>> -> memref<128x128xf32, #tpu.memory_space<vmem_shared>>
        %dma_wait3A_71 = arith.constant 0 : i32
        %dma_wait3A_72 = tpu.memref_slice %arg14[%mul3A_63, %dma_wait3A_71] : memref<10112x128xf32, #tpu.memory_space<vmem_shared>> -> memref<128x128xf32, #tpu.memory_space<vmem_shared>>
        tpu.wait_dma2 semaphore(%run_scoped3A : memref<!tpu.dma_semaphore, #tpu.memory_space<semaphore_mem>>) src(%dma_wait3A_72 : memref<128x128xf32, #tpu.memory_space<vmem_shared>>) dst(%arg7 : memref<128x128xf32, #tpu.memory_space<vmem>>)
        tpu.yield
      }) : () -> ()
      %mul3A_64 = arith.constant 128 : i32
      %mul3A_65 = arith.muli %add3A_56, %mul3A_64 : i32
      "tpu.region"() ({
        %run_scoped3A = tpu.sem_alloc : memref<!tpu.dma_semaphore, #tpu.memory_space<semaphore_mem>>
        %dma_start3A_66 = arith.constant 0 : i32
        %dma_start3A_67 = tpu.memref_slice %arg6[%arg0, %mul3A_65, %dma_start3A_66] : memref<2x10112x128xf32, #tpu.memory_space<hbm>> -> memref<1x128x128xf32, #tpu.memory_space<hbm>>
        %dma_start3A_68 = tpu.memref_squeeze %dma_start3A_67 : memref<1x128x128xf32, #tpu.memory_space<hbm>> -> memref<128x128xf32, #tpu.memory_space<hbm>>
        %dma_start3A_69 = arith.constant 0 : i32
        %dma_start3A_70 = tpu.memref_slice %arg6[%arg0, %mul3A_65, %dma_start3A_69] : memref<2x10112x128xf32, #tpu.memory_space<hbm>> -> memref<1x128x128xf32, #tpu.memory_space<hbm>>
        %dma_start3A_71 = tpu.memref_squeeze %dma_start3A_70 : memref<1x128x128xf32, #tpu.memory_space<hbm>> -> memref<128x128xf32, #tpu.memory_space<hbm>>
        tpu.enqueue_dma source(%arg7 : memref<128x128xf32, #tpu.memory_space<vmem>>) target(%dma_start3A_71 : memref<128x128xf32, #tpu.memory_space<hbm>>) target_semaphore(%run_scoped3A : memref<!tpu.dma_semaphore, #tpu.memory_space<semaphore_mem>>)
        %dma_wait3A = arith.constant 0 : i32
        %dma_wait3A_72 = tpu.memref_slice %arg6[%arg0, %mul3A_65, %dma_wait3A] : memref<2x10112x128xf32, #tpu.memory_space<hbm>> -> memref<1x128x128xf32, #tpu.memory_space<hbm>>
        %dma_wait3A_73 = tpu.memref_squeeze %dma_wait3A_72 : memref<1x128x128xf32, #tpu.memory_space<hbm>> -> memref<128x128xf32, #tpu.memory_space<hbm>>
        %dma_wait3A_74 = arith.constant 0 : i32
        %dma_wait3A_75 = tpu.memref_slice %arg6[%arg0, %mul3A_65, %dma_wait3A_74] : memref<2x10112x128xf32, #tpu.memory_space<hbm>> -> memref<1x128x128xf32, #tpu.memory_space<hbm>>
        %dma_wait3A_76 = tpu.memref_squeeze %dma_wait3A_75 : memref<1x128x128xf32, #tpu.memory_space<hbm>> -> memref<128x128xf32, #tpu.memory_space<hbm>>
        tpu.wait_dma2 semaphore(%run_scoped3A : memref<!tpu.dma_semaphore, #tpu.memory_space<semaphore_mem>>) src(%arg7 : memref<128x128xf32, #tpu.memory_space<vmem>>) dst(%dma_wait3A_76 : memref<128x128xf32, #tpu.memory_space<hbm>>)
        tpu.yield
      }) : () -> ()
    } else {
    }
    return
  }
}

module attributes {stable_mosaic.version = 14 : i64} {
  func.func @_mm0_body(%arg0: i32, %arg1: i32, %arg2: memref<1000x128xf32, #tpu.memory_space<vmem>>, %arg3: memref<1x128x128xf32, #tpu.memory_space<vmem>>, %arg4: memref<1000x4xf32, #tpu.memory_space<vmem>>, %arg5: memref<1x1000x128xf32, #tpu.memory_space<vmem>>) attributes {dimension_semantics = [#tpu.dimension_semantics<arbitrary>, #tpu.dimension_semantics<arbitrary>], iteration_bounds = array<i64: 2, 10>, scalar_prefetch = 0 : i64, scratch_operands = 0 : i64, tpu.core_type = #tpu.core_type<tc>, window_params = [{transform_indices = @transform_0, window_bounds = array<i64: 1000, 128>}, {transform_indices = @transform_1, window_bounds = array<i64: 1, 128, 128>}, {transform_indices = @transform_2, window_bounds = array<i64: 1000, 4>}, {transform_indices = @transform_3, window_bounds = array<i64: 1, 1000, 128>}]} {
    %get3A = arith.constant 0 : index
    %get3A_0 = arith.constant 0 : index
    %get3A_1 = vector.load %arg4[%get3A, %get3A_0] : memref<1000x4xf32, #tpu.memory_space<vmem>>, vector<1000x4xf32>
    %eq3A = arith.constant 0 : i32
    %eq3A_2 = arith.cmpi eq, %arg0, %eq3A : i32
    %slice3A = vector.extract_strided_slice %get3A_1 {offsets = [0, 0], sizes = [1000, 1], strides = [1, 1]} : vector<1000x4xf32> to vector<1000x1xf32>
    %squeeze3A = vector.shape_cast %slice3A : vector<1000x1xf32> to vector<1000xf32>
    %slice3A_3 = vector.extract_strided_slice %get3A_1 {offsets = [0, 2], sizes = [1000, 1], strides = [1, 1]} : vector<1000x4xf32> to vector<1000x1xf32>
    %squeeze3A_4 = vector.shape_cast %slice3A_3 : vector<1000x1xf32> to vector<1000xf32>
    %select_n3A = arith.select %eq3A_2, %squeeze3A, %squeeze3A_4 : vector<1000xf32>
    %max3A = arith.constant 1.000000e+00 : f32
    %max3A_5 = vector.broadcast %max3A : f32 to vector<1000xf32>
    %max3A_6 = arith.maximumf %select_n3A, %max3A_5 : vector<1000xf32>
    %rsqrt3A = math.rsqrt %max3A_6 : vector<1000xf32>
    %get3A_7 = arith.constant 0 : index
    %get3A_8 = arith.constant 0 : index
    %get3A_9 = vector.load %arg2[%get3A_7, %get3A_8] : memref<1000x128xf32, #tpu.memory_space<vmem>>, vector<1000x128xf32>
    %get3A_10 = arith.constant 0 : index
    %get3A_11 = arith.constant 0 : index
    %get3A_12 = arith.constant 0 : index
    %get3A_13 = vector.load %arg3[%get3A_10, %get3A_11, %get3A_12] : memref<1x128x128xf32, #tpu.memory_space<vmem>>, vector<1x128x128xf32>
    %get3A_14 = vector.shape_cast %get3A_13 : vector<1x128x128xf32> to vector<128x128xf32>
    %dot_general3A = arith.constant dense<0.000000e+00> : vector<1000x128xf32>
    %dot_general3A_15 = tpu.matmul %get3A_9, %get3A_14, %dot_general3A {dimension_numbers = #tpu.dot_dimension_numbers<[1], [0], [0], [1], [0, 0, 1, 1], [], []>, transpose_lhs_hint = false} : vector<1000x128xf32>, vector<128x128xf32>, vector<1000x128xf32> -> vector<1000x128xf32>
    %broadcast_in_dim3A = vector.shape_cast %rsqrt3A : vector<1000xf32> to vector<1000x1xf32>
    %mul3A = vector.broadcast %broadcast_in_dim3A : vector<1000x1xf32> to vector<1000x128xf32>
    %mul3A_16 = arith.mulf %dot_general3A_15, %mul3A : vector<1000x128xf32>
    %swap3A = arith.constant 0 : index
    %swap3A_17 = arith.constant 0 : index
    %swap3A_18 = arith.constant 0 : index
    %swap3A_19 = vector.load %arg5[%swap3A, %swap3A_17, %swap3A_18] : memref<1x1000x128xf32, #tpu.memory_space<vmem>>, vector<1x1000x128xf32>
    %swap3A_20 = vector.shape_cast %swap3A_19 : vector<1x1000x128xf32> to vector<1000x128xf32>
    %swap3A_21 = vector.shape_cast %mul3A_16 : vector<1000x128xf32> to vector<1x1000x128xf32>
    tpu.vector_store %arg5[%swap3A, %swap3A_17, %swap3A_18], %swap3A_21 {strides = array<i32>} : memref<1x1000x128xf32, #tpu.memory_space<vmem>>, vector<1x1000x128xf32>,
    return
  }
  func.func @transform_0(%arg0: i32, %arg1: i32) -> (i32, i32) {
    %c0_i32 = arith.constant 0 : i32
    %c0_i32_0 = arith.constant 0 : i32
    return %arg1, %c0_i32 : i32, i32
  }
  func.func @transform_1(%arg0: i32, %arg1: i32) -> (i32, i32, i32) {
    %c0_i32 = arith.constant 0 : i32
    %c0_i32_0 = arith.constant 0 : i32
    %c0_i32_1 = arith.constant 0 : i32
    return %arg0, %c0_i32, %c0_i32_0 : i32, i32, i32
  }
  func.func @transform_2(%arg0: i32, %arg1: i32) -> (i32, i32) {
    %c0_i32 = arith.constant 0 : i32
    %c0_i32_0 = arith.constant 0 : i32
    return %arg1, %c0_i32 : i32, i32
  }
  func.func @transform_3(%arg0: i32, %arg1: i32) -> (i32, i32, i32) {
    %c0_i32 = arith.constant 0 : i32
    %c0_i32_0 = arith.constant 0 : i32
    return %arg0, %arg1, %c0_i32 : i32, i32, i32
  }
}

module attributes {stable_mosaic.version = 14 : i64} {
  func.func @_mm1_body(%arg0: i32, %arg1: i32, %arg2: memref<1x1000x128xf32, #tpu.memory_space<vmem>>, %arg3: memref<1x1000x128xf32, #tpu.memory_space<vmem>>, %arg4: memref<1000x4xf32, #tpu.memory_space<vmem>>, %arg5: memref<2x128xf32, #tpu.memory_space<vmem>>, %arg6: memref<1x128x128xf32, #tpu.memory_space<vmem>>, %arg7: memref<1x1000x128xf32, #tpu.memory_space<vmem>>) attributes {dimension_semantics = [#tpu.dimension_semantics<arbitrary>, #tpu.dimension_semantics<arbitrary>], iteration_bounds = array<i64: 2, 10>, scalar_prefetch = 0 : i64, scratch_operands = 0 : i64, tpu.core_type = #tpu.core_type<tc>, window_params = [{transform_indices = @transform_0, window_bounds = array<i64: 1, 1000, 128>}, {transform_indices = @transform_1, window_bounds = array<i64: 1, 1000, 128>}, {transform_indices = @transform_2, window_bounds = array<i64: 1000, 4>}, {pipeline_mode = #tpu.pipeline_mode<synchronous>, transform_indices = @transform_3, window_bounds = array<i64: 2, 128>}, {transform_indices = @transform_4, window_bounds = array<i64: 1, 128, 128>}, {transform_indices = @transform_5, window_bounds = array<i64: 1, 1000, 128>}]} {
    %get3A = arith.constant 0 : index
    %get3A_0 = arith.constant 0 : index
    %get3A_1 = vector.load %arg4[%get3A, %get3A_0] : memref<1000x4xf32, #tpu.memory_space<vmem>>, vector<1000x4xf32>
    %get3A_2 = arith.constant 0 : index
    %get3A_3 = arith.constant 0 : index
    %get3A_4 = arith.constant 0 : index
    %get3A_5 = vector.load %arg2[%get3A_2, %get3A_3, %get3A_4] : memref<1x1000x128xf32, #tpu.memory_space<vmem>>, vector<1x1000x128xf32>
    %get3A_6 = vector.shape_cast %get3A_5 : vector<1x1000x128xf32> to vector<1000x128xf32>
    %slice3A = vector.extract_strided_slice %get3A_1 {offsets = [0, 1], sizes = [1000, 1], strides = [1, 1]} : vector<1000x4xf32> to vector<1000x1xf32>
    %squeeze3A = vector.shape_cast %slice3A : vector<1000x1xf32> to vector<1000xf32>
    %max3A = arith.constant 1.000000e+00 : f32
    %max3A_7 = vector.broadcast %max3A : f32 to vector<1000xf32>
    %max3A_8 = arith.maximumf %squeeze3A, %max3A_7 : vector<1000xf32>
    %rsqrt3A = math.rsqrt %max3A_8 : vector<1000xf32>
    %broadcast_in_dim3A = vector.shape_cast %rsqrt3A : vector<1000xf32> to vector<1000x1xf32>
    %mul3A = vector.broadcast %broadcast_in_dim3A : vector<1000x1xf32> to vector<1000x128xf32>
    %mul3A_9 = arith.mulf %get3A_6, %mul3A : vector<1000x128xf32>
    %get3A_10 = arith.constant 0 : index
    %get3A_11 = arith.constant 0 : index
    %get3A_12 = vector.load %arg5[%get3A_10, %get3A_11] : memref<2x128xf32, #tpu.memory_space<vmem>>, vector<1x128xf32>
    %get3A_13 = vector.shape_cast %get3A_12 : vector<1x128xf32> to vector<128xf32>
    %broadcast_in_dim3A_14 = vector.shape_cast %get3A_13 : vector<128xf32> to vector<1x128xf32>
    %add3A = vector.broadcast %broadcast_in_dim3A_14 : vector<1x128xf32> to vector<1000x128xf32>
    %add3A_15 = arith.addf %mul3A_9, %add3A : vector<1000x128xf32>
    %get3A_16 = arith.constant 0 : index
    %get3A_17 = arith.constant 0 : index
    %get3A_18 = arith.constant 0 : index
    %get3A_19 = vector.load %arg3[%get3A_16, %get3A_17, %get3A_18] : memref<1x1000x128xf32, #tpu.memory_space<vmem>>, vector<1x1000x128xf32>
    %get3A_20 = vector.shape_cast %get3A_19 : vector<1x1000x128xf32> to vector<1000x128xf32>
    %slice3A_21 = vector.extract_strided_slice %get3A_1 {offsets = [0, 3], sizes = [1000, 1], strides = [1, 1]} : vector<1000x4xf32> to vector<1000x1xf32>
    %squeeze3A_22 = vector.shape_cast %slice3A_21 : vector<1000x1xf32> to vector<1000xf32>
    %max3A_23 = arith.constant 1.000000e+00 : f32
    %max3A_24 = vector.broadcast %max3A_23 : f32 to vector<1000xf32>
    %max3A_25 = arith.maximumf %squeeze3A_22, %max3A_24 : vector<1000xf32>
    %rsqrt3A_26 = math.rsqrt %max3A_25 : vector<1000xf32>
    %broadcast_in_dim3A_27 = vector.shape_cast %rsqrt3A_26 : vector<1000xf32> to vector<1000x1xf32>
    %mul3A_28 = vector.broadcast %broadcast_in_dim3A_27 : vector<1000x1xf32> to vector<1000x128xf32>
    %mul3A_29 = arith.mulf %get3A_20, %mul3A_28 : vector<1000x128xf32>
    %add3A_30 = arith.addf %add3A_15, %mul3A_29 : vector<1000x128xf32>
    %get3A_31 = arith.constant 1 : index
    %get3A_32 = arith.constant 0 : index
    %get3A_33 = vector.load %arg5[%get3A_31, %get3A_32] : memref<2x128xf32, #tpu.memory_space<vmem>>, vector<1x128xf32>
    %get3A_34 = vector.shape_cast %get3A_33 : vector<1x128xf32> to vector<128xf32>
    %broadcast_in_dim3A_35 = vector.shape_cast %get3A_34 : vector<128xf32> to vector<1x128xf32>
    %add3A_36 = vector.broadcast %broadcast_in_dim3A_35 : vector<1x128xf32> to vector<1000x128xf32>
    %add3A_37 = arith.addf %add3A_30, %add3A_36 : vector<1000x128xf32>
    %max3A_38 = arith.constant 0.000000e+00 : f32
    %max3A_39 = vector.broadcast %max3A_38 : f32 to vector<1000x128xf32>
    %max3A_40 = arith.maximumf %add3A_37, %max3A_39 : vector<1000x128xf32>
    %eq3A = arith.constant 0 : i32
    %eq3A_41 = arith.cmpi eq, %arg0, %eq3A : i32
    %slice3A_42 = vector.extract_strided_slice %get3A_1 {offsets = [0, 0], sizes = [1000, 1], strides = [1, 1]} : vector<1000x4xf32> to vector<1000x1xf32>
    %squeeze3A_43 = vector.shape_cast %slice3A_42 : vector<1000x1xf32> to vector<1000xf32>
    %slice3A_44 = vector.extract_strided_slice %get3A_1 {offsets = [0, 2], sizes = [1000, 1], strides = [1, 1]} : vector<1000x4xf32> to vector<1000x1xf32>
    %squeeze3A_45 = vector.shape_cast %slice3A_44 : vector<1000x1xf32> to vector<1000xf32>
    %select_n3A = arith.select %eq3A_41, %squeeze3A_43, %squeeze3A_45 : vector<1000xf32>
    %max3A_46 = arith.constant 1.000000e+00 : f32
    %max3A_47 = vector.broadcast %max3A_46 : f32 to vector<1000xf32>
    %max3A_48 = arith.maximumf %select_n3A, %max3A_47 : vector<1000xf32>
    %rsqrt3A_49 = math.rsqrt %max3A_48 : vector<1000xf32>
    %get3A_50 = arith.constant 0 : index
    %get3A_51 = arith.constant 0 : index
    %get3A_52 = arith.constant 0 : index
    %get3A_53 = vector.load %arg6[%get3A_50, %get3A_51, %get3A_52] : memref<1x128x128xf32, #tpu.memory_space<vmem>>, vector<1x128x128xf32>
    %get3A_54 = vector.shape_cast %get3A_53 : vector<1x128x128xf32> to vector<128x128xf32>
    %dot_general3A = arith.constant dense<0.000000e+00> : vector<1000x128xf32>
    %dot_general3A_55 = tpu.matmul %max3A_40, %get3A_54, %dot_general3A {dimension_numbers = #tpu.dot_dimension_numbers<[1], [0], [0], [1], [0, 0, 1, 1], [], []>, transpose_lhs_hint = false} : vector<1000x128xf32>, vector<128x128xf32>, vector<1000x128xf32> -> vector<1000x128xf32>
    %broadcast_in_dim3A_56 = vector.shape_cast %rsqrt3A_49 : vector<1000xf32> to vector<1000x1xf32>
    %mul3A_57 = vector.broadcast %broadcast_in_dim3A_56 : vector<1000x1xf32> to vector<1000x128xf32>
    %mul3A_58 = arith.mulf %dot_general3A_55, %mul3A_57 : vector<1000x128xf32>
    %swap3A = arith.constant 0 : index
    %swap3A_59 = arith.constant 0 : index
    %swap3A_60 = arith.constant 0 : index
    %swap3A_61 = vector.load %arg7[%swap3A, %swap3A_59, %swap3A_60] : memref<1x1000x128xf32, #tpu.memory_space<vmem>>, vector<1x1000x128xf32>
    %swap3A_62 = vector.shape_cast %swap3A_61 : vector<1x1000x128xf32> to vector<1000x128xf32>
    %swap3A_63 = vector.shape_cast %mul3A_58 : vector<1000x128xf32> to vector<1x1000x128xf32>
    tpu.vector_store %arg7[%swap3A, %swap3A_59, %swap3A_60], %swap3A_63 {strides = array<i32>} : memref<1x1000x128xf32, #tpu.memory_space<vmem>>, vector<1x1000x128xf32>,
    return
  }
  func.func @transform_0(%arg0: i32, %arg1: i32) -> (i32, i32, i32) {
    %c0_i32 = arith.constant 0 : i32
    %c0_i32_0 = arith.constant 0 : i32
    %c0_i32_1 = arith.constant 0 : i32
    return %c0_i32, %arg1, %c0_i32_0 : i32, i32, i32
  }
  func.func @transform_1(%arg0: i32, %arg1: i32) -> (i32, i32, i32) {
    %c1_i32 = arith.constant 1 : i32
    %c0_i32 = arith.constant 0 : i32
    %c0_i32_0 = arith.constant 0 : i32
    return %c1_i32, %arg1, %c0_i32 : i32, i32, i32
  }
  func.func @transform_2(%arg0: i32, %arg1: i32) -> (i32, i32) {
    %c0_i32 = arith.constant 0 : i32
    %c0_i32_0 = arith.constant 0 : i32
    return %arg1, %c0_i32 : i32, i32
  }
  func.func @transform_3(%arg0: i32, %arg1: i32) -> (i32, i32) {
    %c0_i32 = arith.constant 0 : i32
    %c0_i32_0 = arith.constant 0 : i32
    %c0_i32_1 = arith.constant 0 : i32
    return %c0_i32, %c0_i32_0 : i32, i32
  }
  func.func @transform_4(%arg0: i32, %arg1: i32) -> (i32, i32, i32) {
    %c0_i32 = arith.constant 0 : i32
    %c0_i32_0 = arith.constant 0 : i32
    %c0_i32_1 = arith.constant 0 : i32
    return %arg0, %c0_i32, %c0_i32_0 : i32, i32, i32
  }
  func.func @transform_5(%arg0: i32, %arg1: i32) -> (i32, i32, i32) {
    %c0_i32 = arith.constant 0 : i32
    %c0_i32_0 = arith.constant 0 : i32
    return %arg0, %arg1, %c0_i32 : i32, i32, i32
  }
}

module attributes {stable_mosaic.version = 14 : i64} {
  func.func @_fin_body(%arg0: i32, %arg1: memref<1x1000x128xf32, #tpu.memory_space<vmem>>, %arg2: memref<1x1000x128xf32, #tpu.memory_space<vmem>>, %arg3: memref<1000x4xf32, #tpu.memory_space<vmem>>, %arg4: memref<2x128xf32, #tpu.memory_space<vmem>>, %arg5: memref<1000x128xf32, #tpu.memory_space<vmem>>) attributes {dimension_semantics = [#tpu.dimension_semantics<arbitrary>], iteration_bounds = array<i64: 10>, scalar_prefetch = 0 : i64, scratch_operands = 0 : i64, tpu.core_type = #tpu.core_type<tc>, window_params = [{transform_indices = @transform_0, window_bounds = array<i64: 1, 1000, 128>}, {transform_indices = @transform_1, window_bounds = array<i64: 1, 1000, 128>}, {transform_indices = @transform_2, window_bounds = array<i64: 1000, 4>}, {pipeline_mode = #tpu.pipeline_mode<synchronous>, transform_indices = @transform_3, window_bounds = array<i64: 2, 128>}, {transform_indices = @transform_4, window_bounds = array<i64: 1000, 128>}]} {
    %get3A = arith.constant 0 : index
    %get3A_0 = arith.constant 0 : index
    %get3A_1 = vector.load %arg3[%get3A, %get3A_0] : memref<1000x4xf32, #tpu.memory_space<vmem>>, vector<1000x4xf32>
    %get3A_2 = arith.constant 0 : index
    %get3A_3 = arith.constant 0 : index
    %get3A_4 = arith.constant 0 : index
    %get3A_5 = vector.load %arg1[%get3A_2, %get3A_3, %get3A_4] : memref<1x1000x128xf32, #tpu.memory_space<vmem>>, vector<1x1000x128xf32>
    %get3A_6 = vector.shape_cast %get3A_5 : vector<1x1000x128xf32> to vector<1000x128xf32>
    %slice3A = vector.extract_strided_slice %get3A_1 {offsets = [0, 1], sizes = [1000, 1], strides = [1, 1]} : vector<1000x4xf32> to vector<1000x1xf32>
    %squeeze3A = vector.shape_cast %slice3A : vector<1000x1xf32> to vector<1000xf32>
    %max3A = arith.constant 1.000000e+00 : f32
    %max3A_7 = vector.broadcast %max3A : f32 to vector<1000xf32>
    %max3A_8 = arith.maximumf %squeeze3A, %max3A_7 : vector<1000xf32>
    %rsqrt3A = math.rsqrt %max3A_8 : vector<1000xf32>
    %broadcast_in_dim3A = vector.shape_cast %rsqrt3A : vector<1000xf32> to vector<1000x1xf32>
    %mul3A = vector.broadcast %broadcast_in_dim3A : vector<1000x1xf32> to vector<1000x128xf32>
    %mul3A_9 = arith.mulf %get3A_6, %mul3A : vector<1000x128xf32>
    %get3A_10 = arith.constant 0 : index
    %get3A_11 = arith.constant 0 : index
    %get3A_12 = vector.load %arg4[%get3A_10, %get3A_11] : memref<2x128xf32, #tpu.memory_space<vmem>>, vector<1x128xf32>
    %get3A_13 = vector.shape_cast %get3A_12 : vector<1x128xf32> to vector<128xf32>
    %broadcast_in_dim3A_14 = vector.shape_cast %get3A_13 : vector<128xf32> to vector<1x128xf32>
    %add3A = vector.broadcast %broadcast_in_dim3A_14 : vector<1x128xf32> to vector<1000x128xf32>
    %add3A_15 = arith.addf %mul3A_9, %add3A : vector<1000x128xf32>
    %get3A_16 = arith.constant 0 : index
    %get3A_17 = arith.constant 0 : index
    %get3A_18 = arith.constant 0 : index
    %get3A_19 = vector.load %arg2[%get3A_16, %get3A_17, %get3A_18] : memref<1x1000x128xf32, #tpu.memory_space<vmem>>, vector<1x1000x128xf32>
    %get3A_20 = vector.shape_cast %get3A_19 : vector<1x1000x128xf32> to vector<1000x128xf32>
    %slice3A_21 = vector.extract_strided_slice %get3A_1 {offsets = [0, 3], sizes = [1000, 1], strides = [1, 1]} : vector<1000x4xf32> to vector<1000x1xf32>
    %squeeze3A_22 = vector.shape_cast %slice3A_21 : vector<1000x1xf32> to vector<1000xf32>
    %max3A_23 = arith.constant 1.000000e+00 : f32
    %max3A_24 = vector.broadcast %max3A_23 : f32 to vector<1000xf32>
    %max3A_25 = arith.maximumf %squeeze3A_22, %max3A_24 : vector<1000xf32>
    %rsqrt3A_26 = math.rsqrt %max3A_25 : vector<1000xf32>
    %broadcast_in_dim3A_27 = vector.shape_cast %rsqrt3A_26 : vector<1000xf32> to vector<1000x1xf32>
    %mul3A_28 = vector.broadcast %broadcast_in_dim3A_27 : vector<1000x1xf32> to vector<1000x128xf32>
    %mul3A_29 = arith.mulf %get3A_20, %mul3A_28 : vector<1000x128xf32>
    %add3A_30 = arith.addf %add3A_15, %mul3A_29 : vector<1000x128xf32>
    %get3A_31 = arith.constant 1 : index
    %get3A_32 = arith.constant 0 : index
    %get3A_33 = vector.load %arg4[%get3A_31, %get3A_32] : memref<2x128xf32, #tpu.memory_space<vmem>>, vector<1x128xf32>
    %get3A_34 = vector.shape_cast %get3A_33 : vector<1x128xf32> to vector<128xf32>
    %broadcast_in_dim3A_35 = vector.shape_cast %get3A_34 : vector<128xf32> to vector<1x128xf32>
    %add3A_36 = vector.broadcast %broadcast_in_dim3A_35 : vector<1x128xf32> to vector<1000x128xf32>
    %add3A_37 = arith.addf %add3A_30, %add3A_36 : vector<1000x128xf32>
    %swap3A = arith.constant 0 : index
    %swap3A_38 = arith.constant 0 : index
    %swap3A_39 = vector.load %arg5[%swap3A, %swap3A_38] : memref<1000x128xf32, #tpu.memory_space<vmem>>, vector<1000x128xf32>
    tpu.vector_store %arg5[%swap3A, %swap3A_38], %add3A_37 {strides = array<i32>} : memref<1000x128xf32, #tpu.memory_space<vmem>>, vector<1000x128xf32>,
    return
  }
  func.func @transform_0(%arg0: i32) -> (i32, i32, i32) {
    %c0_i32 = arith.constant 0 : i32
    %c0_i32_0 = arith.constant 0 : i32
    %c0_i32_1 = arith.constant 0 : i32
    return %c0_i32, %arg0, %c0_i32_0 : i32, i32, i32
  }
  func.func @transform_1(%arg0: i32) -> (i32, i32, i32) {
    %c1_i32 = arith.constant 1 : i32
    %c0_i32 = arith.constant 0 : i32
    %c0_i32_0 = arith.constant 0 : i32
    return %c1_i32, %arg0, %c0_i32 : i32, i32, i32
  }
  func.func @transform_2(%arg0: i32) -> (i32, i32) {
    %c0_i32 = arith.constant 0 : i32
    %c0_i32_0 = arith.constant 0 : i32
    return %arg0, %c0_i32 : i32, i32
  }
  func.func @transform_3(%arg0: i32) -> (i32, i32) {
    %c0_i32 = arith.constant 0 : i32
    %c0_i32_0 = arith.constant 0 : i32
    %c0_i32_1 = arith.constant 0 : i32
    return %c0_i32, %c0_i32_0 : i32, i32
  }
  func.func @transform_4(%arg0: i32) -> (i32, i32) {
    %c0_i32 = arith.constant 0 : i32
    %c0_i32_0 = arith.constant 0 : i32
    return %arg0, %c0_i32 : i32, i32
  }
}

</mosaic_0001>

<sc_bundles>
// kernel: kernel.11.cloned.1.call-start
scs
__scs_entry_jumppad:
0x0: {  	(pc) =	sbr.rel $0x88, $3  }
0x1: {  	(tag) =	ssettag $0x0;
	lr =	simm.s32 $0x1  }
0x2: {  	[smem:$0x3F96] =	sst lr;
	_ =	strace $0xD0000000  }
0x3: {  	_ = 	snop  }
0x4: {  	_ = 	snop  }
0x5: {  	_ = 	snop  }
0x6: {  	_ = 	snop  }
0x7: {  	_ = 	snop  }
__scs_overlays_trampoline_lowered:
0x8: {  	[smem:$0x3FA5] =	sst s0  }
0x9: {  	[smem:$0x3FA6] =	sst s1  }
0xa: {  	[smem:$0x3FA7] =	sst s2  }
0xb: {  	[smem:$0x3FA8] =	sst s3  }
0xc: {  	[smem:$0x3FA9] =	sst s4  }
0xd: {  	[smem:$0x3FAA] =	sst s5  }
0xe: {  	[smem:$0x3FAB] =	sst s6  }
0xf: {  	[smem:$0x3FAC] =	sst s7  }
0x10: {  	[smem:$0x3FAD] =	sst s8  }
0x11: {  	[smem:$0x3FAE] =	sst s9;
	s0 =	simm.s32 @!p0 $0x0  }
0x12: {  	s1 =	sld [smem:$0x3F94];
	s0 =	simm.s32 @p0 $0x1  }
0x13: {  	[smem:$0x3FAF] =	sst s0;
	s0 =	simm.s32 @!p1 $0x0  }
0x14: {  	s2 =	sld [smem:$0x3F93];
	s0 =	simm.s32 @p1 $0x1  }
0x15: {  	[smem:$0x3FB0] =	sst s0;
	s0 =	simm.s32 @!p2 $0x0  }
0x16: {  	s3 =	sld [smem:$0x3FDB];
	s0 =	simm.s32 @p2 $0x1  }
0x17: {  	s4 =	simm.s32 $0x1BF5;
	[smem:$0x3FB2] =	sst s0  }
0x18: {  	s0 =	sld [smem:$0x3F95];
	_ =	swait.ge [sflag:s4], $0x0  }
0x19: {  	s7 =	sld [smem:$0x3F96]  }
0x1a: {  	s8 =	sadd.s32 $0xFFFFE003, lr  }
0x1b: {  	s9 =	sadd.s32 $0xFFFFFEF7, lr;
	s5 =	simm.s32 $0xFFFFFFFF;
	p2 =	slt.u32 s8, $0xFFFFF086  }
0x1c: {  	p1 =	slt.u32 s9, $0xF7A;
	s5 =	simm.s32 @!p2 $0x0  }
0x1d: {  	s5 =	simm.s32 @p1 $0x1;
	p0 =	seq.s32 s7, s2  }
0x1e: {  	s7 =	smul.u32 @!p0 $0xF7A, s2;
	p2 =	seq.s32 @!p0 s5, $0x0  }
0x1f: {  	s9 =	smul.u32 $0xF7A, s1;
	s8 =	simm.s32 @!p0 $0x1BF5;
	p2 =	por !p2, p0  }
0x20: {  	[sflag:s8] =	ssyncset.s32 @!p0 $0xFFFFF086;
	s6 =	sadd.s32 @!p0 s3, s7;
	s7 =	simm.s32 @!p0 $0x108  }
0x21: {  	s3 =	sadd.s32 s3, s9;
	s6 =	sadd.s32 @!p0 $0x88, s6;
	s7 =	simm.s32 @p2 $0x1082  }
0x22: {  	[simem:s7], [sflag:s8] =	dma.local @!p0 [hbm:s6], $0xF7A  }
0x23: {  	s9 =	sor.u32 $0xD0000000, s2;
	s6 =	simm.s32 $0x108;
	_ =	swait.ge @!p0 [sflag:s8], $0x0  }
0x24: {  	s3 =	sadd.s32 $0x88, s3;
	s6 =	simm.s32 @!p1 $0x1082;
	[sflag:s4] =	ssyncset.s32 $0xFFFFF086  }
0x25: {  	[simem:s6], [sflag:s4] =	dma.local [hbm:s3], $0xF7A  }
0x26: {  	[smem:$0x3F96] =	sst s1;
	(tag) =	ssettag s2;
	_ =	strace s9  }
0x27: {  	s1 =	sld [smem:$0x3FA6]  }
0x28: {  	s2 =	sld [smem:$0x3FA7]  }
0x29: {  	s4 =	sld [smem:$0x3FA9]  }
0x2a: {  	p0 =	seq.s32 s5, $0x0;
	s5 =	sld [smem:$0x3FAA]  }
0x2b: {  	s6 =	sld [smem:$0x3FAB]  }
0x2c: {  	s7 =	sld [smem:$0x3FAC]  }
0x2d: {  	s3 =	simm.s32 $0x108;
	s8 =	sld [smem:$0x3FAD]  }
0x2e: {  	s3 =	simm.s32 @!p0 $0x1082;
	s9 =	sld [smem:$0x3FAE]  }
0x2f: {  	lr =	sadd.s32 s0, s3;
	s0 =	sld [smem:$0x3FA5]  }
0x30: {  	s3 =	sld [smem:$0x3FA8]  }
0x31: {  	[smem:$0x3FB1] =	sst s10  }
0x32: {  	s10 =	sld [smem:$0x3FAF];
	_ =	sdelay $0x3  }
0x33: {  	p0 =	seq.s32 s10, $0x1;
	s10 =	sld [smem:$0x3FB1];
	_ =	sdelay $0x3  }
0x34: {  	[smem:$0x3FB1] =	sst s10  }
0x35: {  	s10 =	sld [smem:$0x3FB0];
	_ =	sdelay $0x3  }
0x36: {  	p1 =	seq.s32 s10, $0x1;
	s10 =	sld [smem:$0x3FB1];
	_ =	sdelay $0x3  }
0x37: {  	[smem:$0x3FB1] =	sst s10  }
0x38: {  	s10 =	sld [smem:$0x3FB2]  }
0x39: {  	_ = 	snop;
	(pc) =	sbr.ind lr, $3  }
0x3a: {  	_ = 	snop  }
0x3b: {  	_ = 	snop  }
0x3c: {  	p2 =	seq.s32 s10, $0x1;
	s10 =	sld [smem:$0x3FB1]  }
0x3d: {  	_ =	shalt  }
0x3e: {  	_ =	shalt  }
0x3f: {  	_ =	shalt  }
0x40: {  	_ =	shalt  }
0x41: {  	_ =	shalt  }
0x42: {  	_ =	shalt  }
0x43: {  	_ =	shalt  }
0x44: {  	_ =	shalt  }
0x45: {  	_ =	shalt  }
0x46: {  	_ =	shalt  }
0x47: {  	_ =	shalt  }
0x48: {  	_ =	shalt  }
0x49: {  	_ =	shalt  }
0x4a: {  	_ =	shalt  }
0x4b: {  	_ =	shalt  }
0x4c: {  	_ =	shalt  }
0x4d: {  	_ =	shalt  }
0x4e: {  	_ =	shalt  }
0x4f: {  	_ =	shalt  }
0x50: {  	_ =	shalt  }
0x51: {  	_ =	shalt  }
0x52: {  	_ =	shalt  }
0x53: {  	_ =	shalt  }
0x54: {  	_ =	shalt  }
0x55: {  	_ =	shalt  }
0x56: {  	_ =	shalt  }
0x57: {  	_ =	shalt  }
0x58: {  	_ =	shalt  }
0x59: {  	_ =	shalt  }
0x5a: {  	_ =	shalt  }
0x5b: {  	_ =	shalt  }
0x5c: {  	_ =	shalt  }
0x5d: {  	_ =	shalt  }
0x5e: {  	_ =	shalt  }
0x5f: {  	_ =	shalt  }
0x60: {  	_ =	shalt  }
0x61: {  	_ =	shalt  }
0x62: {  	_ =	shalt  }
0x63: {  	_ =	shalt  }
0x64: {  	_ =	shalt  }
0x65: {  	_ =	shalt  }
0x66: {  	_ =	shalt  }
0x67: {  	_ =	shalt  }
0x68: {  	_ =	shalt  }
0x69: {  	_ =	shalt  }
0x6a: {  	_ =	shalt  }
0x6b: {  	_ =	shalt  }
0x6c: {  	_ =	shalt  }
0x6d: {  	_ =	shalt  }
0x6e: {  	_ =	shalt  }
0x6f: {  	_ =	shalt  }
0x70: {  	_ =	shalt  }
0x71: {  	_ =	shalt  }
0x72: {  	_ =	shalt  }
0x73: {  	_ =	shalt  }
0x74: {  	_ =	shalt  }
0x75: {  	_ =	shalt  }
0x76: {  	_ =	shalt  }
0x77: {  	_ =	shalt  }
0x78: {  	_ =	shalt  }
0x79: {  	_ =	shalt  }
0x7a: {  	_ =	shalt  }
0x7b: {  	_ =	shalt  }
0x7c: {  	_ =	shalt  }
0x7d: {  	_ =	shalt  }
0x7e: {  	_ =	shalt  }
0x7f: {  	_ =	shalt  }
0x80: {  	_ =	shalt  }
0x81: {  	_ =	shalt  }
0x82: {  	_ =	shalt  }
0x83: {  	_ =	shalt  }
0x84: {  	_ =	shalt  }
0x85: {  	_ =	shalt  }
0x86: {  	_ =	shalt  }
0x87: {  	_ =	shalt  }
.Lfunc_end0:
.L_simem_size_0:
called_computation.1_lowered:
.L_overlay_start_0:
0x88: {  	s2 =	sld [smem:$0x3FD9]  }
0x89: {  	s3 =	sld [smem:$0x3FFE];
	_ =	sdelay $0x1  }
0x8a: {  	s1 =	srdreg.scid  }
0x8b: {  	s0 =	sand.u32 $0x1, s1  }
0x8c: {  	s17 =	sshll.u32 s0, $0xA;
	s2 =	sadd.s32 s3, s2  }
0x8d: {  	s2 =	sadd.s32 s2, s17  }
0x8e: {  	[smem:$0x3FBD] =	sst s2  }
0x8f: {  	_ = 	snop  }
0x90: {  	s2 =	sld [smem:$0x3FD0];
	(tm) =	ssettm $0x1  }
0x91: {  	s18 =	sld [smem:$0x3FFB];
	_ =	sdelay $0x3  }
0x92: {  	_ =	strace s18  }
0x93: {  	s3 =	sld [smem:$0x3FFC];
	_ =	sdelay $0x3  }
0x94: {  	_ =	strace s3  }
0x95: {  	s3 =	sld [smem:$0x3FFD];
	_ =	sdelay $0x3  }
0x96: {  	_ =	strace s3  }
0x97: {  	_ =	strace $0x8FFFFFFF  }
0x98: {  	s19 =	sld [smem:$0x3FDB];
	_ =	sdelay $0x1  }
0x99: {  	s4 =	simm.s32 $_scs_section_size  }
0x9a: {  	s5 =	simm.s32 $_size__tile_overlayer_lowered;
	s6 =	simm.s32 $_tile_overlayer_lowered  }
0x9b: {  	s22 =	simm.s32 $0x1BFF;
	s21 =	sshll.u32 s6, $0x1;
	s3 =	sadd.s32 s4, s19  }
0x9c: {  	s7 =	simm.s32 $0x0;
	s20 =	sshll.u32 s5, $0x1;
	s5 =	sadd.s32 s21, s3  }
0x9d: {  	[timem:s7], [sflag:s22] =	dma.local [hbm:s5], s20  }
0x9e: {  	_ =	swait.ge [sflag:s22], s20  }
0x9f: {  	s4 =	ssub.s32 $0x0, s20;
	[sflag:s22] =	ssyncset.done $0x0  }
0xa0: {  	[sflag:s22] =	ssyncadd.s32 s4;
	_ =	sdelay $0x1  }
0xa1: {  	s23 =	simm.s32 $0x1B8B  }
0xa2: {  	_ =	swait.ge [sflag:s23], $0x1  }
0xa3: {  	[sflag:s23] =	ssyncset.done $0x0  }
0xa4: {  	s25 =	simm.s32 $0x1B8E;
	s24 =	sld [smem:$0x3FFE];
	[sflag:s23] =	ssyncadd.s32 $0xFFFFFFFF  }
0xa5: {  	s26 =	simm.s32 $execute0_lowered;
	[smem:$0x3FD2] =	sst s25  }
0xa6: {  	s5 =	sshll.u32 s26, $0x1;
	_ =	strace $0x80000049;
	[dreg:$0x1] =	wrdreg $0xFFFFFFFF  }
0xa7: {  	s28 =	simm.s32 $_size_execute0_lowered;
	s3 =	sadd.s32 s3, s5;
	[dreg:$0x0] =	wrdreg $0x0  }
0xa8: {  	s5 =	sshll.u32 s28, $0x1;
	[dreg:$0x2] =	wrdreg s3  }
0xa9: {  	[dreg:$0x3] =	wrdreg s5  }
0xaa: {  	[dreg:$0x4] =	wrdreg $0xC0  }
0xab: {  	_ =	task [dreg:s7], $0x5FFFF  }
0xac: {  	[dreg:$0x1] =	wrdreg $0xFFFFFFFF  }
0xad: {  	[dreg:$0x0] =	wrdreg $0x60  }
0xae: {  	[dreg:$0x2] =	wrdreg s24  }
0xaf: {  	[dreg:$0x3] =	wrdreg s2  }
0xb0: {  	[dreg:$0x4] =	wrdreg $0xC2000  }
0xb1: {  	[dreg:$0x5] =	wrdreg $0x9  }
0xb2: {  	_ =	task.clear_ibuf [dreg:s7], $0x6FFFF;
	_ =	strace $0x90000049  }
0xb3: {  	s29 =	simm.s32 $0x9;
	_ =	strace $0x8000004B  }
0xb4: {  	_ =	swait.ge [sflag:s29], $0x1  }
0xb5: {  	[sflag:s29] =	ssyncadd.s32 $0xFFFFFFFF  }
0xb6: {  	_ =	strace $0x9000004B  }
0xb7: {  	_ =	sfence  }
0xb8: {  	s30 =	sld [smem:$0x0];
	_ =	sdelay $0x2  }
0xb9: {  	s31 =	sshll.u32 s1, $0xD;
	s1 =	sshrl.u32 s1, $0x2  }
0xba: {  	s3 =	sand.u32 $0x4000, s31;
	s1 =	sadd.s32 s1, s30  }
0xbb: {  	s0 =	sor.u32 s3, s0;
	s1 =	sshll.u32 s1, $0x11  }
0xbc: {  	s0 =	sor.u32 s1, s0  }
0xbd: {  	s0 =	sadd.s32 $0x8F2B, s0  }
0xbe: {  	[sflag:s0] =	ssyncadd.remote.s32 $0x1  }
0xbf: {  	_ =	sfence.sel $0xFFFF  }
0xc0: {  	[dreg:$0x0] =	wrdreg $0xFFFFFFFF;
	(pc) =	sbr.abs _section_cstart, $3  }
0xc1: {  	[dreg:$0x1] =	wrdreg $0xFFFFFFFF  }
0xc2: {  	_ =	task.clear_ibuf [dreg:s7], $0x2FFFF;
	_ =	strace $0x9FFFFFFF  }
0xc3: {  	(tm) =	ssettm $0x7FFFFFFF  }
tec
execute0_lowered:
.L_overlay_start_1:
0x0: {  	(tag) =	ssettag $0x1  }
0x1: {  	s0 =	rddreg [dreg:$0x0]  }
0x2: {  	s2 =	rddreg [dreg:$0x2];
	s3 =	simm.s32 $0x0  }
0x3: {  	s1 =	srdreg.scid;
	s25 =	stileid.u32;
	s28 =	simm.s32 $0xC080  }
0x4: {  	s29 =	simm.s32 $0x80;
	s30 =	simm.s32 $0x4000;
	s31 =	simm.s32 $0xC100  }
0x5: {  	[smem:$0x7FF] =	sst s3;
	s4 =	sadd.s32 $0x2B800, s0;
	s1 =	sand.u32 $0x1, s1  }
0x6: {  	s5 =	sadd.s32 $0x17800, s0;
	s11 =	sadd.s32 $0x2000, s0;
	s0 =	sadd.s32 $0x7A800, s0  }
0x7: {  	s13 =	sshll.u32 s25, $0xE;
	p0 =	seq.s32 s25, $0xF;
	_ =	strace $0x8000004A  }
0x8: {  	s6 =	ssub.s32 $0x2, s1;
	s22 =	sshll.u32 s1, $0x4;
	s14 =	sor.u32 $0x40000, s13  }
0x9: {  	s15 =	sor.u32 $0x80000, s13;
	s16 =	sor.u32 $0xC0000, s13;
	s17 =	smul.u32 $0x13C000, s1  }
0xa: {  	s18 =	sor.u32 $0x100000, s13;
	s1 =	smul.u32 $0x50000, s1;
	s7 =	sshrl.u32 s6, $0x1  }
0xb: {  	s8 =	sor.u32 s25, s22;
	s9 =	sadd.s32 s16, s2;
	s12 =	ssub.s32 s6, s7  }
0xc: {  	s6 =	sadd.s32 s13, s2;
	s7 =	sadd.s32 s14, s2;
	s10 =	smul.u32 $0x5000, s8  }
0xd: {  	s8 =	sadd.s32 s15, s2;
	s13 =	sadd.s32 s13, s17;
	s14 =	sadd.s32 s17, s14  }
0xe: {  	s26 =	sadd.s32 s17, s15;
	s16 =	sadd.s32 s17, s16;
	s13 =	sshrl.u32 s13, $0x3  }
0xf: {  	s24 =	sshrl.u32 s14, $0x3;
	s15 =	sshrl.u32 s26, $0x3;
	s21 =	sshrl.u32 s16, $0x3  }
0x10: {  	s19 =	sshrl.u32 s10, $0x3;
	s10 =	sadd.s32 s18, s2;
	s13 =	sadd.s32 s0, s13  }
0x11: {  	s18 =	sadd.s32 s17, s18;
	s20 =	sadd.s32 s5, s19;
	[dreg:$0x6] =	wrdreg s13  }
0x12: {  	s23 =	sadd.s32 s11, s19;
	s13 =	sadd.s32 s0, s24;
	[dreg:$0x4] =	wrdreg s20  }
0x13: {  	s22 =	sshrl.u32 s18, $0x3;
	s18 =	smax.u32 s12, $0x1;
	[dreg:$0x5] =	wrdreg s23  }
0x14: {  	s24 =	sadd.s32 $0x9D0, s19;
	[dreg:$0x7] =	wrdreg s13;
	s13 =	sadd.s32 s0, s15  }
0x15: {  	s20 =	smul.u32 $0x5000, s25;
	[dreg:$0x8] =	wrdreg s13;
	s13 =	sadd.s32 s0, s21  }
0x16: {  	s19 =	sadd.s32 s5, s24;
	s0 =	sadd.s32 s0, s22;
	[dreg:$0x9] =	wrdreg s13  }
0x17: {  	s25 =	simm.s32 $0x3;
	[dreg:$0xa] =	wrdreg s0;
	s23 =	sadd.s32 s20, s1  }
0x18: {  	s20 =	sadd.s32 s11, s24;
	s26 =	sor.u32 $0x100, s23;
	s0 =	sor.u32 $0x80, s23  }
0x19: {  	s1 =	simm.s32 $0x1;
	s12 =	sshrl.u32 s26, $0x3;
	s0 =	sshrl.u32 s0, $0x3  }
0x1a: {  	s26 =	simm.s32 $0xC000;
	s21 =	sadd.s32 s12, s11;
	s22 =	sadd.s32 s12, s5  }
0x1b: {  	s23 =	sadd.s32 s0, s11;
	s24 =	sadd.s32 s0, s5;
	s0 =	simm.s32 $0xC180  }
0x1c: {  	s5 =	simm.s32 $0x8000;
	s11 =	simm.s32 $0x2;
	s12 =	simm.s32 $0x0  }
.LBB2_1:
0x1d: {  	s13 =	rddreg [dreg:$0x1]  }
0x1e: {  	[tilespmem:s3], [sflag:$0x3] =	stream.linear.gather [hbm4b:s13+s3], $0x4000, $0x38;
	[tilespmem:$0x1FE00] =	vst v63  }
0x1f: {  	_ =	swait.ge [sflag:s25], $0x4000  }
0x20: {  	[sflag:s25] =	ssyncset.done $0x0  }
0x21: {  	[sflag:s25] =	ssyncadd.s32 $0xFFFFC000  }
0x22: {  	[spmem:s6] =	stream.linear.scatter [tilespmem:s3], [sflag:$0x3], $0x4000, $0x38;
	[tilespmem:$0x1FE00] =	vst v63  }
0x23: {  	_ =	swait.ge [sflag:s25], $0x4000  }
0x24: {  	[sflag:s25] =	ssyncset.done $0x0  }
0x25: {  	[sflag:s25] =	ssyncadd.s32 $0xFFFFC000  }
0x26: {  	[spmem:s7] =	stream.linear.scatter [tilespmem:s3], [sflag:$0x3], $0x4000, $0x38;
	[tilespmem:$0x1FE00] =	vst v63  }
0x27: {  	_ =	swait.ge [sflag:s25], $0x4000  }
0x28: {  	[sflag:s25] =	ssyncset.done $0x0  }
0x29: {  	[sflag:s25] =	ssyncadd.s32 $0xFFFFC000  }
0x2a: {  	[spmem:s8] =	stream.linear.scatter [tilespmem:s3], [sflag:$0x3], $0x4000, $0x38;
	[tilespmem:$0x1FE00] =	vst v63  }
0x2b: {  	_ =	swait.ge [sflag:s25], $0x4000  }
0x2c: {  	[sflag:s25] =	ssyncset.done $0x0  }
0x2d: {  	[sflag:s25] =	ssyncadd.s32 $0xFFFFC000  }
0x2e: {  	[spmem:s9] =	stream.linear.scatter [tilespmem:s3], [sflag:$0x3], $0x4000, $0x38;
	[tilespmem:$0x1FE00] =	vst v63  }
0x2f: {  	_ =	swait.ge [sflag:s25], $0x4000  }
0x30: {  	[sflag:s25] =	ssyncset.done $0x0  }
0x31: {  	s13 =	simm.s32 @!p0 $0x0;
	[sflag:s25] =	ssyncadd.s32 $0xFFFFC000  }
0x32: {  	[spmem:s10] =	stream.linear.scatter @!p0 [tilespmem:s13], [sflag:$0x3], $0x4000, $0x38;
	[tilespmem:$0x1FE00] =	vst v63  }
0x33: {  	s13 =	simm.s32 @!p0 $0x3  }
0x34: {  	_ =	swait.ge @!p0 [sflag:s13], $0x4000  }
0x35: {  	[sflag:s13] =	ssyncset.done @!p0 $0x0  }
0x36: {  	[sflag:s13] =	ssyncadd.s32 @!p0 $0xFFFFC000  }
0x37: {  	[bflag:$0x0] =	sbarrier.arrive $0xFFFF  }
0x38: {  	s16 =	rddreg [dreg:$0x4]  }
0x39: {  	[tilespmem:s26], [sflag:$0x3] =	stream.linear.gather [hbm4b:s16+s3], $0x80, $0x38;
	[tilespmem:$0x1FE00] =	vst v63  }
0x3a: {  	_ =	swait.ge [sflag:s25], $0x80  }
0x3b: {  	[sflag:s25] =	ssyncset.done $0x0  }
0x3c: {  	s17 =	rddreg [dreg:$0x5];
	[sflag:s25] =	ssyncadd.s32 $0xFFFFFF80  }
0x3d: {  	[tilespmem:s28], [sflag:$0x3] =	stream.linear.gather [hbm4b:s17+s3], $0x80, $0x38;
	[tilespmem:$0x1FE00] =	vst v63  }
0x3e: {  	_ =	swait.ge [sflag:s25], $0x80  }
0x3f: {  	[sflag:s25] =	ssyncset.done $0x0  }
0x40: {  	[sflag:s25] =	ssyncadd.s32 $0xFFFFFF80  }
0x41: {  	[tilespmem:s30], [sflag:$0x1] =	stream.indirect.gather [hbm4b:s4+s29], $0x80, s26, s29, $0xb8;
	[tilespmem:$0x1FE00] =	vst v63  }
0x42: {  	s14 =	sadd.s32 $0x0, s24  }
0x43: {  	[tilespmem:s31], [sflag:$0x3] =	stream.linear.gather [hbm4b:s14+s3], $0x80, $0x38;
	[tilespmem:$0x1FE00] =	vst v63  }
0x44: {  	_ =	swait.ge [sflag:s25], $0x80  }
0x45: {  	[sflag:s25] =	ssyncset.done $0x0  }
0x46: {  	s15 =	sadd.s32 $0x0, s23;
	[sflag:s25] =	ssyncadd.s32 $0xFFFFFF80  }
0x47: {  	[tilespmem:s0], [sflag:$0x3] =	stream.linear.gather [hbm4b:s15+s3], $0x80, $0x38;
	[tilespmem:$0x1FE00] =	vst v63  }
0x48: {  	_ =	swait.ge [sflag:s25], $0x80  }
0x49: {  	[sflag:s25] =	ssyncset.done $0x0  }
0x4a: {  	[sflag:s25] =	ssyncadd.s32 $0xFFFFFF80  }
0x4b: {  	[tilespmem:s5], [sflag:$0x2] =	stream.indirect.gather [hbm4b:s4+s29], $0x80, s31, s29, $0xb8;
	[tilespmem:$0x1FE00] =	vst v63  }
0x4c: {  	_ =	swait.ge [sflag:s1], $0x4000  }
0x4d: {  	[sflag:s1] =	ssyncset.done $0x0  }
0x4e: {  	[sflag:s1] =	ssyncadd.s32 $0xFFFFC000  }
0x4f: {  	[spmem:s2] =	stream.indirect.scatter.add.f32 [tilespmem:s30], [sflag:$0x3], $0x80, s28, s29, $0xb8;
	[tilespmem:$0x1FE00] =	vst v63  }
0x50: {  	_ =	swait.ge [sflag:s25], $0x4000  }
0x51: {  	[sflag:s25] =	ssyncset.done $0x0  }
0x52: {  	s16 =	sadd.s32 $0x0, s22;
	[sflag:s25] =	ssyncadd.s32 $0xFFFFC000  }
0x53: {  	[tilespmem:s26], [sflag:$0x3] =	stream.linear.gather [hbm4b:s16+s3], $0x80, $0x38;
	[tilespmem:$0x1FE00] =	vst v63  }
0x54: {  	_ =	swait.ge [sflag:s25], $0x80  }
0x55: {  	[sflag:s25] =	ssyncset.done $0x0  }
0x56: {  	s17 =	sadd.s32 $0x0, s21;
	[sflag:s25] =	ssyncadd.s32 $0xFFFFFF80  }
0x57: {  	[tilespmem:s28], [sflag:$0x3] =	stream.linear.gather [hbm4b:s17+s3], $0x80, $0x38;
	[tilespmem:$0x1FE00] =	vst v63  }
0x58: {  	_ =	swait.ge [sflag:s25], $0x80  }
0x59: {  	[sflag:s25] =	ssyncset.done $0x0  }
0x5a: {  	[sflag:s25] =	ssyncadd.s32 $0xFFFFFF80  }
0x5b: {  	[tilespmem:s30], [sflag:$0x1] =	stream.indirect.gather [hbm4b:s4+s29], $0x80, s26, s29, $0xb8;
	[tilespmem:$0x1FE00] =	vst v63  }
0x5c: {  	_ =	swait.ge [sflag:s11], $0x4000  }
0x5d: {  	[sflag:s11] =	ssyncset.done $0x0  }
0x5e: {  	[sflag:s11] =	ssyncadd.s32 $0xFFFFC000  }
0x5f: {  	[spmem:s2] =	stream.indirect.scatter.add.f32 [tilespmem:s5], [sflag:$0x3], $0x80, s0, s29, $0xb8;
	[tilespmem:$0x1FE00] =	vst v63  }
0x60: {  	_ =	swait.ge [sflag:s25], $0x4000  }
0x61: {  	s13 =	simm.s32 $0x20;
	s14 =	simm.s32 $0x40;
	[sflag:s25] =	ssyncset.done $0x0  }
.LBB2_2:
0x62: {  	s16 =	sadd.s32 s13, s24  }
0x63: {  	[sflag:s25] =	ssyncadd.s32 $0xFFFFC000;
	s17 =	smov.u32 s14;
	s15 =	sadd.s32 $0x20, s14  }
0x64: {  	[tilespmem:s31], [sflag:$0x3] =	stream.linear.gather [hbm4b:s16+s3], $0x80, $0x38;
	[tilespmem:$0x1FE00] =	vst v63  }
0x65: {  	p1 =	sne.s32 s14, $0x9A0;
	_ =	swait.ge [sflag:s25], $0x80  }
0x66: {  	[sflag:s25] =	ssyncset.done $0x0  }
0x67: {  	s14 =	sadd.s32 s13, s23;
	[sflag:s25] =	ssyncadd.s32 $0xFFFFFF80  }
0x68: {  	[tilespmem:s0], [sflag:$0x3] =	stream.linear.gather [hbm4b:s14+s3], $0x80, $0x38;
	[tilespmem:$0x1FE00] =	vst v63  }
0x69: {  	_ =	swait.ge [sflag:s25], $0x80  }
0x6a: {  	[sflag:s25] =	ssyncset.done $0x0  }
0x6b: {  	[sflag:s25] =	ssyncadd.s32 $0xFFFFFF80  }
0x6c: {  	[tilespmem:s5], [sflag:$0x2] =	stream.indirect.gather [hbm4b:s4+s29], $0x80, s31, s29, $0xb8;
	[tilespmem:$0x1FE00] =	vst v63  }
0x6d: {  	_ =	swait.ge [sflag:s1], $0x4000  }
0x6e: {  	[sflag:s1] =	ssyncset.done $0x0  }
0x6f: {  	[sflag:s1] =	ssyncadd.s32 $0xFFFFC000  }
0x70: {  	[spmem:s2] =	stream.indirect.scatter.add.f32 [tilespmem:s30], [sflag:$0x3], $0x80, s28, s29, $0xb8;
	[tilespmem:$0x1FE00] =	vst v63  }
0x71: {  	_ =	swait.ge [sflag:s25], $0x4000  }
0x72: {  	[sflag:s25] =	ssyncset.done $0x0  }
0x73: {  	s14 =	sadd.s32 s13, s22;
	[sflag:s25] =	ssyncadd.s32 $0xFFFFC000  }
0x74: {  	[tilespmem:s26], [sflag:$0x3] =	stream.linear.gather [hbm4b:s14+s3], $0x80, $0x38;
	[tilespmem:$0x1FE00] =	vst v63  }
0x75: {  	_ =	swait.ge [sflag:s25], $0x80  }
0x76: {  	[sflag:s25] =	ssyncset.done $0x0  }
0x77: {  	s14 =	sadd.s32 s13, s21;
	s13 =	smov.u32 s17;
	[sflag:s25] =	ssyncadd.s32 $0xFFFFFF80  }
0x78: {  	[tilespmem:s28], [sflag:$0x3] =	stream.linear.gather [hbm4b:s14+s3], $0x80, $0x38;
	[tilespmem:$0x1FE00] =	vst v63  }
0x79: {  	_ =	swait.ge [sflag:s25], $0x80  }
0x7a: {  	[sflag:s25] =	ssyncset.done $0x0  }
0x7b: {  	[sflag:s25] =	ssyncadd.s32 $0xFFFFFF80  }
0x7c: {  	[tilespmem:s30], [sflag:$0x1] =	stream.indirect.gather [hbm4b:s4+s29], $0x80, s26, s29, $0xb8;
	[tilespmem:$0x1FE00] =	vst v63  }
0x7d: {  	_ =	swait.ge [sflag:s11], $0x4000  }
.Ltmp0:
0x7e: {  	[sflag:s11] =	ssyncset.done $0x0;
	(pc) =	sbr.rel @p1 .LBB2_2-.Ltmp0, $4  }
0x7f: {  	[sflag:s11] =	ssyncadd.s32 $0xFFFFC000  }
0x80: {  	[spmem:s2] =	stream.indirect.scatter.add.f32 [tilespmem:s5], [sflag:$0x3], $0x80, s0, s29, $0xb8;
	[tilespmem:$0x1FE00] =	vst v63  }
0x81: {  	_ =	swait.ge [sflag:s25], $0x4000  }
0x82: {  	s14 =	smov.u32 s15;
	[sflag:s25] =	ssyncset.done $0x0  }
0x83: {  	s14 =	sadd.s32 s13, s24;
	[sflag:s25] =	ssyncadd.s32 $0xFFFFC000  }
0x84: {  	[tilespmem:s31], [sflag:$0x3] =	stream.linear.gather [hbm4b:s14+s3], $0x80, $0x38;
	[tilespmem:$0x1FE00] =	vst v63  }
0x85: {  	_ =	swait.ge [sflag:s25], $0x80  }
0x86: {  	[sflag:s25] =	ssyncset.done $0x0  }
0x87: {  	s15 =	sadd.s32 s13, s23;
	[sflag:s25] =	ssyncadd.s32 $0xFFFFFF80  }
0x88: {  	[tilespmem:s0], [sflag:$0x3] =	stream.linear.gather [hbm4b:s15+s3], $0x80, $0x38;
	[tilespmem:$0x1FE00] =	vst v63  }
0x89: {  	_ =	swait.ge [sflag:s25], $0x80  }
0x8a: {  	[sflag:s25] =	ssyncset.done $0x0  }
0x8b: {  	[sflag:s25] =	ssyncadd.s32 $0xFFFFFF80  }
0x8c: {  	[tilespmem:s5], [sflag:$0x2] =	stream.indirect.gather [hbm4b:s4+s29], $0x80, s31, s29, $0xb8;
	[tilespmem:$0x1FE00] =	vst v63  }
0x8d: {  	_ =	swait.ge [sflag:s1], $0x4000  }
0x8e: {  	[sflag:s1] =	ssyncset.done $0x0  }
0x8f: {  	[sflag:s1] =	ssyncadd.s32 $0xFFFFC000  }
0x90: {  	[spmem:s2] =	stream.indirect.scatter.add.f32 [tilespmem:s30], [sflag:$0x3], $0x80, s28, s29, $0xb8;
	[tilespmem:$0x1FE00] =	vst v63  }
0x91: {  	_ =	swait.ge [sflag:s25], $0x4000  }
0x92: {  	[sflag:s25] =	ssyncset.done $0x0  }
0x93: {  	s16 =	sadd.s32 s13, s22;
	[sflag:s25] =	ssyncadd.s32 $0xFFFFC000  }
0x94: {  	[tilespmem:s26], [sflag:$0x3] =	stream.linear.gather [hbm4b:s16+s3], $0x80, $0x38;
	[tilespmem:$0x1FE00] =	vst v63  }
0x95: {  	_ =	swait.ge [sflag:s25], $0x80  }
0x96: {  	[sflag:s25] =	ssyncset.done $0x0  }
0x97: {  	s17 =	sadd.s32 s13, s21;
	[sflag:s25] =	ssyncadd.s32 $0xFFFFFF80  }
0x98: {  	[tilespmem:s28], [sflag:$0x3] =	stream.linear.gather [hbm4b:s17+s3], $0x80, $0x38;
	[tilespmem:$0x1FE00] =	vst v63  }
0x99: {  	_ =	swait.ge [sflag:s25], $0x80  }
0x9a: {  	[sflag:s25] =	ssyncset.done $0x0  }
0x9b: {  	[sflag:s25] =	ssyncadd.s32 $0xFFFFFF80  }
0x9c: {  	[tilespmem:s30], [sflag:$0x1] =	stream.indirect.gather [hbm4b:s4+s29], $0x80, s26, s29, $0xb8;
	[tilespmem:$0x1FE00] =	vst v63  }
0x9d: {  	_ =	swait.ge [sflag:s11], $0x4000  }
0x9e: {  	[sflag:s11] =	ssyncset.done $0x0  }
0x9f: {  	[sflag:s11] =	ssyncadd.s32 $0xFFFFC000  }
0xa0: {  	[spmem:s2] =	stream.indirect.scatter.add.f32 [tilespmem:s5], [sflag:$0x3], $0x80, s0, s29, $0xb8;
	[tilespmem:$0x1FE00] =	vst v63  }
0xa1: {  	_ =	swait.ge [sflag:s25], $0x4000  }
0xa2: {  	[sflag:s25] =	ssyncset.done $0x0  }
0xa3: {  	[sflag:s25] =	ssyncadd.s32 $0xFFFFC000  }
0xa4: {  	[tilespmem:s31], [sflag:$0x3] =	stream.linear.gather [hbm4b:s19+s3], $0x80, $0x38;
	[tilespmem:$0x1FE00] =	vst v63  }
0xa5: {  	_ =	swait.ge [sflag:s25], $0x80  }
0xa6: {  	[sflag:s25] =	ssyncset.done $0x0  }
0xa7: {  	[sflag:s25] =	ssyncadd.s32 $0xFFFFFF80  }
0xa8: {  	[tilespmem:s0], [sflag:$0x3] =	stream.linear.gather [hbm4b:s20+s3], $0x80, $0x38;
	[tilespmem:$0x1FE00] =	vst v63  }
0xa9: {  	_ =	swait.ge [sflag:s25], $0x80  }
0xaa: {  	[sflag:s25] =	ssyncset.done $0x0  }
0xab: {  	[sflag:s25] =	ssyncadd.s32 $0xFFFFFF80  }
0xac: {  	[tilespmem:s5], [sflag:$0x2] =	stream.indirect.gather [hbm4b:s4+s29], $0x80, s31, s29, $0xb8;
	[tilespmem:$0x1FE00] =	vst v63  }
0xad: {  	_ =	swait.ge [sflag:s1], $0x4000  }
0xae: {  	[sflag:s1] =	ssyncset.done $0x0  }
0xaf: {  	[sflag:s1] =	ssyncadd.s32 $0xFFFFC000  }
0xb0: {  	[spmem:s2] =	stream.indirect.scatter.add.f32 [tilespmem:s30], [sflag:$0x3], $0x80, s28, s29, $0xb8;
	[tilespmem:$0x1FE00] =	vst v63  }
0xb1: {  	_ =	swait.ge [sflag:s25], $0x4000  }
0xb2: {  	[sflag:s25] =	ssyncset.done $0x0  }
0xb3: {  	[sflag:s25] =	ssyncadd.s32 $0xFFFFC000  }
0xb4: {  	_ =	swait.ge [sflag:s11], $0x4000  }
0xb5: {  	[sflag:s11] =	ssyncset.done $0x0  }
0xb6: {  	[sflag:s11] =	ssyncadd.s32 $0xFFFFC000  }
0xb7: {  	[spmem:s2] =	stream.indirect.scatter.add.f32 [tilespmem:s5], [sflag:$0x3], $0x80, s0, s29, $0xb8;
	[tilespmem:$0x1FE00] =	vst v63  }
0xb8: {  	_ =	swait.ge [sflag:s25], $0x4000  }
0xb9: {  	[sflag:s25] =	ssyncset.done $0x0  }
0xba: {  	[sflag:s25] =	ssyncadd.s32 $0xFFFFC000  }
0xbb: {  	[bflag:$0x0] =	sbarrier.arrive $0xFFFF  }
0xbc: {  	[tilespmem:s3], [sflag:$0x3] =	stream.linear.gather [spmem:s6], $0x4000, $0x38;
	[tilespmem:$0x1FE00] =	vst v63  }
0xbd: {  	_ =	swait.ge [sflag:s25], $0x4000  }
0xbe: {  	[sflag:s25] =	ssyncset.done $0x0  }
0xbf: {  	s14 =	rddreg [dreg:$0x6];
	[sflag:s25] =	ssyncadd.s32 $0xFFFFC000  }
0xc0: {  	[hbm4b:s14+s3] =	stream.linear.scatter [tilespmem:s3], [sflag:$0x3], $0x4000, $0x38;
	[tilespmem:$0x1FE00] =	vst v63  }
0xc1: {  	_ =	swait.ge [sflag:s25], $0x4000  }
0xc2: {  	[sflag:s25] =	ssyncset.done $0x0  }
0xc3: {  	[sflag:s25] =	ssyncadd.s32 $0xFFFFC000  }
0xc4: {  	[tilespmem:s3], [sflag:$0x3] =	stream.linear.gather [spmem:s7], $0x4000, $0x38;
	[tilespmem:$0x1FE00] =	vst v63  }
0xc5: {  	_ =	swait.ge [sflag:s25], $0x4000  }
0xc6: {  	[sflag:s25] =	ssyncset.done $0x0  }
0xc7: {  	s15 =	rddreg [dreg:$0x7];
	[sflag:s25] =	ssyncadd.s32 $0xFFFFC000  }
0xc8: {  	[hbm4b:s15+s3] =	stream.linear.scatter [tilespmem:s3], [sflag:$0x3], $0x4000, $0x38;
	[tilespmem:$0x1FE00] =	vst v63  }
0xc9: {  	_ =	swait.ge [sflag:s25], $0x4000  }
0xca: {  	[sflag:s25] =	ssyncset.done $0x0  }
0xcb: {  	[sflag:s25] =	ssyncadd.s32 $0xFFFFC000  }
0xcc: {  	[tilespmem:s3], [sflag:$0x3] =	stream.linear.gather [spmem:s8], $0x4000, $0x38;
	[tilespmem:$0x1FE00] =	vst v63  }
0xcd: {  	_ =	swait.ge [sflag:s25], $0x4000  }
0xce: {  	[sflag:s25] =	ssyncset.done $0x0  }
0xcf: {  	s16 =	rddreg [dreg:$0x8];
	[sflag:s25] =	ssyncadd.s32 $0xFFFFC000  }
0xd0: {  	[hbm4b:s16+s3] =	stream.linear.scatter [tilespmem:s3], [sflag:$0x3], $0x4000, $0x38;
	[tilespmem:$0x1FE00] =	vst v63  }
0xd1: {  	_ =	swait.ge [sflag:s25], $0x4000  }
0xd2: {  	[sflag:s25] =	ssyncset.done $0x0  }
0xd3: {  	[sflag:s25] =	ssyncadd.s32 $0xFFFFC000  }
0xd4: {  	[tilespmem:s3], [sflag:$0x3] =	stream.linear.gather [spmem:s9], $0x4000, $0x38;
	[tilespmem:$0x1FE00] =	vst v63  }
0xd5: {  	_ =	swait.ge [sflag:s25], $0x4000  }
0xd6: {  	[sflag:s25] =	ssyncset.done $0x0  }
0xd7: {  	s17 =	rddreg [dreg:$0x9];
	[sflag:s25] =	ssyncadd.s32 $0xFFFFC000  }
0xd8: {  	[hbm4b:s17+s3] =	stream.linear.scatter [tilespmem:s3], [sflag:$0x3], $0x4000, $0x38;
	[tilespmem:$0x1FE00] =	vst v63  }
0xd9: {  	_ =	swait.ge [sflag:s25], $0x4000  }
0xda: {  	[sflag:s25] =	ssyncset.done $0x0  }
0xdb: {  	s13 =	simm.s32 @!p0 $0x0;
	s14 =	simm.s32 @!p0 $0x3;
	[sflag:s25] =	ssyncadd.s32 $0xFFFFC000  }
0xdc: {  	[tilespmem:s13], [sflag:$0x3] =	stream.linear.gather @!p0 [spmem:s10], $0x4000, $0x38;
	[tilespmem:$0x1FE00] =	vst v63  }
0xdd: {  	s12 =	sadd.s32 $0x1, s12;
	_ =	swait.ge @!p0 [sflag:s14], $0x4000  }
0xde: {  	p1 =	sne.s32 s12, s18;
	[sflag:s14] =	ssyncset.done @!p0 $0x0  }
.Ltmp1:
0xdf: {  	s15 =	rddreg [dreg:$0xa];
	[sflag:s14] =	ssyncadd.s32 @!p0 $0xFFFFC000;
	(pc) =	sbr.rel @p1 .LBB2_1-.Ltmp1, $4  }
0xe0: {  	[hbm4b:s15+s13] =	stream.linear.scatter @!p0 [tilespmem:s13], [sflag:$0x3], $0x4000, $0x38;
	[tilespmem:$0x1FE00] =	vst v63  }
0xe1: {  	_ =	swait.ge @!p0 [sflag:s14], $0x4000  }
0xe2: {  	[sflag:s14] =	ssyncset.done @!p0 $0x0  }
0xe3: {  	[sflag:s14] =	ssyncadd.s32 @!p0 $0xFFFFC000  }
0xe4: {  	_ =	sfence.sel $0x180000  }
0xe5: {  	[bflag:$0x0] =	sbarrier.arrive $0xFFFF  }
0xe6: {  	_ =	strace $0x9000004A  }
0xe7: {  	s0 =	stileid.u32;
	[bflag:$0x2] =	sbarrier.arrive $0xFFFF  }
0xe8: {  	p0 =	sne.s32 s0, $0x0;
	s0 =	rddreg [dreg:$0x3]  }
0xe9: {  	s0 =	sadd.s32 @!p0 $0x100000, s0  }
0xea: {  	[sflag:s0] =	ssyncadd.tile.s32 @!p0 $0x1;
	_ =	shalt  }
.Lfunc_end2:
_tile_overlayer_lowered:
.L_overlay_start_2:
0xeb: {  	(tag) =	ssettag $0x2  }
0xec: {  	s0 =	rddreg [dreg:$0x0];
	s2 =	stileid.u32  }
0xed: {  	s1 =	rddreg [dreg:$0x1];
	p0 =	sne.s32 s2, $0x0  }
0xee: {  	s3 =	rddreg [dreg:$0x2];
	[bflag:$0x3] =	sbarrier.arrive $0xFFFF;
	s2 =	simm.s32 @!p0 $0x1C03  }
0xef: {  	[timem:s3], [sflag:s2] =	dma.local @!p0 [hbm:s0], s1  }
0xf0: {  	s0 =	simm.s32 @!p0 $0x3  }
0xf1: {  	_ =	swait.ge @!p0 [sflag:s0], s1  }
0xf2: {  	s1 =	ssub.s32 @!p0 $0x0, s1;
	[sflag:s0] =	ssyncset.done @!p0 $0x0  }
0xf3: {  	[sflag:s0] =	ssyncadd.s32 @!p0 s1  }
0xf4: {  	[bflag:$0x3] =	sbarrier.arrive $0xFFFF  }
0xf5: {  	_ =	shalt  }

// kernel: kernel.14.cloned.1.call-start
scs
__scs_entry_jumppad:
0x0: {  	(pc) =	sbr.rel $0x88, $3  }
0x1: {  	(tag) =	ssettag $0x0;
	lr =	simm.s32 $0x1  }
0x2: {  	[smem:$0x3F96] =	sst lr;
	_ =	strace $0xD0000000  }
0x3: {  	_ = 	snop  }
0x4: {  	_ = 	snop  }
0x5: {  	_ = 	snop  }
0x6: {  	_ = 	snop  }
0x7: {  	_ = 	snop  }
__scs_overlays_trampoline_lowered:
0x8: {  	[smem:$0x3FA5] =	sst s0  }
0x9: {  	[smem:$0x3FA6] =	sst s1  }
0xa: {  	[smem:$0x3FA7] =	sst s2  }
0xb: {  	[smem:$0x3FA8] =	sst s3  }
0xc: {  	[smem:$0x3FA9] =	sst s4  }
0xd: {  	[smem:$0x3FAA] =	sst s5  }
0xe: {  	[smem:$0x3FAB] =	sst s6  }
0xf: {  	[smem:$0x3FAC] =	sst s7  }
0x10: {  	[smem:$0x3FAD] =	sst s8  }
0x11: {  	[smem:$0x3FAE] =	sst s9;
	s0 =	simm.s32 @!p0 $0x0  }
0x12: {  	s1 =	sld [smem:$0x3F94];
	s0 =	simm.s32 @p0 $0x1  }
0x13: {  	[smem:$0x3FAF] =	sst s0;
	s0 =	simm.s32 @!p1 $0x0  }
0x14: {  	s2 =	sld [smem:$0x3F93];
	s0 =	simm.s32 @p1 $0x1  }
0x15: {  	[smem:$0x3FB0] =	sst s0;
	s0 =	simm.s32 @!p2 $0x0  }
0x16: {  	s3 =	sld [smem:$0x3FDB];
	s0 =	simm.s32 @p2 $0x1  }
0x17: {  	s4 =	simm.s32 $0x1BF5;
	[smem:$0x3FB2] =	sst s0  }
0x18: {  	s0 =	sld [smem:$0x3F95];
	_ =	swait.ge [sflag:s4], $0x0  }
0x19: {  	s7 =	sld [smem:$0x3F96]  }
0x1a: {  	s8 =	sadd.s32 $0xFFFFE003, lr  }
0x1b: {  	s9 =	sadd.s32 $0xFFFFFEF7, lr;
	s5 =	simm.s32 $0xFFFFFFFF;
	p2 =	slt.u32 s8, $0xFFFFF086  }
0x1c: {  	p1 =	slt.u32 s9, $0xF7A;
	s5 =	simm.s32 @!p2 $0x0  }
0x1d: {  	s5 =	simm.s32 @p1 $0x1;
	p0 =	seq.s32 s7, s2  }
0x1e: {  	s7 =	smul.u32 @!p0 $0xF7A, s2;
	p2 =	seq.s32 @!p0 s5, $0x0  }
0x1f: {  	s9 =	smul.u32 $0xF7A, s1;
	s8 =	simm.s32 @!p0 $0x1BF5;
	p2 =	por !p2, p0  }
0x20: {  	[sflag:s8] =	ssyncset.s32 @!p0 $0xFFFFF086;
	s6 =	sadd.s32 @!p0 s3, s7;
	s7 =	simm.s32 @!p0 $0x108  }
0x21: {  	s3 =	sadd.s32 s3, s9;
	s6 =	sadd.s32 @!p0 $0x88, s6;
	s7 =	simm.s32 @p2 $0x1082  }
0x22: {  	[simem:s7], [sflag:s8] =	dma.local @!p0 [hbm:s6], $0xF7A  }
0x23: {  	s9 =	sor.u32 $0xD0000000, s2;
	s6 =	simm.s32 $0x108;
	_ =	swait.ge @!p0 [sflag:s8], $0x0  }
0x24: {  	s3 =	sadd.s32 $0x88, s3;
	s6 =	simm.s32 @!p1 $0x1082;
	[sflag:s4] =	ssyncset.s32 $0xFFFFF086  }
0x25: {  	[simem:s6], [sflag:s4] =	dma.local [hbm:s3], $0xF7A  }
0x26: {  	[smem:$0x3F96] =	sst s1;
	(tag) =	ssettag s2;
	_ =	strace s9  }
0x27: {  	s1 =	sld [smem:$0x3FA6]  }
0x28: {  	s2 =	sld [smem:$0x3FA7]  }
0x29: {  	s4 =	sld [smem:$0x3FA9]  }
0x2a: {  	p0 =	seq.s32 s5, $0x0;
	s5 =	sld [smem:$0x3FAA]  }
0x2b: {  	s6 =	sld [smem:$0x3FAB]  }
0x2c: {  	s7 =	sld [smem:$0x3FAC]  }
0x2d: {  	s3 =	simm.s32 $0x108;
	s8 =	sld [smem:$0x3FAD]  }
0x2e: {  	s3 =	simm.s32 @!p0 $0x1082;
	s9 =	sld [smem:$0x3FAE]  }
0x2f: {  	lr =	sadd.s32 s0, s3;
	s0 =	sld [smem:$0x3FA5]  }
0x30: {  	s3 =	sld [smem:$0x3FA8]  }
0x31: {  	[smem:$0x3FB1] =	sst s10  }
0x32: {  	s10 =	sld [smem:$0x3FAF];
	_ =	sdelay $0x3  }
0x33: {  	p0 =	seq.s32 s10, $0x1;
	s10 =	sld [smem:$0x3FB1];
	_ =	sdelay $0x3  }
0x34: {  	[smem:$0x3FB1] =	sst s10  }
0x35: {  	s10 =	sld [smem:$0x3FB0];
	_ =	sdelay $0x3  }
0x36: {  	p1 =	seq.s32 s10, $0x1;
	s10 =	sld [smem:$0x3FB1];
	_ =	sdelay $0x3  }
0x37: {  	[smem:$0x3FB1] =	sst s10  }
0x38: {  	s10 =	sld [smem:$0x3FB2]  }
0x39: {  	_ = 	snop;
	(pc) =	sbr.ind lr, $3  }
0x3a: {  	_ = 	snop  }
0x3b: {  	_ = 	snop  }
0x3c: {  	p2 =	seq.s32 s10, $0x1;
	s10 =	sld [smem:$0x3FB1]  }
0x3d: {  	_ =	shalt  }
0x3e: {  	_ =	shalt  }
0x3f: {  	_ =	shalt  }
0x40: {  	_ =	shalt  }
0x41: {  	_ =	shalt  }
0x42: {  	_ =	shalt  }
0x43: {  	_ =	shalt  }
0x44: {  	_ =	shalt  }
0x45: {  	_ =	shalt  }
0x46: {  	_ =	shalt  }
0x47: {  	_ =	shalt  }
0x48: {  	_ =	shalt  }
0x49: {  	_ =	shalt  }
0x4a: {  	_ =	shalt  }
0x4b: {  	_ =	shalt  }
0x4c: {  	_ =	shalt  }
0x4d: {  	_ =	shalt  }
0x4e: {  	_ =	shalt  }
0x4f: {  	_ =	shalt  }
0x50: {  	_ =	shalt  }
0x51: {  	_ =	shalt  }
0x52: {  	_ =	shalt  }
0x53: {  	_ =	shalt  }
0x54: {  	_ =	shalt  }
0x55: {  	_ =	shalt  }
0x56: {  	_ =	shalt  }
0x57: {  	_ =	shalt  }
0x58: {  	_ =	shalt  }
0x59: {  	_ =	shalt  }
0x5a: {  	_ =	shalt  }
0x5b: {  	_ =	shalt  }
0x5c: {  	_ =	shalt  }
0x5d: {  	_ =	shalt  }
0x5e: {  	_ =	shalt  }
0x5f: {  	_ =	shalt  }
0x60: {  	_ =	shalt  }
0x61: {  	_ =	shalt  }
0x62: {  	_ =	shalt  }
0x63: {  	_ =	shalt  }
0x64: {  	_ =	shalt  }
0x65: {  	_ =	shalt  }
0x66: {  	_ =	shalt  }
0x67: {  	_ =	shalt  }
0x68: {  	_ =	shalt  }
0x69: {  	_ =	shalt  }
0x6a: {  	_ =	shalt  }
0x6b: {  	_ =	shalt  }
0x6c: {  	_ =	shalt  }
0x6d: {  	_ =	shalt  }
0x6e: {  	_ =	shalt  }
0x6f: {  	_ =	shalt  }
0x70: {  	_ =	shalt  }
0x71: {  	_ =	shalt  }
0x72: {  	_ =	shalt  }
0x73: {  	_ =	shalt  }
0x74: {  	_ =	shalt  }
0x75: {  	_ =	shalt  }
0x76: {  	_ =	shalt  }
0x77: {  	_ =	shalt  }
0x78: {  	_ =	shalt  }
0x79: {  	_ =	shalt  }
0x7a: {  	_ =	shalt  }
0x7b: {  	_ =	shalt  }
0x7c: {  	_ =	shalt  }
0x7d: {  	_ =	shalt  }
0x7e: {  	_ =	shalt  }
0x7f: {  	_ =	shalt  }
0x80: {  	_ =	shalt  }
0x81: {  	_ =	shalt  }
0x82: {  	_ =	shalt  }
0x83: {  	_ =	shalt  }
0x84: {  	_ =	shalt  }
0x85: {  	_ =	shalt  }
0x86: {  	_ =	shalt  }
0x87: {  	_ =	shalt  }
.Lfunc_end0:
.L_simem_size_0:
called_computation.2_lowered:
.L_overlay_start_0:
0x88: {  	s2 =	sld [smem:$0x3FD9]  }
0x89: {  	s3 =	sld [smem:$0x3FFE];
	_ =	sdelay $0x1  }
0x8a: {  	s1 =	srdreg.scid  }
0x8b: {  	s0 =	sand.u32 $0x1, s1  }
0x8c: {  	s17 =	sshll.u32 s0, $0xA;
	s2 =	sadd.s32 s3, s2  }
0x8d: {  	s2 =	sadd.s32 s2, s17  }
0x8e: {  	[smem:$0x3FBD] =	sst s2  }
0x8f: {  	_ = 	snop  }
0x90: {  	s2 =	sld [smem:$0x3FD0];
	(tm) =	ssettm $0x1  }
0x91: {  	s18 =	sld [smem:$0x3FFB];
	_ =	sdelay $0x3  }
0x92: {  	_ =	strace s18  }
0x93: {  	s3 =	sld [smem:$0x3FFC];
	_ =	sdelay $0x3  }
0x94: {  	_ =	strace s3  }
0x95: {  	s3 =	sld [smem:$0x3FFD];
	_ =	sdelay $0x3  }
0x96: {  	_ =	strace s3  }
0x97: {  	_ =	strace $0x8FFFFFFF  }
0x98: {  	s19 =	sld [smem:$0x3FDB];
	_ =	sdelay $0x1  }
0x99: {  	s4 =	simm.s32 $_scs_section_size  }
0x9a: {  	s5 =	simm.s32 $_size__tile_overlayer_lowered;
	s6 =	simm.s32 $_tile_overlayer_lowered  }
0x9b: {  	s22 =	simm.s32 $0x1BFF;
	s21 =	sshll.u32 s6, $0x1;
	s3 =	sadd.s32 s4, s19  }
0x9c: {  	s7 =	simm.s32 $0x0;
	s20 =	sshll.u32 s5, $0x1;
	s5 =	sadd.s32 s21, s3  }
0x9d: {  	[timem:s7], [sflag:s22] =	dma.local [hbm:s5], s20  }
0x9e: {  	_ =	swait.ge [sflag:s22], s20  }
0x9f: {  	s4 =	ssub.s32 $0x0, s20;
	[sflag:s22] =	ssyncset.done $0x0  }
0xa0: {  	[sflag:s22] =	ssyncadd.s32 s4;
	_ =	sdelay $0x1  }
0xa1: {  	s23 =	simm.s32 $0x1B8B  }
0xa2: {  	_ =	swait.ge [sflag:s23], $0x1  }
0xa3: {  	[sflag:s23] =	ssyncset.done $0x0  }
0xa4: {  	s25 =	simm.s32 $0x1B8E;
	s24 =	sld [smem:$0x3FFE];
	[sflag:s23] =	ssyncadd.s32 $0xFFFFFFFF  }
0xa5: {  	s26 =	simm.s32 $execute0_lowered;
	[smem:$0x3FD2] =	sst s25  }
0xa6: {  	s5 =	sshll.u32 s26, $0x1;
	_ =	strace $0x8000004C;
	[dreg:$0x1] =	wrdreg $0xFFFFFFFF  }
0xa7: {  	s28 =	simm.s32 $_size_execute0_lowered;
	s3 =	sadd.s32 s3, s5;
	[dreg:$0x0] =	wrdreg $0x0  }
0xa8: {  	s5 =	sshll.u32 s28, $0x1;
	[dreg:$0x2] =	wrdreg s3  }
0xa9: {  	[dreg:$0x3] =	wrdreg s5  }
0xaa: {  	[dreg:$0x4] =	wrdreg $0xC0  }
0xab: {  	_ =	task [dreg:s7], $0x5FFFF  }
0xac: {  	[dreg:$0x1] =	wrdreg $0xFFFFFFFF  }
0xad: {  	[dreg:$0x0] =	wrdreg $0x60  }
0xae: {  	[dreg:$0x2] =	wrdreg s24  }
0xaf: {  	[dreg:$0x3] =	wrdreg s2  }
0xb0: {  	[dreg:$0x4] =	wrdreg $0xC2000  }
0xb1: {  	[dreg:$0x5] =	wrdreg $0x9  }
0xb2: {  	_ =	task.clear_ibuf [dreg:s7], $0x6FFFF;
	_ =	strace $0x9000004C  }
0xb3: {  	s29 =	simm.s32 $0x9;
	_ =	strace $0x8000004E  }
0xb4: {  	_ =	swait.ge [sflag:s29], $0x1  }
0xb5: {  	[sflag:s29] =	ssyncadd.s32 $0xFFFFFFFF  }
0xb6: {  	_ =	strace $0x9000004E  }
0xb7: {  	_ =	sfence  }
0xb8: {  	s30 =	sld [smem:$0x0];
	_ =	sdelay $0x2  }
0xb9: {  	s31 =	sshll.u32 s1, $0xD;
	s1 =	sshrl.u32 s1, $0x2  }
0xba: {  	s3 =	sand.u32 $0x4000, s31;
	s1 =	sadd.s32 s1, s30  }
0xbb: {  	s0 =	sor.u32 s3, s0;
	s1 =	sshll.u32 s1, $0x11  }
0xbc: {  	s0 =	sor.u32 s1, s0  }
0xbd: {  	s0 =	sadd.s32 $0x8F2B, s0  }
0xbe: {  	[sflag:s0] =	ssyncadd.remote.s32 $0x1  }
0xbf: {  	_ =	sfence.sel $0xFFFF  }
0xc0: {  	[dreg:$0x0] =	wrdreg $0xFFFFFFFF;
	(pc) =	sbr.abs _section_cstart, $3  }
0xc1: {  	[dreg:$0x1] =	wrdreg $0xFFFFFFFF  }
0xc2: {  	_ =	task.clear_ibuf [dreg:s7], $0x2FFFF;
	_ =	strace $0x9FFFFFFF  }
0xc3: {  	(tm) =	ssettm $0x7FFFFFFF  }
tec
execute0_lowered:
.L_overlay_start_1:
0x0: {  	(tag) =	ssettag $0x1  }
0x1: {  	s0 =	rddreg [dreg:$0x0]  }
0x2: {  	s2 =	rddreg [dreg:$0x2];
	s3 =	simm.s32 $0x0  }
0x3: {  	s1 =	srdreg.scid;
	s25 =	stileid.u32;
	s28 =	simm.s32 $0xC080  }
0x4: {  	s29 =	simm.s32 $0x80;
	s30 =	simm.s32 $0x4000;
	s31 =	simm.s32 $0xC100  }
0x5: {  	[smem:$0x7FF] =	sst s3;
	s4 =	sadd.s32 $0x2B800, s0;
	s1 =	sand.u32 $0x1, s1  }
0x6: {  	s5 =	sadd.s32 $0x17800, s0;
	s11 =	sadd.s32 $0x2000, s0;
	s0 =	sadd.s32 $0x7A800, s0  }
0x7: {  	s13 =	sshll.u32 s25, $0xE;
	p0 =	seq.s32 s25, $0xF;
	_ =	strace $0x8000004D  }
0x8: {  	s6 =	ssub.s32 $0x2, s1;
	s22 =	sshll.u32 s1, $0x4;
	s14 =	sor.u32 $0x40000, s13  }
0x9: {  	s15 =	sor.u32 $0x80000, s13;
	s16 =	sor.u32 $0xC0000, s13;
	s17 =	smul.u32 $0x13C000, s1  }
0xa: {  	s18 =	sor.u32 $0x100000, s13;
	s1 =	smul.u32 $0x50000, s1;
	s7 =	sshrl.u32 s6, $0x1  }
0xb: {  	s8 =	sor.u32 s25, s22;
	s9 =	sadd.s32 s16, s2;
	s12 =	ssub.s32 s6, s7  }
0xc: {  	s6 =	sadd.s32 s13, s2;
	s7 =	sadd.s32 s14, s2;
	s10 =	smul.u32 $0x5000, s8  }
0xd: {  	s8 =	sadd.s32 s15, s2;
	s13 =	sadd.s32 s13, s17;
	s14 =	sadd.s32 s17, s14  }
0xe: {  	s26 =	sadd.s32 s17, s15;
	s16 =	sadd.s32 s17, s16;
	s13 =	sshrl.u32 s13, $0x3  }
0xf: {  	s24 =	sshrl.u32 s14, $0x3;
	s15 =	sshrl.u32 s26, $0x3;
	s21 =	sshrl.u32 s16, $0x3  }
0x10: {  	s19 =	sshrl.u32 s10, $0x3;
	s10 =	sadd.s32 s18, s2;
	s13 =	sadd.s32 s0, s13  }
0x11: {  	s18 =	sadd.s32 s17, s18;
	s20 =	sadd.s32 s5, s19;
	[dreg:$0x6] =	wrdreg s13  }
0x12: {  	s23 =	sadd.s32 s11, s19;
	s13 =	sadd.s32 s0, s24;
	[dreg:$0x4] =	wrdreg s20  }
0x13: {  	s22 =	sshrl.u32 s18, $0x3;
	s18 =	smax.u32 s12, $0x1;
	[dreg:$0x5] =	wrdreg s23  }
0x14: {  	s24 =	sadd.s32 $0x9D0, s19;
	[dreg:$0x7] =	wrdreg s13;
	s13 =	sadd.s32 s0, s15  }
0x15: {  	s20 =	smul.u32 $0x5000, s25;
	[dreg:$0x8] =	wrdreg s13;
	s13 =	sadd.s32 s0, s21  }
0x16: {  	s19 =	sadd.s32 s5, s24;
	s0 =	sadd.s32 s0, s22;
	[dreg:$0x9] =	wrdreg s13  }
0x17: {  	s25 =	simm.s32 $0x3;
	[dreg:$0xa] =	wrdreg s0;
	s23 =	sadd.s32 s20, s1  }
0x18: {  	s20 =	sadd.s32 s11, s24;
	s26 =	sor.u32 $0x100, s23;
	s0 =	sor.u32 $0x80, s23  }
0x19: {  	s1 =	simm.s32 $0x1;
	s12 =	sshrl.u32 s26, $0x3;
	s0 =	sshrl.u32 s0, $0x3  }
0x1a: {  	s26 =	simm.s32 $0xC000;
	s21 =	sadd.s32 s12, s11;
	s22 =	sadd.s32 s12, s5  }
0x1b: {  	s23 =	sadd.s32 s0, s11;
	s24 =	sadd.s32 s0, s5;
	s0 =	simm.s32 $0xC180  }
0x1c: {  	s5 =	simm.s32 $0x8000;
	s11 =	simm.s32 $0x2;
	s12 =	simm.s32 $0x0  }
.LBB2_1:
0x1d: {  	s13 =	rddreg [dreg:$0x1]  }
0x1e: {  	[tilespmem:s3], [sflag:$0x3] =	stream.linear.gather [hbm4b:s13+s3], $0x4000, $0x38;
	[tilespmem:$0x1FE00] =	vst v63  }
0x1f: {  	_ =	swait.ge [sflag:s25], $0x4000  }
0x20: {  	[sflag:s25] =	ssyncset.done $0x0  }
0x21: {  	[sflag:s25] =	ssyncadd.s32 $0xFFFFC000  }
0x22: {  	[spmem:s6] =	stream.linear.scatter [tilespmem:s3], [sflag:$0x3], $0x4000, $0x38;
	[tilespmem:$0x1FE00] =	vst v63  }
0x23: {  	_ =	swait.ge [sflag:s25], $0x4000  }
0x24: {  	[sflag:s25] =	ssyncset.done $0x0  }
0x25: {  	[sflag:s25] =	ssyncadd.s32 $0xFFFFC000  }
0x26: {  	[spmem:s7] =	stream.linear.scatter [tilespmem:s3], [sflag:$0x3], $0x4000, $0x38;
	[tilespmem:$0x1FE00] =	vst v63  }
0x27: {  	_ =	swait.ge [sflag:s25], $0x4000  }
0x28: {  	[sflag:s25] =	ssyncset.done $0x0  }
0x29: {  	[sflag:s25] =	ssyncadd.s32 $0xFFFFC000  }
0x2a: {  	[spmem:s8] =	stream.linear.scatter [tilespmem:s3], [sflag:$0x3], $0x4000, $0x38;
	[tilespmem:$0x1FE00] =	vst v63  }
0x2b: {  	_ =	swait.ge [sflag:s25], $0x4000  }
0x2c: {  	[sflag:s25] =	ssyncset.done $0x0  }
0x2d: {  	[sflag:s25] =	ssyncadd.s32 $0xFFFFC000  }
0x2e: {  	[spmem:s9] =	stream.linear.scatter [tilespmem:s3], [sflag:$0x3], $0x4000, $0x38;
	[tilespmem:$0x1FE00] =	vst v63  }
0x2f: {  	_ =	swait.ge [sflag:s25], $0x4000  }
0x30: {  	[sflag:s25] =	ssyncset.done $0x0  }
0x31: {  	s13 =	simm.s32 @!p0 $0x0;
	[sflag:s25] =	ssyncadd.s32 $0xFFFFC000  }
0x32: {  	[spmem:s10] =	stream.linear.scatter @!p0 [tilespmem:s13], [sflag:$0x3], $0x4000, $0x38;
	[tilespmem:$0x1FE00] =	vst v63  }
0x33: {  	s13 =	simm.s32 @!p0 $0x3  }
0x34: {  	_ =	swait.ge @!p0 [sflag:s13], $0x4000  }
0x35: {  	[sflag:s13] =	ssyncset.done @!p0 $0x0  }
0x36: {  	[sflag:s13] =	ssyncadd.s32 @!p0 $0xFFFFC000  }
0x37: {  	[bflag:$0x0] =	sbarrier.arrive $0xFFFF  }
0x38: {  	s16 =	rddreg [dreg:$0x4]  }
0x39: {  	[tilespmem:s26], [sflag:$0x3] =	stream.linear.gather [hbm4b:s16+s3], $0x80, $0x38;
	[tilespmem:$0x1FE00] =	vst v63  }
0x3a: {  	_ =	swait.ge [sflag:s25], $0x80  }
0x3b: {  	[sflag:s25] =	ssyncset.done $0x0  }
0x3c: {  	s17 =	rddreg [dreg:$0x5];
	[sflag:s25] =	ssyncadd.s32 $0xFFFFFF80  }
0x3d: {  	[tilespmem:s28], [sflag:$0x3] =	stream.linear.gather [hbm4b:s17+s3], $0x80, $0x38;
	[tilespmem:$0x1FE00] =	vst v63  }
0x3e: {  	_ =	swait.ge [sflag:s25], $0x80  }
0x3f: {  	[sflag:s25] =	ssyncset.done $0x0  }
0x40: {  	[sflag:s25] =	ssyncadd.s32 $0xFFFFFF80  }
0x41: {  	[tilespmem:s30], [sflag:$0x1] =	stream.indirect.gather [hbm4b:s4+s29], $0x80, s26, s29, $0xb8;
	[tilespmem:$0x1FE00] =	vst v63  }
0x42: {  	s14 =	sadd.s32 $0x0, s24  }
0x43: {  	[tilespmem:s31], [sflag:$0x3] =	stream.linear.gather [hbm4b:s14+s3], $0x80, $0x38;
	[tilespmem:$0x1FE00] =	vst v63  }
0x44: {  	_ =	swait.ge [sflag:s25], $0x80  }
0x45: {  	[sflag:s25] =	ssyncset.done $0x0  }
0x46: {  	s15 =	sadd.s32 $0x0, s23;
	[sflag:s25] =	ssyncadd.s32 $0xFFFFFF80  }
0x47: {  	[tilespmem:s0], [sflag:$0x3] =	stream.linear.gather [hbm4b:s15+s3], $0x80, $0x38;
	[tilespmem:$0x1FE00] =	vst v63  }
0x48: {  	_ =	swait.ge [sflag:s25], $0x80  }
0x49: {  	[sflag:s25] =	ssyncset.done $0x0  }
0x4a: {  	[sflag:s25] =	ssyncadd.s32 $0xFFFFFF80  }
0x4b: {  	[tilespmem:s5], [sflag:$0x2] =	stream.indirect.gather [hbm4b:s4+s29], $0x80, s31, s29, $0xb8;
	[tilespmem:$0x1FE00] =	vst v63  }
0x4c: {  	_ =	swait.ge [sflag:s1], $0x4000  }
0x4d: {  	[sflag:s1] =	ssyncset.done $0x0  }
0x4e: {  	[sflag:s1] =	ssyncadd.s32 $0xFFFFC000  }
0x4f: {  	[spmem:s2] =	stream.indirect.scatter.add.f32 [tilespmem:s30], [sflag:$0x3], $0x80, s28, s29, $0xb8;
	[tilespmem:$0x1FE00] =	vst v63  }
0x50: {  	_ =	swait.ge [sflag:s25], $0x4000  }
0x51: {  	[sflag:s25] =	ssyncset.done $0x0  }
0x52: {  	s16 =	sadd.s32 $0x0, s22;
	[sflag:s25] =	ssyncadd.s32 $0xFFFFC000  }
0x53: {  	[tilespmem:s26], [sflag:$0x3] =	stream.linear.gather [hbm4b:s16+s3], $0x80, $0x38;
	[tilespmem:$0x1FE00] =	vst v63  }
0x54: {  	_ =	swait.ge [sflag:s25], $0x80  }
0x55: {  	[sflag:s25] =	ssyncset.done $0x0  }
0x56: {  	s17 =	sadd.s32 $0x0, s21;
	[sflag:s25] =	ssyncadd.s32 $0xFFFFFF80  }
0x57: {  	[tilespmem:s28], [sflag:$0x3] =	stream.linear.gather [hbm4b:s17+s3], $0x80, $0x38;
	[tilespmem:$0x1FE00] =	vst v63  }
0x58: {  	_ =	swait.ge [sflag:s25], $0x80  }
0x59: {  	[sflag:s25] =	ssyncset.done $0x0  }
0x5a: {  	[sflag:s25] =	ssyncadd.s32 $0xFFFFFF80  }
0x5b: {  	[tilespmem:s30], [sflag:$0x1] =	stream.indirect.gather [hbm4b:s4+s29], $0x80, s26, s29, $0xb8;
	[tilespmem:$0x1FE00] =	vst v63  }
0x5c: {  	_ =	swait.ge [sflag:s11], $0x4000  }
0x5d: {  	[sflag:s11] =	ssyncset.done $0x0  }
0x5e: {  	[sflag:s11] =	ssyncadd.s32 $0xFFFFC000  }
0x5f: {  	[spmem:s2] =	stream.indirect.scatter.add.f32 [tilespmem:s5], [sflag:$0x3], $0x80, s0, s29, $0xb8;
	[tilespmem:$0x1FE00] =	vst v63  }
0x60: {  	_ =	swait.ge [sflag:s25], $0x4000  }
0x61: {  	s13 =	simm.s32 $0x20;
	s14 =	simm.s32 $0x40;
	[sflag:s25] =	ssyncset.done $0x0  }
.LBB2_2:
0x62: {  	s16 =	sadd.s32 s13, s24  }
0x63: {  	[sflag:s25] =	ssyncadd.s32 $0xFFFFC000;
	s17 =	smov.u32 s14;
	s15 =	sadd.s32 $0x20, s14  }
0x64: {  	[tilespmem:s31], [sflag:$0x3] =	stream.linear.gather [hbm4b:s16+s3], $0x80, $0x38;
	[tilespmem:$0x1FE00] =	vst v63  }
0x65: {  	p1 =	sne.s32 s14, $0x9A0;
	_ =	swait.ge [sflag:s25], $0x80  }
0x66: {  	[sflag:s25] =	ssyncset.done $0x0  }
0x67: {  	s14 =	sadd.s32 s13, s23;
	[sflag:s25] =	ssyncadd.s32 $0xFFFFFF80  }
0x68: {  	[tilespmem:s0], [sflag:$0x3] =	stream.linear.gather [hbm4b:s14+s3], $0x80, $0x38;
	[tilespmem:$0x1FE00] =	vst v63  }
0x69: {  	_ =	swait.ge [sflag:s25], $0x80  }
0x6a: {  	[sflag:s25] =	ssyncset.done $0x0  }
0x6b: {  	[sflag:s25] =	ssyncadd.s32 $0xFFFFFF80  }
0x6c: {  	[tilespmem:s5], [sflag:$0x2] =	stream.indirect.gather [hbm4b:s4+s29], $0x80, s31, s29, $0xb8;
	[tilespmem:$0x1FE00] =	vst v63  }
0x6d: {  	_ =	swait.ge [sflag:s1], $0x4000  }
0x6e: {  	[sflag:s1] =	ssyncset.done $0x0  }
0x6f: {  	[sflag:s1] =	ssyncadd.s32 $0xFFFFC000  }
0x70: {  	[spmem:s2] =	stream.indirect.scatter.add.f32 [tilespmem:s30], [sflag:$0x3], $0x80, s28, s29, $0xb8;
	[tilespmem:$0x1FE00] =	vst v63  }
0x71: {  	_ =	swait.ge [sflag:s25], $0x4000  }
0x72: {  	[sflag:s25] =	ssyncset.done $0x0  }
0x73: {  	s14 =	sadd.s32 s13, s22;
	[sflag:s25] =	ssyncadd.s32 $0xFFFFC000  }
0x74: {  	[tilespmem:s26], [sflag:$0x3] =	stream.linear.gather [hbm4b:s14+s3], $0x80, $0x38;
	[tilespmem:$0x1FE00] =	vst v63  }
0x75: {  	_ =	swait.ge [sflag:s25], $0x80  }
0x76: {  	[sflag:s25] =	ssyncset.done $0x0  }
0x77: {  	s14 =	sadd.s32 s13, s21;
	s13 =	smov.u32 s17;
	[sflag:s25] =	ssyncadd.s32 $0xFFFFFF80  }
0x78: {  	[tilespmem:s28], [sflag:$0x3] =	stream.linear.gather [hbm4b:s14+s3], $0x80, $0x38;
	[tilespmem:$0x1FE00] =	vst v63  }
0x79: {  	_ =	swait.ge [sflag:s25], $0x80  }
0x7a: {  	[sflag:s25] =	ssyncset.done $0x0  }
0x7b: {  	[sflag:s25] =	ssyncadd.s32 $0xFFFFFF80  }
0x7c: {  	[tilespmem:s30], [sflag:$0x1] =	stream.indirect.gather [hbm4b:s4+s29], $0x80, s26, s29, $0xb8;
	[tilespmem:$0x1FE00] =	vst v63  }
0x7d: {  	_ =	swait.ge [sflag:s11], $0x4000  }
.Ltmp0:
0x7e: {  	[sflag:s11] =	ssyncset.done $0x0;
	(pc) =	sbr.rel @p1 .LBB2_2-.Ltmp0, $4  }
0x7f: {  	[sflag:s11] =	ssyncadd.s32 $0xFFFFC000  }
0x80: {  	[spmem:s2] =	stream.indirect.scatter.add.f32 [tilespmem:s5], [sflag:$0x3], $0x80, s0, s29, $0xb8;
	[tilespmem:$0x1FE00] =	vst v63  }
0x81: {  	_ =	swait.ge [sflag:s25], $0x4000  }
0x82: {  	s14 =	smov.u32 s15;
	[sflag:s25] =	ssyncset.done $0x0  }
0x83: {  	s14 =	sadd.s32 s13, s24;
	[sflag:s25] =	ssyncadd.s32 $0xFFFFC000  }
0x84: {  	[tilespmem:s31], [sflag:$0x3] =	stream.linear.gather [hbm4b:s14+s3], $0x80, $0x38;
	[tilespmem:$0x1FE00] =	vst v63  }
0x85: {  	_ =	swait.ge [sflag:s25], $0x80  }
0x86: {  	[sflag:s25] =	ssyncset.done $0x0  }
0x87: {  	s15 =	sadd.s32 s13, s23;
	[sflag:s25] =	ssyncadd.s32 $0xFFFFFF80  }
0x88: {  	[tilespmem:s0], [sflag:$0x3] =	stream.linear.gather [hbm4b:s15+s3], $0x80, $0x38;
	[tilespmem:$0x1FE00] =	vst v63  }
0x89: {  	_ =	swait.ge [sflag:s25], $0x80  }
0x8a: {  	[sflag:s25] =	ssyncset.done $0x0  }
0x8b: {  	[sflag:s25] =	ssyncadd.s32 $0xFFFFFF80  }
0x8c: {  	[tilespmem:s5], [sflag:$0x2] =	stream.indirect.gather [hbm4b:s4+s29], $0x80, s31, s29, $0xb8;
	[tilespmem:$0x1FE00] =	vst v63  }
0x8d: {  	_ =	swait.ge [sflag:s1], $0x4000  }
0x8e: {  	[sflag:s1] =	ssyncset.done $0x0  }
0x8f: {  	[sflag:s1] =	ssyncadd.s32 $0xFFFFC000  }
0x90: {  	[spmem:s2] =	stream.indirect.scatter.add.f32 [tilespmem:s30], [sflag:$0x3], $0x80, s28, s29, $0xb8;
	[tilespmem:$0x1FE00] =	vst v63  }
0x91: {  	_ =	swait.ge [sflag:s25], $0x4000  }
0x92: {  	[sflag:s25] =	ssyncset.done $0x0  }
0x93: {  	s16 =	sadd.s32 s13, s22;
	[sflag:s25] =	ssyncadd.s32 $0xFFFFC000  }
0x94: {  	[tilespmem:s26], [sflag:$0x3] =	stream.linear.gather [hbm4b:s16+s3], $0x80, $0x38;
	[tilespmem:$0x1FE00] =	vst v63  }
0x95: {  	_ =	swait.ge [sflag:s25], $0x80  }
0x96: {  	[sflag:s25] =	ssyncset.done $0x0  }
0x97: {  	s17 =	sadd.s32 s13, s21;
	[sflag:s25] =	ssyncadd.s32 $0xFFFFFF80  }
0x98: {  	[tilespmem:s28], [sflag:$0x3] =	stream.linear.gather [hbm4b:s17+s3], $0x80, $0x38;
	[tilespmem:$0x1FE00] =	vst v63  }
0x99: {  	_ =	swait.ge [sflag:s25], $0x80  }
0x9a: {  	[sflag:s25] =	ssyncset.done $0x0  }
0x9b: {  	[sflag:s25] =	ssyncadd.s32 $0xFFFFFF80  }
0x9c: {  	[tilespmem:s30], [sflag:$0x1] =	stream.indirect.gather [hbm4b:s4+s29], $0x80, s26, s29, $0xb8;
	[tilespmem:$0x1FE00] =	vst v63  }
0x9d: {  	_ =	swait.ge [sflag:s11], $0x4000  }
0x9e: {  	[sflag:s11] =	ssyncset.done $0x0  }
0x9f: {  	[sflag:s11] =	ssyncadd.s32 $0xFFFFC000  }
0xa0: {  	[spmem:s2] =	stream.indirect.scatter.add.f32 [tilespmem:s5], [sflag:$0x3], $0x80, s0, s29, $0xb8;
	[tilespmem:$0x1FE00] =	vst v63  }
0xa1: {  	_ =	swait.ge [sflag:s25], $0x4000  }
0xa2: {  	[sflag:s25] =	ssyncset.done $0x0  }
0xa3: {  	[sflag:s25] =	ssyncadd.s32 $0xFFFFC000  }
0xa4: {  	[tilespmem:s31], [sflag:$0x3] =	stream.linear.gather [hbm4b:s19+s3], $0x80, $0x38;
	[tilespmem:$0x1FE00] =	vst v63  }
0xa5: {  	_ =	swait.ge [sflag:s25], $0x80  }
0xa6: {  	[sflag:s25] =	ssyncset.done $0x0  }
0xa7: {  	[sflag:s25] =	ssyncadd.s32 $0xFFFFFF80  }
0xa8: {  	[tilespmem:s0], [sflag:$0x3] =	stream.linear.gather [hbm4b:s20+s3], $0x80, $0x38;
	[tilespmem:$0x1FE00] =	vst v63  }
0xa9: {  	_ =	swait.ge [sflag:s25], $0x80  }
0xaa: {  	[sflag:s25] =	ssyncset.done $0x0  }
0xab: {  	[sflag:s25] =	ssyncadd.s32 $0xFFFFFF80  }
0xac: {  	[tilespmem:s5], [sflag:$0x2] =	stream.indirect.gather [hbm4b:s4+s29], $0x80, s31, s29, $0xb8;
	[tilespmem:$0x1FE00] =	vst v63  }
0xad: {  	_ =	swait.ge [sflag:s1], $0x4000  }
0xae: {  	[sflag:s1] =	ssyncset.done $0x0  }
0xaf: {  	[sflag:s1] =	ssyncadd.s32 $0xFFFFC000  }
0xb0: {  	[spmem:s2] =	stream.indirect.scatter.add.f32 [tilespmem:s30], [sflag:$0x3], $0x80, s28, s29, $0xb8;
	[tilespmem:$0x1FE00] =	vst v63  }
0xb1: {  	_ =	swait.ge [sflag:s25], $0x4000  }
0xb2: {  	[sflag:s25] =	ssyncset.done $0x0  }
0xb3: {  	[sflag:s25] =	ssyncadd.s32 $0xFFFFC000  }
0xb4: {  	_ =	swait.ge [sflag:s11], $0x4000  }
0xb5: {  	[sflag:s11] =	ssyncset.done $0x0  }
0xb6: {  	[sflag:s11] =	ssyncadd.s32 $0xFFFFC000  }
0xb7: {  	[spmem:s2] =	stream.indirect.scatter.add.f32 [tilespmem:s5], [sflag:$0x3], $0x80, s0, s29, $0xb8;
	[tilespmem:$0x1FE00] =	vst v63  }
0xb8: {  	_ =	swait.ge [sflag:s25], $0x4000  }
0xb9: {  	[sflag:s25] =	ssyncset.done $0x0  }
0xba: {  	[sflag:s25] =	ssyncadd.s32 $0xFFFFC000  }
0xbb: {  	[bflag:$0x0] =	sbarrier.arrive $0xFFFF  }
0xbc: {  	[tilespmem:s3], [sflag:$0x3] =	stream.linear.gather [spmem:s6], $0x4000, $0x38;
	[tilespmem:$0x1FE00] =	vst v63  }
0xbd: {  	_ =	swait.ge [sflag:s25], $0x4000  }
0xbe: {  	[sflag:s25] =	ssyncset.done $0x0  }
0xbf: {  	s14 =	rddreg [dreg:$0x6];
	[sflag:s25] =	ssyncadd.s32 $0xFFFFC000  }
0xc0: {  	[hbm4b:s14+s3] =	stream.linear.scatter [tilespmem:s3], [sflag:$0x3], $0x4000, $0x38;
	[tilespmem:$0x1FE00] =	vst v63  }
0xc1: {  	_ =	swait.ge [sflag:s25], $0x4000  }
0xc2: {  	[sflag:s25] =	ssyncset.done $0x0  }
0xc3: {  	[sflag:s25] =	ssyncadd.s32 $0xFFFFC000  }
0xc4: {  	[tilespmem:s3], [sflag:$0x3] =	stream.linear.gather [spmem:s7], $0x4000, $0x38;
	[tilespmem:$0x1FE00] =	vst v63  }
0xc5: {  	_ =	swait.ge [sflag:s25], $0x4000  }
0xc6: {  	[sflag:s25] =	ssyncset.done $0x0  }
0xc7: {  	s15 =	rddreg [dreg:$0x7];
	[sflag:s25] =	ssyncadd.s32 $0xFFFFC000  }
0xc8: {  	[hbm4b:s15+s3] =	stream.linear.scatter [tilespmem:s3], [sflag:$0x3], $0x4000, $0x38;
	[tilespmem:$0x1FE00] =	vst v63  }
0xc9: {  	_ =	swait.ge [sflag:s25], $0x4000  }
0xca: {  	[sflag:s25] =	ssyncset.done $0x0  }
0xcb: {  	[sflag:s25] =	ssyncadd.s32 $0xFFFFC000  }
0xcc: {  	[tilespmem:s3], [sflag:$0x3] =	stream.linear.gather [spmem:s8], $0x4000, $0x38;
	[tilespmem:$0x1FE00] =	vst v63  }
0xcd: {  	_ =	swait.ge [sflag:s25], $0x4000  }
0xce: {  	[sflag:s25] =	ssyncset.done $0x0  }
0xcf: {  	s16 =	rddreg [dreg:$0x8];
	[sflag:s25] =	ssyncadd.s32 $0xFFFFC000  }
0xd0: {  	[hbm4b:s16+s3] =	stream.linear.scatter [tilespmem:s3], [sflag:$0x3], $0x4000, $0x38;
	[tilespmem:$0x1FE00] =	vst v63  }
0xd1: {  	_ =	swait.ge [sflag:s25], $0x4000  }
0xd2: {  	[sflag:s25] =	ssyncset.done $0x0  }
0xd3: {  	[sflag:s25] =	ssyncadd.s32 $0xFFFFC000  }
0xd4: {  	[tilespmem:s3], [sflag:$0x3] =	stream.linear.gather [spmem:s9], $0x4000, $0x38;
	[tilespmem:$0x1FE00] =	vst v63  }
0xd5: {  	_ =	swait.ge [sflag:s25], $0x4000  }
0xd6: {  	[sflag:s25] =	ssyncset.done $0x0  }
0xd7: {  	s17 =	rddreg [dreg:$0x9];
	[sflag:s25] =	ssyncadd.s32 $0xFFFFC000  }
0xd8: {  	[hbm4b:s17+s3] =	stream.linear.scatter [tilespmem:s3], [sflag:$0x3], $0x4000, $0x38;
	[tilespmem:$0x1FE00] =	vst v63  }
0xd9: {  	_ =	swait.ge [sflag:s25], $0x4000  }
0xda: {  	[sflag:s25] =	ssyncset.done $0x0  }
0xdb: {  	s13 =	simm.s32 @!p0 $0x0;
	s14 =	simm.s32 @!p0 $0x3;
	[sflag:s25] =	ssyncadd.s32 $0xFFFFC000  }
0xdc: {  	[tilespmem:s13], [sflag:$0x3] =	stream.linear.gather @!p0 [spmem:s10], $0x4000, $0x38;
	[tilespmem:$0x1FE00] =	vst v63  }
0xdd: {  	s12 =	sadd.s32 $0x1, s12;
	_ =	swait.ge @!p0 [sflag:s14], $0x4000  }
0xde: {  	p1 =	sne.s32 s12, s18;
	[sflag:s14] =	ssyncset.done @!p0 $0x0  }
.Ltmp1:
0xdf: {  	s15 =	rddreg [dreg:$0xa];
	[sflag:s14] =	ssyncadd.s32 @!p0 $0xFFFFC000;
	(pc) =	sbr.rel @p1 .LBB2_1-.Ltmp1, $4  }
0xe0: {  	[hbm4b:s15+s13] =	stream.linear.scatter @!p0 [tilespmem:s13], [sflag:$0x3], $0x4000, $0x38;
	[tilespmem:$0x1FE00] =	vst v63  }
0xe1: {  	_ =	swait.ge @!p0 [sflag:s14], $0x4000  }
0xe2: {  	[sflag:s14] =	ssyncset.done @!p0 $0x0  }
0xe3: {  	[sflag:s14] =	ssyncadd.s32 @!p0 $0xFFFFC000  }
0xe4: {  	_ =	sfence.sel $0x180000  }
0xe5: {  	[bflag:$0x0] =	sbarrier.arrive $0xFFFF  }
0xe6: {  	_ =	strace $0x9000004D  }
0xe7: {  	s0 =	stileid.u32;
	[bflag:$0x2] =	sbarrier.arrive $0xFFFF  }
0xe8: {  	p0 =	sne.s32 s0, $0x0;
	s0 =	rddreg [dreg:$0x3]  }
0xe9: {  	s0 =	sadd.s32 @!p0 $0x100000, s0  }
0xea: {  	[sflag:s0] =	ssyncadd.tile.s32 @!p0 $0x1;
	_ =	shalt  }
.Lfunc_end2:
_tile_overlayer_lowered:
.L_overlay_start_2:
0xeb: {  	(tag) =	ssettag $0x2  }
0xec: {  	s0 =	rddreg [dreg:$0x0];
	s2 =	stileid.u32  }
0xed: {  	s1 =	rddreg [dreg:$0x1];
	p0 =	sne.s32 s2, $0x0  }
0xee: {  	s3 =	rddreg [dreg:$0x2];
	[bflag:$0x3] =	sbarrier.arrive $0xFFFF;
	s2 =	simm.s32 @!p0 $0x1C03  }
0xef: {  	[timem:s3], [sflag:s2] =	dma.local @!p0 [hbm:s0], s1  }
0xf0: {  	s0 =	simm.s32 @!p0 $0x3  }
0xf1: {  	_ =	swait.ge @!p0 [sflag:s0], s1  }
0xf2: {  	s1 =	ssub.s32 @!p0 $0x0, s1;
	[sflag:s0] =	ssyncset.done @!p0 $0x0  }
0xf3: {  	[sflag:s0] =	ssyncadd.s32 @!p0 s1  }
0xf4: {  	[bflag:$0x3] =	sbarrier.arrive $0xFFFF  }
0xf5: {  	_ =	shalt  }

// kernel: kernel.8.cloned.1.call-start
scs
__scs_entry_jumppad:
0x0: {  	(pc) =	sbr.rel $0x88, $3  }
0x1: {  	(tag) =	ssettag $0x0;
	lr =	simm.s32 $0x1  }
0x2: {  	[smem:$0x3F96] =	sst lr;
	_ =	strace $0xD0000000  }
0x3: {  	_ = 	snop  }
0x4: {  	_ = 	snop  }
0x5: {  	_ = 	snop  }
0x6: {  	_ = 	snop  }
0x7: {  	_ = 	snop  }
__scs_overlays_trampoline_lowered:
0x8: {  	[smem:$0x3FA5] =	sst s0  }
0x9: {  	[smem:$0x3FA6] =	sst s1  }
0xa: {  	[smem:$0x3FA7] =	sst s2  }
0xb: {  	[smem:$0x3FA8] =	sst s3  }
0xc: {  	[smem:$0x3FA9] =	sst s4  }
0xd: {  	[smem:$0x3FAA] =	sst s5  }
0xe: {  	[smem:$0x3FAB] =	sst s6  }
0xf: {  	[smem:$0x3FAC] =	sst s7  }
0x10: {  	[smem:$0x3FAD] =	sst s8  }
0x11: {  	[smem:$0x3FAE] =	sst s9;
	s0 =	simm.s32 @!p0 $0x0  }
0x12: {  	s1 =	sld [smem:$0x3F94];
	s0 =	simm.s32 @p0 $0x1  }
0x13: {  	[smem:$0x3FAF] =	sst s0;
	s0 =	simm.s32 @!p1 $0x0  }
0x14: {  	s2 =	sld [smem:$0x3F93];
	s0 =	simm.s32 @p1 $0x1  }
0x15: {  	[smem:$0x3FB0] =	sst s0;
	s0 =	simm.s32 @!p2 $0x0  }
0x16: {  	s3 =	sld [smem:$0x3FDB];
	s0 =	simm.s32 @p2 $0x1  }
0x17: {  	s4 =	simm.s32 $0x1BF5;
	[smem:$0x3FB2] =	sst s0  }
0x18: {  	s0 =	sld [smem:$0x3F95];
	_ =	swait.ge [sflag:s4], $0x0  }
0x19: {  	s7 =	sld [smem:$0x3F96]  }
0x1a: {  	s8 =	sadd.s32 $0xFFFFE003, lr  }
0x1b: {  	s9 =	sadd.s32 $0xFFFFFEF7, lr;
	s5 =	simm.s32 $0xFFFFFFFF;
	p2 =	slt.u32 s8, $0xFFFFF086  }
0x1c: {  	p1 =	slt.u32 s9, $0xF7A;
	s5 =	simm.s32 @!p2 $0x0  }
0x1d: {  	s5 =	simm.s32 @p1 $0x1;
	p0 =	seq.s32 s7, s2  }
0x1e: {  	s7 =	smul.u32 @!p0 $0xF7A, s2;
	p2 =	seq.s32 @!p0 s5, $0x0  }
0x1f: {  	s9 =	smul.u32 $0xF7A, s1;
	s8 =	simm.s32 @!p0 $0x1BF5;
	p2 =	por !p2, p0  }
0x20: {  	[sflag:s8] =	ssyncset.s32 @!p0 $0xFFFFF086;
	s6 =	sadd.s32 @!p0 s3, s7;
	s7 =	simm.s32 @!p0 $0x108  }
0x21: {  	s3 =	sadd.s32 s3, s9;
	s6 =	sadd.s32 @!p0 $0x88, s6;
	s7 =	simm.s32 @p2 $0x1082  }
0x22: {  	[simem:s7], [sflag:s8] =	dma.local @!p0 [hbm:s6], $0xF7A  }
0x23: {  	s9 =	sor.u32 $0xD0000000, s2;
	s6 =	simm.s32 $0x108;
	_ =	swait.ge @!p0 [sflag:s8], $0x0  }
0x24: {  	s3 =	sadd.s32 $0x88, s3;
	s6 =	simm.s32 @!p1 $0x1082;
	[sflag:s4] =	ssyncset.s32 $0xFFFFF086  }
0x25: {  	[simem:s6], [sflag:s4] =	dma.local [hbm:s3], $0xF7A  }
0x26: {  	[smem:$0x3F96] =	sst s1;
	(tag) =	ssettag s2;
	_ =	strace s9  }
0x27: {  	s1 =	sld [smem:$0x3FA6]  }
0x28: {  	s2 =	sld [smem:$0x3FA7]  }
0x29: {  	s4 =	sld [smem:$0x3FA9]  }
0x2a: {  	p0 =	seq.s32 s5, $0x0;
	s5 =	sld [smem:$0x3FAA]  }
0x2b: {  	s6 =	sld [smem:$0x3FAB]  }
0x2c: {  	s7 =	sld [smem:$0x3FAC]  }
0x2d: {  	s3 =	simm.s32 $0x108;
	s8 =	sld [smem:$0x3FAD]  }
0x2e: {  	s3 =	simm.s32 @!p0 $0x1082;
	s9 =	sld [smem:$0x3FAE]  }
0x2f: {  	lr =	sadd.s32 s0, s3;
	s0 =	sld [smem:$0x3FA5]  }
0x30: {  	s3 =	sld [smem:$0x3FA8]  }
0x31: {  	[smem:$0x3FB1] =	sst s10  }
0x32: {  	s10 =	sld [smem:$0x3FAF];
	_ =	sdelay $0x3  }
0x33: {  	p0 =	seq.s32 s10, $0x1;
	s10 =	sld [smem:$0x3FB1];
	_ =	sdelay $0x3  }
0x34: {  	[smem:$0x3FB1] =	sst s10  }
0x35: {  	s10 =	sld [smem:$0x3FB0];
	_ =	sdelay $0x3  }
0x36: {  	p1 =	seq.s32 s10, $0x1;
	s10 =	sld [smem:$0x3FB1];
	_ =	sdelay $0x3  }
0x37: {  	[smem:$0x3FB1] =	sst s10  }
0x38: {  	s10 =	sld [smem:$0x3FB2]  }
0x39: {  	_ = 	snop;
	(pc) =	sbr.ind lr, $3  }
0x3a: {  	_ = 	snop  }
0x3b: {  	_ = 	snop  }
0x3c: {  	p2 =	seq.s32 s10, $0x1;
	s10 =	sld [smem:$0x3FB1]  }
0x3d: {  	_ =	shalt  }
0x3e: {  	_ =	shalt  }
0x3f: {  	_ =	shalt  }
0x40: {  	_ =	shalt  }
0x41: {  	_ =	shalt  }
0x42: {  	_ =	shalt  }
0x43: {  	_ =	shalt  }
0x44: {  	_ =	shalt  }
0x45: {  	_ =	shalt  }
0x46: {  	_ =	shalt  }
0x47: {  	_ =	shalt  }
0x48: {  	_ =	shalt  }
0x49: {  	_ =	shalt  }
0x4a: {  	_ =	shalt  }
0x4b: {  	_ =	shalt  }
0x4c: {  	_ =	shalt  }
0x4d: {  	_ =	shalt  }
0x4e: {  	_ =	shalt  }
0x4f: {  	_ =	shalt  }
0x50: {  	_ =	shalt  }
0x51: {  	_ =	shalt  }
0x52: {  	_ =	shalt  }
0x53: {  	_ =	shalt  }
0x54: {  	_ =	shalt  }
0x55: {  	_ =	shalt  }
0x56: {  	_ =	shalt  }
0x57: {  	_ =	shalt  }
0x58: {  	_ =	shalt  }
0x59: {  	_ =	shalt  }
0x5a: {  	_ =	shalt  }
0x5b: {  	_ =	shalt  }
0x5c: {  	_ =	shalt  }
0x5d: {  	_ =	shalt  }
0x5e: {  	_ =	shalt  }
0x5f: {  	_ =	shalt  }
0x60: {  	_ =	shalt  }
0x61: {  	_ =	shalt  }
0x62: {  	_ =	shalt  }
0x63: {  	_ =	shalt  }
0x64: {  	_ =	shalt  }
0x65: {  	_ =	shalt  }
0x66: {  	_ =	shalt  }
0x67: {  	_ =	shalt  }
0x68: {  	_ =	shalt  }
0x69: {  	_ =	shalt  }
0x6a: {  	_ =	shalt  }
0x6b: {  	_ =	shalt  }
0x6c: {  	_ =	shalt  }
0x6d: {  	_ =	shalt  }
0x6e: {  	_ =	shalt  }
0x6f: {  	_ =	shalt  }
0x70: {  	_ =	shalt  }
0x71: {  	_ =	shalt  }
0x72: {  	_ =	shalt  }
0x73: {  	_ =	shalt  }
0x74: {  	_ =	shalt  }
0x75: {  	_ =	shalt  }
0x76: {  	_ =	shalt  }
0x77: {  	_ =	shalt  }
0x78: {  	_ =	shalt  }
0x79: {  	_ =	shalt  }
0x7a: {  	_ =	shalt  }
0x7b: {  	_ =	shalt  }
0x7c: {  	_ =	shalt  }
0x7d: {  	_ =	shalt  }
0x7e: {  	_ =	shalt  }
0x7f: {  	_ =	shalt  }
0x80: {  	_ =	shalt  }
0x81: {  	_ =	shalt  }
0x82: {  	_ =	shalt  }
0x83: {  	_ =	shalt  }
0x84: {  	_ =	shalt  }
0x85: {  	_ =	shalt  }
0x86: {  	_ =	shalt  }
0x87: {  	_ =	shalt  }
.Lfunc_end0:
.L_simem_size_0:
called_computation_lowered:
.L_overlay_start_0:
0x88: {  	s2 =	sld [smem:$0x3FD9]  }
0x89: {  	s3 =	sld [smem:$0x3FFE];
	_ =	sdelay $0x1  }
0x8a: {  	s1 =	srdreg.scid  }
0x8b: {  	s0 =	sand.u32 $0x1, s1  }
0x8c: {  	s17 =	sshll.u32 s0, $0xA;
	s2 =	sadd.s32 s3, s2  }
0x8d: {  	s2 =	sadd.s32 s2, s17  }
0x8e: {  	[smem:$0x3FBD] =	sst s2  }
0x8f: {  	_ = 	snop  }
0x90: {  	s2 =	sld [smem:$0x3FD0];
	(tm) =	ssettm $0x1  }
0x91: {  	s18 =	sld [smem:$0x3FFB];
	_ =	sdelay $0x3  }
0x92: {  	_ =	strace s18  }
0x93: {  	s3 =	sld [smem:$0x3FFC];
	_ =	sdelay $0x3  }
0x94: {  	_ =	strace s3  }
0x95: {  	s3 =	sld [smem:$0x3FFD];
	_ =	sdelay $0x3  }
0x96: {  	_ =	strace s3  }
0x97: {  	_ =	strace $0x8FFFFFFF  }
0x98: {  	s19 =	sld [smem:$0x3FDB];
	_ =	sdelay $0x1  }
0x99: {  	s4 =	simm.s32 $_scs_section_size  }
0x9a: {  	s5 =	simm.s32 $_size__tile_overlayer_lowered;
	s6 =	simm.s32 $_tile_overlayer_lowered  }
0x9b: {  	s22 =	simm.s32 $0x1BFF;
	s21 =	sshll.u32 s6, $0x1;
	s3 =	sadd.s32 s4, s19  }
0x9c: {  	s7 =	simm.s32 $0x0;
	s20 =	sshll.u32 s5, $0x1;
	s5 =	sadd.s32 s21, s3  }
0x9d: {  	[timem:s7], [sflag:s22] =	dma.local [hbm:s5], s20  }
0x9e: {  	_ =	swait.ge [sflag:s22], s20  }
0x9f: {  	s4 =	ssub.s32 $0x0, s20;
	[sflag:s22] =	ssyncset.done $0x0  }
0xa0: {  	[sflag:s22] =	ssyncadd.s32 s4;
	_ =	sdelay $0x1  }
0xa1: {  	s23 =	simm.s32 $0x1B8B  }
0xa2: {  	_ =	swait.ge [sflag:s23], $0x1  }
0xa3: {  	[sflag:s23] =	ssyncset.done $0x0  }
0xa4: {  	s25 =	simm.s32 $0x1B8E;
	s24 =	sld [smem:$0x3FFE];
	[sflag:s23] =	ssyncadd.s32 $0xFFFFFFFF  }
0xa5: {  	s26 =	simm.s32 $execute0_lowered;
	[smem:$0x3FD2] =	sst s25  }
0xa6: {  	s5 =	sshll.u32 s26, $0x1;
	_ =	strace $0x80000046;
	[dreg:$0x1] =	wrdreg $0xFFFFFFFF  }
0xa7: {  	s28 =	simm.s32 $_size_execute0_lowered;
	s3 =	sadd.s32 s3, s5;
	[dreg:$0x0] =	wrdreg $0x0  }
0xa8: {  	s5 =	sshll.u32 s28, $0x1;
	[dreg:$0x2] =	wrdreg s3  }
0xa9: {  	[dreg:$0x3] =	wrdreg s5  }
0xaa: {  	[dreg:$0x4] =	wrdreg $0xC0  }
0xab: {  	_ =	task [dreg:s7], $0x5FFFF  }
0xac: {  	[dreg:$0x1] =	wrdreg $0xFFFFFFFF  }
0xad: {  	[dreg:$0x0] =	wrdreg $0x60  }
0xae: {  	[dreg:$0x2] =	wrdreg s2  }
0xaf: {  	[dreg:$0x3] =	wrdreg s24  }
0xb0: {  	[dreg:$0x4] =	wrdreg $0xA1000  }
0xb1: {  	[dreg:$0x5] =	wrdreg $0xA3780  }
0xb2: {  	[dreg:$0x6] =	wrdreg $0x9  }
0xb3: {  	_ =	task.clear_ibuf [dreg:s7], $0x7FFFF;
	_ =	strace $0x90000046  }
0xb4: {  	s29 =	simm.s32 $0x9;
	_ =	strace $0x80000048  }
0xb5: {  	_ =	swait.ge [sflag:s29], $0x1  }
0xb6: {  	[sflag:s29] =	ssyncadd.s32 $0xFFFFFFFF  }
0xb7: {  	_ =	strace $0x90000048  }
0xb8: {  	_ =	sfence  }
0xb9: {  	s30 =	sld [smem:$0x0];
	_ =	sdelay $0x2  }
0xba: {  	s31 =	sshll.u32 s1, $0xD;
	s1 =	sshrl.u32 s1, $0x2  }
0xbb: {  	s3 =	sand.u32 $0x4000, s31;
	s1 =	sadd.s32 s1, s30  }
0xbc: {  	s0 =	sor.u32 s3, s0;
	s1 =	sshll.u32 s1, $0x11  }
0xbd: {  	s0 =	sor.u32 s1, s0  }
0xbe: {  	s0 =	sadd.s32 $0x8F2B, s0  }
0xbf: {  	[sflag:s0] =	ssyncadd.remote.s32 $0x1  }
0xc0: {  	_ =	sfence.sel $0xFFFF  }
0xc1: {  	[dreg:$0x0] =	wrdreg $0xFFFFFFFF;
	(pc) =	sbr.abs _section_cstart, $3  }
0xc2: {  	[dreg:$0x1] =	wrdreg $0xFFFFFFFF  }
0xc3: {  	_ =	task.clear_ibuf [dreg:s7], $0x2FFFF;
	_ =	strace $0x9FFFFFFF  }
0xc4: {  	(tm) =	ssettm $0x7FFFFFFF  }
0xc5: {  	_ =	shalt  }
tec
execute0_lowered:
.L_overlay_start_1:
0x0: {  	(tag) =	ssettag $0x1  }
0x1: {  	s0 =	rddreg [dreg:$0x0]  }
0x2: {  	s1 =	srdreg.scid;
	s5 =	rddreg [dreg:$0x1]  }
0x3: {  	s2 =	rddreg [dreg:$0x2];
	s31 =	stileid.u32  }
0x4: {  	s3 =	rddreg [dreg:$0x3];
	s1 =	sand.u32 $0x1, s1;
	s9 =	sadd.s32 $0x16200, s5  }
0x5: {  	s12 =	sadd.s32 $0x16000, s5;
	p0 =	seq.s32 s31, $0xF;
	s4 =	sshll.u32 s1, $0x4  }
0x6: {  	s8 =	ssub.s32 $0x2, s1;
	s6 =	sor.u32 s31, s4;
	s4 =	simm.s32 $0x0  }
0x7: {  	s1 =	smul.u32 $0x4F00, s1;
	s13 =	sshrl.u32 s8, $0x1;
	[smem:$0x7FF] =	sst s4  }
0x8: {  	s6 =	smul.u32 $0xA00, s6;
	_ =	strace $0x80000047;
	[dreg:$0x5] =	wrdreg s9  }
0x9: {  	s8 =	ssub.s32 s8, s13;
	s11 =	sadd.s32 $0x2780, s1;
	[dreg:$0x6] =	wrdreg s12  }
0xa: {  	s30 =	smax.u32 s8, $0x1;
	s8 =	simm.s32 $0x2;
	s0 =	sadd.s32 s0, s6  }
0xb: {  	s7 =	sadd.s32 s6, s5;
	s5 =	sadd.s32 $0x16400, s5;
	[dreg:$0x7] =	wrdreg s0  }
0xc: {  	s14 =	sadd.s32 $0x2000, s7;
	s0 =	sshll.u32 s31, $0x7;
	s31 =	simm.s32 $0x3  }
0xd: {  	[dreg:$0x8] =	wrdreg s14;
	s6 =	sor.u32 $0x800, s0;
	s7 =	sor.u32 $0x1000, s0  }
0xe: {  	s15 =	sadd.s32 s0, s1;
	s10 =	sor.u32 $0x1800, s0;
	s12 =	sor.u32 $0x2000, s0  }
0xf: {  	s16 =	sadd.s32 s0, s11;
	s9 =	sshrl.u32 s15, $0x3;
	s13 =	sadd.s32 s1, s6  }
0x10: {  	s14 =	sadd.s32 s6, s11;
	s20 =	sadd.s32 s1, s7;
	s21 =	sadd.s32 s7, s11  }
0x11: {  	s22 =	sadd.s32 s1, s10;
	s25 =	sadd.s32 s10, s11;
	s1 =	sadd.s32 s1, s12  }
0x12: {  	s11 =	sadd.s32 s12, s11;
	s28 =	sadd.s32 s12, s2;
	s29 =	sadd.s32 s12, s3  }
0x13: {  	s9 =	sadd.s32 s5, s9;
	s17 =	sshrl.u32 s13, $0x3;
	s18 =	sshrl.u32 s14, $0x3  }
0x14: {  	s23 =	sshrl.u32 s21, $0x3;
	s24 =	sshrl.u32 s22, $0x3;
	s1 =	sshrl.u32 s1, $0x3  }
0x15: {  	s26 =	sshrl.u32 s11, $0x3;
	s21 =	sadd.s32 s6, s2;
	s22 =	sadd.s32 s6, s3  }
0x16: {  	s6 =	simm.s32 $0x80;
	[dreg:$0x9] =	wrdreg s9;
	s9 =	sshrl.u32 s16, $0x3  }
0x17: {  	s19 =	sadd.s32 s5, s18;
	s15 =	sadd.s32 s5, s24;
	s18 =	sadd.s32 s5, s26  }
0x18: {  	s24 =	sadd.s32 s7, s3;
	s9 =	sadd.s32 s5, s9;
	[dreg:$0xc] =	wrdreg s19  }
0x19: {  	s26 =	sadd.s32 s10, s3;
	[dreg:$0xa] =	wrdreg s9;
	s9 =	sadd.s32 s5, s17  }
0x1a: {  	s19 =	sadd.s32 s0, s2;
	[dreg:$0xb] =	wrdreg s9;
	s9 =	sshrl.u32 s20, $0x3  }
0x1b: {  	s17 =	sadd.s32 s5, s1;
	s1 =	simm.s32 $0x5000;
	s9 =	sadd.s32 s5, s9  }
0x1c: {  	s20 =	sadd.s32 s0, s3;
	s0 =	simm.s32 $0xA000;
	[dreg:$0xd] =	wrdreg s9  }
0x1d: {  	s9 =	sadd.s32 s5, s23;
	s23 =	sadd.s32 s7, s2;
	s7 =	simm.s32 $0x1  }
0x1e: {  	[dreg:$0xe] =	wrdreg s9;
	s9 =	sshrl.u32 s25, $0x3;
	s25 =	sadd.s32 s10, s2  }
0x1f: {  	s16 =	sadd.s32 s5, s9;
	s5 =	simm.s32 $0xA080;
	s9 =	simm.s32 $0x0  }
.LBB2_1:
0x20: {  	s10 =	rddreg [dreg:$0x7]  }
0x21: {  	[tilespmem:s4], [sflag:$0x3] =	stream.linear.gather [hbm4b:s10+s4], $0x5000, $0x38;
	[tilespmem:$0xA5F0] =	vst v63  }
0x22: {  	_ =	swait.ge [sflag:s31], $0x5000  }
0x23: {  	[sflag:s31] =	ssyncset.done $0x0  }
0x24: {  	s11 =	rddreg [dreg:$0x8];
	[sflag:s31] =	ssyncadd.s32 $0xFFFFB000  }
0x25: {  	[tilespmem:s1], [sflag:$0x3] =	stream.linear.gather [hbm4b:s11+s4], $0x5000, $0x38;
	[tilespmem:$0xA5F0] =	vst v63  }
0x26: {  	_ =	swait.ge [sflag:s31], $0x5000  }
0x27: {  	[sflag:s31] =	ssyncset.done $0x0  }
0x28: {  	s12 =	rddreg [dreg:$0x5];
	[sflag:s31] =	ssyncadd.s32 $0xFFFFB000  }
0x29: {  	[tilespmem:s0], [sflag:$0x3] =	stream.linear.gather [hbm4b:s12+s4], $0x80, $0x38;
	[tilespmem:$0xA5F0] =	vst v63  }
0x2a: {  	_ =	swait.ge [sflag:s31], $0x80  }
0x2b: {  	[sflag:s31] =	ssyncset.done $0x0  }
0x2c: {  	s13 =	rddreg [dreg:$0x6];
	[sflag:s31] =	ssyncadd.s32 $0xFFFFFF80  }
0x2d: {  	[tilespmem:s5], [sflag:$0x3] =	stream.linear.gather [hbm4b:s13+s4], $0x80, $0x38;
	[tilespmem:$0xA5F0] =	vst v63  }
0x2e: {  	_ =	swait.ge [sflag:s31], $0x80  }
0x2f: {  	[sflag:s31] =	ssyncset.done $0x0  }
0x30: {  	[sflag:s31] =	ssyncadd.s32 $0xFFFFFF80  }
0x31: {  	[spmem:s19] =	stream.linear.scatter [tilespmem:s0], [sflag:$0x3], $0x80, $0x38;
	[tilespmem:$0xA5F0] =	vst v63  }
0x32: {  	_ =	swait.ge [sflag:s31], $0x80  }
0x33: {  	[sflag:s31] =	ssyncset.done $0x0  }
0x34: {  	[sflag:s31] =	ssyncadd.s32 $0xFFFFFF80  }
0x35: {  	[spmem:s20] =	stream.linear.scatter [tilespmem:s0], [sflag:$0x3], $0x80, $0x38;
	[tilespmem:$0xA5F0] =	vst v63  }
0x36: {  	_ =	swait.ge [sflag:s31], $0x80  }
0x37: {  	[sflag:s31] =	ssyncset.done $0x0  }
0x38: {  	[sflag:s31] =	ssyncadd.s32 $0xFFFFFF80  }
0x39: {  	[spmem:s21] =	stream.linear.scatter [tilespmem:s0], [sflag:$0x3], $0x80, $0x38;
	[tilespmem:$0xA5F0] =	vst v63  }
0x3a: {  	_ =	swait.ge [sflag:s31], $0x80  }
0x3b: {  	[sflag:s31] =	ssyncset.done $0x0  }
0x3c: {  	[sflag:s31] =	ssyncadd.s32 $0xFFFFFF80  }
0x3d: {  	[spmem:s22] =	stream.linear.scatter [tilespmem:s0], [sflag:$0x3], $0x80, $0x38;
	[tilespmem:$0xA5F0] =	vst v63  }
0x3e: {  	_ =	swait.ge [sflag:s31], $0x80  }
0x3f: {  	[sflag:s31] =	ssyncset.done $0x0  }
0x40: {  	[sflag:s31] =	ssyncadd.s32 $0xFFFFFF80  }
0x41: {  	[spmem:s23] =	stream.linear.scatter [tilespmem:s0], [sflag:$0x3], $0x80, $0x38;
	[tilespmem:$0xA5F0] =	vst v63  }
0x42: {  	_ =	swait.ge [sflag:s31], $0x80  }
0x43: {  	[sflag:s31] =	ssyncset.done $0x0  }
0x44: {  	[sflag:s31] =	ssyncadd.s32 $0xFFFFFF80  }
0x45: {  	[spmem:s24] =	stream.linear.scatter [tilespmem:s0], [sflag:$0x3], $0x80, $0x38;
	[tilespmem:$0xA5F0] =	vst v63  }
0x46: {  	_ =	swait.ge [sflag:s31], $0x80  }
0x47: {  	[sflag:s31] =	ssyncset.done $0x0  }
0x48: {  	[sflag:s31] =	ssyncadd.s32 $0xFFFFFF80  }
0x49: {  	[spmem:s25] =	stream.linear.scatter [tilespmem:s0], [sflag:$0x3], $0x80, $0x38;
	[tilespmem:$0xA5F0] =	vst v63  }
0x4a: {  	_ =	swait.ge [sflag:s31], $0x80  }
0x4b: {  	[sflag:s31] =	ssyncset.done $0x0  }
0x4c: {  	[sflag:s31] =	ssyncadd.s32 $0xFFFFFF80  }
0x4d: {  	[spmem:s26] =	stream.linear.scatter [tilespmem:s0], [sflag:$0x3], $0x80, $0x38;
	[tilespmem:$0xA5F0] =	vst v63  }
0x4e: {  	_ =	swait.ge [sflag:s31], $0x80  }
0x4f: {  	[sflag:s31] =	ssyncset.done $0x0  }
0x50: {  	s10 =	simm.s32 @!p0 $0xA000;
	s11 =	simm.s32 @!p0 $0x3;
	[sflag:s31] =	ssyncadd.s32 $0xFFFFFF80  }
0x51: {  	[spmem:s28] =	stream.linear.scatter @!p0 [tilespmem:s10], [sflag:$0x3], $0x80, $0x38;
	[tilespmem:$0xA5F0] =	vst v63  }
0x52: {  	_ =	swait.ge @!p0 [sflag:s11], $0x80  }
0x53: {  	[sflag:s11] =	ssyncset.done @!p0 $0x0  }
0x54: {  	[sflag:s11] =	ssyncadd.s32 @!p0 $0xFFFFFF80  }
0x55: {  	[spmem:s29] =	stream.linear.scatter @!p0 [tilespmem:s10], [sflag:$0x3], $0x80, $0x38;
	[tilespmem:$0xA5F0] =	vst v63  }
0x56: {  	_ =	swait.ge @!p0 [sflag:s11], $0x80  }
0x57: {  	[sflag:s11] =	ssyncset.done @!p0 $0x0  }
0x58: {  	[sflag:s11] =	ssyncadd.s32 @!p0 $0xFFFFFF80  }
0x59: {  	[bflag:$0x0] =	sbarrier.arrive $0xFFFF  }
0x5a: {  	[spmem:s2] =	stream.indirect.scatter.add.f32 [tilespmem:s5], [sflag:$0x1], $0x1, s4, s6, $0xb8;
	[tilespmem:$0xA5F0] =	vst v63  }
0x5b: {  	_ = 	snop  }
0x5c: {  	[spmem:s3] =	stream.indirect.scatter.add.f32 [tilespmem:s5], [sflag:$0x2], $0x1, s1, s6, $0xb8;
	[tilespmem:$0xA5F0] =	vst v63  }
0x5d: {  	_ = 	snop  }
0x5e: {  	[spmem:s2] =	stream.indirect.scatter.add.f32 [tilespmem:s5], [sflag:$0x1], $0x1, s6, s6, $0xb8;
	[tilespmem:$0xA5F0] =	vst v63  }
0x5f: {  	s14 =	simm.s32 $0x5080  }
0x60: {  	[spmem:s3] =	stream.indirect.scatter.add.f32 [tilespmem:s5], [sflag:$0x2], $0x1, s14, s6, $0xb8;
	[tilespmem:$0xA5F0] =	vst v63  }
0x61: {  	s11 =	simm.s32 $0x100  }
0x62: {  	[spmem:s2] =	stream.indirect.scatter.add.f32 [tilespmem:s5], [sflag:$0x1], $0x1, s11, s6, $0xb8;
	[tilespmem:$0xA5F0] =	vst v63  }
0x63: {  	s12 =	simm.s32 $0x5100  }
0x64: {  	[spmem:s3] =	stream.indirect.scatter.add.f32 [tilespmem:s5], [sflag:$0x2], $0x1, s12, s6, $0xb8;
	[tilespmem:$0xA5F0] =	vst v63  }
0x65: {  	s13 =	simm.s32 $0x180  }
0x66: {  	[spmem:s2] =	stream.indirect.scatter.add.f32 [tilespmem:s5], [sflag:$0x1], $0x1, s13, s6, $0xb8;
	[tilespmem:$0xA5F0] =	vst v63  }
0x67: {  	s14 =	simm.s32 $0x5180  }
0x68: {  	[spmem:s3] =	stream.indirect.scatter.add.f32 [tilespmem:s5], [sflag:$0x2], $0x1, s14, s6, $0xb8;
	[tilespmem:$0xA5F0] =	vst v63  }
0x69: {  	s11 =	simm.s32 $0x200  }
0x6a: {  	[spmem:s2] =	stream.indirect.scatter.add.f32 [tilespmem:s5], [sflag:$0x1], $0x1, s11, s6, $0xb8;
	[tilespmem:$0xA5F0] =	vst v63  }
0x6b: {  	s12 =	simm.s32 $0x5200  }
0x6c: {  	[spmem:s3] =	stream.indirect.scatter.add.f32 [tilespmem:s5], [sflag:$0x2], $0x1, s12, s6, $0xb8;
	[tilespmem:$0xA5F0] =	vst v63  }
0x6d: {  	s13 =	simm.s32 $0x280  }
0x6e: {  	[spmem:s2] =	stream.indirect.scatter.add.f32 [tilespmem:s5], [sflag:$0x1], $0x1, s13, s6, $0xb8;
	[tilespmem:$0xA5F0] =	vst v63  }
0x6f: {  	s14 =	simm.s32 $0x5280  }
0x70: {  	[spmem:s3] =	stream.indirect.scatter.add.f32 [tilespmem:s5], [sflag:$0x2], $0x1, s14, s6, $0xb8;
	[tilespmem:$0xA5F0] =	vst v63  }
0x71: {  	s11 =	simm.s32 $0x300  }
0x72: {  	[spmem:s2] =	stream.indirect.scatter.add.f32 [tilespmem:s5], [sflag:$0x1], $0x1, s11, s6, $0xb8;
	[tilespmem:$0xA5F0] =	vst v63  }
0x73: {  	s12 =	simm.s32 $0x5300  }
0x74: {  	[spmem:s3] =	stream.indirect.scatter.add.f32 [tilespmem:s5], [sflag:$0x2], $0x1, s12, s6, $0xb8;
	[tilespmem:$0xA5F0] =	vst v63  }
0x75: {  	s13 =	simm.s32 $0x380  }
0x76: {  	[spmem:s2] =	stream.indirect.scatter.add.f32 [tilespmem:s5], [sflag:$0x1], $0x1, s13, s6, $0xb8;
	[tilespmem:$0xA5F0] =	vst v63  }
0x77: {  	s14 =	simm.s32 $0x5380  }
0x78: {  	[spmem:s3] =	stream.indirect.scatter.add.f32 [tilespmem:s5], [sflag:$0x2], $0x1, s14, s6, $0xb8;
	[tilespmem:$0xA5F0] =	vst v63  }
0x79: {  	_ =	swait.ge [sflag:s7], $0x80  }
0x7a: {  	[sflag:s7] =	ssyncset.done $0x0  }
0x7b: {  	[sflag:s7] =	ssyncadd.s32 $0xFFFFFF80  }
0x7c: {  	_ =	swait.ge [sflag:s8], $0x80  }
0x7d: {  	[sflag:s8] =	ssyncset.done $0x0  }
0x7e: {  	[sflag:s8] =	ssyncadd.s32 $0xFFFFFF80  }
0x7f: {  	_ =	swait.ge [sflag:s7], $0x80  }
0x80: {  	[sflag:s7] =	ssyncset.done $0x0  }
0x81: {  	[sflag:s7] =	ssyncadd.s32 $0xFFFFFF80  }
0x82: {  	_ =	swait.ge [sflag:s8], $0x80  }
0x83: {  	[sflag:s8] =	ssyncset.done $0x0  }
0x84: {  	[sflag:s8] =	ssyncadd.s32 $0xFFFFFF80  }
0x85: {  	_ =	swait.ge [sflag:s7], $0x80  }
0x86: {  	[sflag:s7] =	ssyncset.done $0x0  }
0x87: {  	[sflag:s7] =	ssyncadd.s32 $0xFFFFFF80  }
0x88: {  	_ =	swait.ge [sflag:s8], $0x80  }
0x89: {  	[sflag:s8] =	ssyncset.done $0x0  }
0x8a: {  	[sflag:s8] =	ssyncadd.s32 $0xFFFFFF80  }
0x8b: {  	_ =	swait.ge [sflag:s7], $0x80  }
0x8c: {  	[sflag:s7] =	ssyncset.done $0x0  }
0x8d: {  	[sflag:s7] =	ssyncadd.s32 $0xFFFFFF80  }
0x8e: {  	_ =	swait.ge [sflag:s8], $0x80  }
0x8f: {  	s10 =	simm.s32 $0x1000;
	s12 =	simm.s32 $0x200;
	[sflag:s8] =	ssyncset.done $0x0  }
.LBB2_2:
0x90: {  	s14 =	sadd.s32 $0x200, s12  }
0x91: {  	[sflag:s8] =	ssyncadd.s32 $0xFFFFFF80;
	s11 =	smov.u32 s10;
	s13 =	sadd.s32 $0x800, s10  }
0x92: {  	[spmem:s2] =	stream.indirect.scatter.add.f32 [tilespmem:s5], [sflag:$0x1], $0x1, s14, s6, $0xb8;
	[tilespmem:$0xA5F0] =	vst v63  }
0x93: {  	p1 =	sne.s32 s10, $0x13000;
	s10 =	sadd.s32 $0x5200, s12  }
0x94: {  	[spmem:s3] =	stream.indirect.scatter.add.f32 [tilespmem:s5], [sflag:$0x2], $0x1, s10, s6, $0xb8;
	[tilespmem:$0xA5F0] =	vst v63  }
0x95: {  	s10 =	sadd.s32 $0x280, s12  }
0x96: {  	[spmem:s2] =	stream.indirect.scatter.add.f32 [tilespmem:s5], [sflag:$0x1], $0x1, s10, s6, $0xb8;
	[tilespmem:$0xA5F0] =	vst v63  }
0x97: {  	s10 =	sadd.s32 $0x5280, s12  }
0x98: {  	[spmem:s3] =	stream.indirect.scatter.add.f32 [tilespmem:s5], [sflag:$0x2], $0x1, s10, s6, $0xb8;
	[tilespmem:$0xA5F0] =	vst v63  }
0x99: {  	s10 =	sadd.s32 $0x300, s12  }
0x9a: {  	[spmem:s2] =	stream.indirect.scatter.add.f32 [tilespmem:s5], [sflag:$0x1], $0x1, s10, s6, $0xb8;
	[tilespmem:$0xA5F0] =	vst v63  }
0x9b: {  	s10 =	sadd.s32 $0x5300, s12  }
0x9c: {  	[spmem:s3] =	stream.indirect.scatter.add.f32 [tilespmem:s5], [sflag:$0x2], $0x1, s10, s6, $0xb8;
	[tilespmem:$0xA5F0] =	vst v63  }
0x9d: {  	s10 =	sadd.s32 $0x380, s12  }
0x9e: {  	[spmem:s2] =	stream.indirect.scatter.add.f32 [tilespmem:s5], [sflag:$0x1], $0x1, s10, s6, $0xb8;
	[tilespmem:$0xA5F0] =	vst v63  }
0x9f: {  	s10 =	sadd.s32 $0x5380, s12  }
0xa0: {  	[spmem:s3] =	stream.indirect.scatter.add.f32 [tilespmem:s5], [sflag:$0x2], $0x1, s10, s6, $0xb8;
	[tilespmem:$0xA5F0] =	vst v63  }
0xa1: {  	_ =	swait.ge [sflag:s7], $0x80  }
0xa2: {  	[sflag:s7] =	ssyncset.done $0x0  }
0xa3: {  	[sflag:s7] =	ssyncadd.s32 $0xFFFFFF80  }
0xa4: {  	_ =	swait.ge [sflag:s8], $0x80  }
0xa5: {  	[sflag:s8] =	ssyncset.done $0x0  }
0xa6: {  	[sflag:s8] =	ssyncadd.s32 $0xFFFFFF80  }
0xa7: {  	_ =	swait.ge [sflag:s7], $0x80  }
0xa8: {  	[sflag:s7] =	ssyncset.done $0x0  }
0xa9: {  	[sflag:s7] =	ssyncadd.s32 $0xFFFFFF80  }
0xaa: {  	_ =	swait.ge [sflag:s8], $0x80  }
0xab: {  	[sflag:s8] =	ssyncset.done $0x0  }
0xac: {  	[sflag:s8] =	ssyncadd.s32 $0xFFFFFF80  }
0xad: {  	_ =	swait.ge [sflag:s7], $0x80  }
0xae: {  	[sflag:s7] =	ssyncset.done $0x0  }
0xaf: {  	[sflag:s7] =	ssyncadd.s32 $0xFFFFFF80  }
0xb0: {  	_ =	swait.ge [sflag:s8], $0x80  }
0xb1: {  	[sflag:s8] =	ssyncset.done $0x0  }
0xb2: {  	[sflag:s8] =	ssyncadd.s32 $0xFFFFFF80  }
.Ltmp0:
0xb3: {  	_ =	swait.ge [sflag:s7], $0x80;
	(pc) =	sbr.rel @p1 .LBB2_2-.Ltmp0, $4  }
0xb4: {  	[sflag:s7] =	ssyncset.done $0x0  }
0xb5: {  	[sflag:s7] =	ssyncadd.s32 $0xFFFFFF80  }
0xb6: {  	_ =	swait.ge [sflag:s8], $0x80  }
0xb7: {  	s12 =	sshra.s32 s11, $0x2;
	s10 =	smov.u32 s13;
	[sflag:s8] =	ssyncset.done $0x0  }
0xb8: {  	s10 =	sadd.s32 $0x200, s12;
	[sflag:s8] =	ssyncadd.s32 $0xFFFFFF80  }
0xb9: {  	[spmem:s2] =	stream.indirect.scatter.add.f32 [tilespmem:s5], [sflag:$0x1], $0x1, s10, s6, $0xb8;
	[tilespmem:$0xA5F0] =	vst v63  }
0xba: {  	s13 =	sadd.s32 $0x5200, s12  }
0xbb: {  	[spmem:s3] =	stream.indirect.scatter.add.f32 [tilespmem:s5], [sflag:$0x2], $0x1, s13, s6, $0xb8;
	[tilespmem:$0xA5F0] =	vst v63  }
0xbc: {  	s14 =	sadd.s32 $0x280, s12  }
0xbd: {  	[spmem:s2] =	stream.indirect.scatter.add.f32 [tilespmem:s5], [sflag:$0x1], $0x1, s14, s6, $0xb8;
	[tilespmem:$0xA5F0] =	vst v63  }
0xbe: {  	s11 =	sadd.s32 $0x5280, s12  }
0xbf: {  	[spmem:s3] =	stream.indirect.scatter.add.f32 [tilespmem:s5], [sflag:$0x2], $0x1, s11, s6, $0xb8;
	[tilespmem:$0xA5F0] =	vst v63  }
0xc0: {  	s13 =	sadd.s32 $0x300, s12  }
0xc1: {  	[spmem:s2] =	stream.indirect.scatter.add.f32 [tilespmem:s5], [sflag:$0x1], $0x1, s13, s6, $0xb8;
	[tilespmem:$0xA5F0] =	vst v63  }
0xc2: {  	s14 =	sadd.s32 $0x5300, s12  }
0xc3: {  	[spmem:s3] =	stream.indirect.scatter.add.f32 [tilespmem:s5], [sflag:$0x2], $0x1, s14, s6, $0xb8;
	[tilespmem:$0xA5F0] =	vst v63  }
0xc4: {  	s11 =	sadd.s32 $0x380, s12  }
0xc5: {  	[spmem:s2] =	stream.indirect.scatter.add.f32 [tilespmem:s5], [sflag:$0x1], $0x1, s11, s6, $0xb8;
	[tilespmem:$0xA5F0] =	vst v63  }
0xc6: {  	s12 =	sadd.s32 $0x5380, s12  }
0xc7: {  	[spmem:s3] =	stream.indirect.scatter.add.f32 [tilespmem:s5], [sflag:$0x2], $0x1, s12, s6, $0xb8;
	[tilespmem:$0xA5F0] =	vst v63  }
0xc8: {  	_ =	swait.ge [sflag:s7], $0x80  }
0xc9: {  	[sflag:s7] =	ssyncset.done $0x0  }
0xca: {  	[sflag:s7] =	ssyncadd.s32 $0xFFFFFF80  }
0xcb: {  	_ =	swait.ge [sflag:s8], $0x80  }
0xcc: {  	[sflag:s8] =	ssyncset.done $0x0  }
0xcd: {  	[sflag:s8] =	ssyncadd.s32 $0xFFFFFF80  }
0xce: {  	_ =	swait.ge [sflag:s7], $0x80  }
0xcf: {  	[sflag:s7] =	ssyncset.done $0x0  }
0xd0: {  	[sflag:s7] =	ssyncadd.s32 $0xFFFFFF80  }
0xd1: {  	_ =	swait.ge [sflag:s8], $0x80  }
0xd2: {  	[sflag:s8] =	ssyncset.done $0x0  }
0xd3: {  	[sflag:s8] =	ssyncadd.s32 $0xFFFFFF80  }
0xd4: {  	_ =	swait.ge [sflag:s7], $0x80  }
0xd5: {  	[sflag:s7] =	ssyncset.done $0x0  }
0xd6: {  	[sflag:s7] =	ssyncadd.s32 $0xFFFFFF80  }
0xd7: {  	_ =	swait.ge [sflag:s8], $0x80  }
0xd8: {  	[sflag:s8] =	ssyncset.done $0x0  }
0xd9: {  	[sflag:s8] =	ssyncadd.s32 $0xFFFFFF80  }
0xda: {  	_ =	swait.ge [sflag:s7], $0x80  }
0xdb: {  	[sflag:s7] =	ssyncset.done $0x0  }
0xdc: {  	[sflag:s7] =	ssyncadd.s32 $0xFFFFFF80  }
0xdd: {  	_ =	swait.ge [sflag:s8], $0x80  }
0xde: {  	[sflag:s8] =	ssyncset.done $0x0  }
0xdf: {  	[sflag:s8] =	ssyncadd.s32 $0xFFFFFF80  }
0xe0: {  	_ =	swait.ge [sflag:s7], $0x80  }
0xe1: {  	[sflag:s7] =	ssyncset.done $0x0  }
0xe2: {  	[sflag:s7] =	ssyncadd.s32 $0xFFFFFF80  }
0xe3: {  	_ =	swait.ge [sflag:s8], $0x80  }
0xe4: {  	[sflag:s8] =	ssyncset.done $0x0  }
0xe5: {  	[sflag:s8] =	ssyncadd.s32 $0xFFFFFF80  }
0xe6: {  	_ =	swait.ge [sflag:s7], $0x80  }
0xe7: {  	[sflag:s7] =	ssyncset.done $0x0  }
0xe8: {  	[sflag:s7] =	ssyncadd.s32 $0xFFFFFF80  }
0xe9: {  	_ =	swait.ge [sflag:s8], $0x80  }
0xea: {  	[sflag:s8] =	ssyncset.done $0x0  }
0xeb: {  	[sflag:s8] =	ssyncadd.s32 $0xFFFFFF80  }
0xec: {  	_ =	swait.ge [sflag:s7], $0x80  }
0xed: {  	[sflag:s7] =	ssyncset.done $0x0  }
0xee: {  	[sflag:s7] =	ssyncadd.s32 $0xFFFFFF80  }
0xef: {  	_ =	swait.ge [sflag:s8], $0x80  }
0xf0: {  	[sflag:s8] =	ssyncset.done $0x0  }
0xf1: {  	[sflag:s8] =	ssyncadd.s32 $0xFFFFFF80  }
0xf2: {  	_ =	swait.ge [sflag:s7], $0x80  }
0xf3: {  	[sflag:s7] =	ssyncset.done $0x0  }
0xf4: {  	[sflag:s7] =	ssyncadd.s32 $0xFFFFFF80  }
0xf5: {  	_ =	swait.ge [sflag:s8], $0x80  }
0xf6: {  	[sflag:s8] =	ssyncset.done $0x0  }
0xf7: {  	[sflag:s8] =	ssyncadd.s32 $0xFFFFFF80  }
0xf8: {  	[bflag:$0x0] =	sbarrier.arrive $0xFFFF  }
0xf9: {  	[tilespmem:s0], [sflag:$0x3] =	stream.linear.gather [spmem:s19], $0x80, $0x38;
	[tilespmem:$0xA5F0] =	vst v63  }
0xfa: {  	_ =	swait.ge [sflag:s31], $0x80  }
0xfb: {  	[sflag:s31] =	ssyncset.done $0x0  }
0xfc: {  	s13 =	rddreg [dreg:$0x9];
	[sflag:s31] =	ssyncadd.s32 $0xFFFFFF80  }
0xfd: {  	[hbm4b:s13+s4] =	stream.linear.scatter [tilespmem:s0], [sflag:$0x3], $0x80, $0x38;
	[tilespmem:$0xA5F0] =	vst v63  }
0xfe: {  	_ =	swait.ge [sflag:s31], $0x80  }
0xff: {  	[sflag:s31] =	ssyncset.done $0x0  }
0x100: {  	[sflag:s31] =	ssyncadd.s32 $0xFFFFFF80  }
0x101: {  	[tilespmem:s0], [sflag:$0x3] =	stream.linear.gather [spmem:s20], $0x80, $0x38;
	[tilespmem:$0xA5F0] =	vst v63  }
0x102: {  	_ =	swait.ge [sflag:s31], $0x80  }
0x103: {  	[sflag:s31] =	ssyncset.done $0x0  }
0x104: {  	s14 =	rddreg [dreg:$0xa];
	[sflag:s31] =	ssyncadd.s32 $0xFFFFFF80  }
0x105: {  	[hbm4b:s14+s4] =	stream.linear.scatter [tilespmem:s0], [sflag:$0x3], $0x80, $0x38;
	[tilespmem:$0xA5F0] =	vst v63  }
0x106: {  	_ =	swait.ge [sflag:s31], $0x80  }
0x107: {  	[sflag:s31] =	ssyncset.done $0x0  }
0x108: {  	[sflag:s31] =	ssyncadd.s32 $0xFFFFFF80  }
0x109: {  	[tilespmem:s0], [sflag:$0x3] =	stream.linear.gather [spmem:s21], $0x80, $0x38;
	[tilespmem:$0xA5F0] =	vst v63  }
0x10a: {  	_ =	swait.ge [sflag:s31], $0x80  }
0x10b: {  	[sflag:s31] =	ssyncset.done $0x0  }
0x10c: {  	s11 =	rddreg [dreg:$0xb];
	[sflag:s31] =	ssyncadd.s32 $0xFFFFFF80  }
0x10d: {  	[hbm4b:s11+s4] =	stream.linear.scatter [tilespmem:s0], [sflag:$0x3], $0x80, $0x38;
	[tilespmem:$0xA5F0] =	vst v63  }
0x10e: {  	_ =	swait.ge [sflag:s31], $0x80  }
0x10f: {  	[sflag:s31] =	ssyncset.done $0x0  }
0x110: {  	[sflag:s31] =	ssyncadd.s32 $0xFFFFFF80  }
0x111: {  	[tilespmem:s0], [sflag:$0x3] =	stream.linear.gather [spmem:s22], $0x80, $0x38;
	[tilespmem:$0xA5F0] =	vst v63  }
0x112: {  	_ =	swait.ge [sflag:s31], $0x80  }
0x113: {  	[sflag:s31] =	ssyncset.done $0x0  }
0x114: {  	s12 =	rddreg [dreg:$0xc];
	[sflag:s31] =	ssyncadd.s32 $0xFFFFFF80  }
0x115: {  	[hbm4b:s12+s4] =	stream.linear.scatter [tilespmem:s0], [sflag:$0x3], $0x80, $0x38;
	[tilespmem:$0xA5F0] =	vst v63  }
0x116: {  	_ =	swait.ge [sflag:s31], $0x80  }
0x117: {  	[sflag:s31] =	ssyncset.done $0x0  }
0x118: {  	[sflag:s31] =	ssyncadd.s32 $0xFFFFFF80  }
0x119: {  	[tilespmem:s0], [sflag:$0x3] =	stream.linear.gather [spmem:s23], $0x80, $0x38;
	[tilespmem:$0xA5F0] =	vst v63  }
0x11a: {  	_ =	swait.ge [sflag:s31], $0x80  }
0x11b: {  	[sflag:s31] =	ssyncset.done $0x0  }
0x11c: {  	s13 =	rddreg [dreg:$0xd];
	[sflag:s31] =	ssyncadd.s32 $0xFFFFFF80  }
0x11d: {  	[hbm4b:s13+s4] =	stream.linear.scatter [tilespmem:s0], [sflag:$0x3], $0x80, $0x38;
	[tilespmem:$0xA5F0] =	vst v63  }
0x11e: {  	_ =	swait.ge [sflag:s31], $0x80  }
0x11f: {  	[sflag:s31] =	ssyncset.done $0x0  }
0x120: {  	[sflag:s31] =	ssyncadd.s32 $0xFFFFFF80  }
0x121: {  	[tilespmem:s0], [sflag:$0x3] =	stream.linear.gather [spmem:s24], $0x80, $0x38;
	[tilespmem:$0xA5F0] =	vst v63  }
0x122: {  	_ =	swait.ge [sflag:s31], $0x80  }
0x123: {  	[sflag:s31] =	ssyncset.done $0x0  }
0x124: {  	s14 =	rddreg [dreg:$0xe];
	[sflag:s31] =	ssyncadd.s32 $0xFFFFFF80  }
0x125: {  	[hbm4b:s14+s4] =	stream.linear.scatter [tilespmem:s0], [sflag:$0x3], $0x80, $0x38;
	[tilespmem:$0xA5F0] =	vst v63  }
0x126: {  	_ =	swait.ge [sflag:s31], $0x80  }
0x127: {  	[sflag:s31] =	ssyncset.done $0x0  }
0x128: {  	[sflag:s31] =	ssyncadd.s32 $0xFFFFFF80  }
0x129: {  	[tilespmem:s0], [sflag:$0x3] =	stream.linear.gather [spmem:s25], $0x80, $0x38;
	[tilespmem:$0xA5F0] =	vst v63  }
0x12a: {  	_ =	swait.ge [sflag:s31], $0x80  }
0x12b: {  	[sflag:s31] =	ssyncset.done $0x0  }
0x12c: {  	[sflag:s31] =	ssyncadd.s32 $0xFFFFFF80  }
0x12d: {  	[hbm4b:s15+s4] =	stream.linear.scatter [tilespmem:s0], [sflag:$0x3], $0x80, $0x38;
	[tilespmem:$0xA5F0] =	vst v63  }
0x12e: {  	_ =	swait.ge [sflag:s31], $0x80  }
0x12f: {  	[sflag:s31] =	ssyncset.done $0x0  }
0x130: {  	[sflag:s31] =	ssyncadd.s32 $0xFFFFFF80  }
0x131: {  	[tilespmem:s0], [sflag:$0x3] =	stream.linear.gather [spmem:s26], $0x80, $0x38;
	[tilespmem:$0xA5F0] =	vst v63  }
0x132: {  	_ =	swait.ge [sflag:s31], $0x80  }
0x133: {  	[sflag:s31] =	ssyncset.done $0x0  }
0x134: {  	[sflag:s31] =	ssyncadd.s32 $0xFFFFFF80  }
0x135: {  	[hbm4b:s16+s4] =	stream.linear.scatter [tilespmem:s0], [sflag:$0x3], $0x80, $0x38;
	[tilespmem:$0xA5F0] =	vst v63  }
0x136: {  	_ =	swait.ge [sflag:s31], $0x80  }
0x137: {  	[sflag:s31] =	ssyncset.done $0x0  }
0x138: {  	s10 =	simm.s32 @!p0 $0xA000;
	s11 =	simm.s32 @!p0 $0x3;
	[sflag:s31] =	ssyncadd.s32 $0xFFFFFF80  }
0x139: {  	[tilespmem:s10], [sflag:$0x3] =	stream.linear.gather @!p0 [spmem:s28], $0x80, $0x38;
	[tilespmem:$0xA5F0] =	vst v63  }
0x13a: {  	_ =	swait.ge @!p0 [sflag:s11], $0x80  }
0x13b: {  	[sflag:s11] =	ssyncset.done @!p0 $0x0  }
0x13c: {  	s12 =	simm.s32 @!p0 $0x0;
	[sflag:s11] =	ssyncadd.s32 @!p0 $0xFFFFFF80  }
0x13d: {  	[hbm4b:s17+s12] =	stream.linear.scatter @!p0 [tilespmem:s10], [sflag:$0x3], $0x80, $0x38;
	[tilespmem:$0xA5F0] =	vst v63  }
0x13e: {  	_ =	swait.ge @!p0 [sflag:s11], $0x80  }
0x13f: {  	[sflag:s11] =	ssyncset.done @!p0 $0x0  }
0x140: {  	[sflag:s11] =	ssyncadd.s32 @!p0 $0xFFFFFF80  }
0x141: {  	[tilespmem:s10], [sflag:$0x3] =	stream.linear.gather @!p0 [spmem:s29], $0x80, $0x38;
	[tilespmem:$0xA5F0] =	vst v63  }
0x142: {  	s9 =	sadd.s32 $0x1, s9;
	_ =	swait.ge @!p0 [sflag:s11], $0x80  }
0x143: {  	p1 =	sne.s32 s9, s30;
	[sflag:s11] =	ssyncset.done @!p0 $0x0  }
.Ltmp1:
0x144: {  	[sflag:s11] =	ssyncadd.s32 @!p0 $0xFFFFFF80;
	(pc) =	sbr.rel @p1 .LBB2_1-.Ltmp1, $4  }
0x145: {  	[hbm4b:s18+s12] =	stream.linear.scatter @!p0 [tilespmem:s10], [sflag:$0x3], $0x80, $0x38;
	[tilespmem:$0xA5F0] =	vst v63  }
0x146: {  	_ =	swait.ge @!p0 [sflag:s11], $0x80  }
0x147: {  	[sflag:s11] =	ssyncset.done @!p0 $0x0  }
0x148: {  	[sflag:s11] =	ssyncadd.s32 @!p0 $0xFFFFFF80  }
0x149: {  	_ =	sfence.sel $0x180000  }
0x14a: {  	[bflag:$0x0] =	sbarrier.arrive $0xFFFF  }
0x14b: {  	_ =	strace $0x90000047  }
0x14c: {  	s0 =	stileid.u32;
	[bflag:$0x2] =	sbarrier.arrive $0xFFFF  }
0x14d: {  	p0 =	sne.s32 s0, $0x0;
	s0 =	rddreg [dreg:$0x4]  }
0x14e: {  	s0 =	sadd.s32 @!p0 $0x100000, s0  }
0x14f: {  	[sflag:s0] =	ssyncadd.tile.s32 @!p0 $0x1;
	_ =	shalt  }
.Lfunc_end2:
_tile_overlayer_lowered:
.L_overlay_start_2:
0x150: {  	(tag) =	ssettag $0x2  }
0x151: {  	s0 =	rddreg [dreg:$0x0];
	s2 =	stileid.u32  }
0x152: {  	s1 =	rddreg [dreg:$0x1];
	p0 =	sne.s32 s2, $0x0  }
0x153: {  	s3 =	rddreg [dreg:$0x2];
	[bflag:$0x3] =	sbarrier.arrive $0xFFFF;
	s2 =	simm.s32 @!p0 $0x1C03  }
0x154: {  	[timem:s3], [sflag:s2] =	dma.local @!p0 [hbm:s0], s1  }
0x155: {  	s0 =	simm.s32 @!p0 $0x3  }
0x156: {  	_ =	swait.ge @!p0 [sflag:s0], s1  }
0x157: {  	s1 =	ssub.s32 @!p0 $0x0, s1;
	[sflag:s0] =	ssyncset.done @!p0 $0x0  }
0x158: {  	[sflag:s0] =	ssyncadd.s32 @!p0 s1  }
0x159: {  	[bflag:$0x3] =	sbarrier.arrive $0xFFFF  }
0x15a: {  	_ =	shalt  }

</sc_bundles>
